<compile_context>
chip_gen: v7x
topology: tpu7x:2x2x1
jax: 0.10.2.dev20260603
libtpu: 0.0.44.dev20260713+nightly
codegen_flags: <defaults>
</compile_context>

<pallas_src>
import functools
import numpy as np
import jax
import jax.numpy as jnp
from jax import lax
from jax.experimental import pallas as pl
from jax.experimental.pallas import tpu as pltpu
from jax.experimental.pallas import tpu_sc as plsc

_ANCHORS = np.array([[30.0, 61.0], [62.0, 45.0], [59.0, 119.0]], np.float32)
_NCLS = 80
_STRIDE = 16
_B, _NA, _H, _W = 16, 3, 40, 40
_NO = 5 + _NCLS
_NROW = _B * _NA * _H * _W
_NELEM = _NROW * _NO
_NT = 256

_BLKR = 19200


_LOG2E = 1.4426950408889634
_LN2 = 0.6931471805599453


def _dense_kernel(x_ref, part_ref, out_ref, acc_ref):
    i = pl.program_id(0)
    n = pl.num_programs(0)

    @pl.when(i == 0)
    def _():
        acc_ref[...] = jnp.zeros_like(acc_ref)

    x = x_ref[...]
    y = 1.0 + jnp.exp2(x * _LOG2E)
    h = _BLKR // 2
    y = y[:h] * y[h:]
    y = y[: h // 2] * y[h // 2:]
    y = y[: h // 4] * y[h // 4:]
    l2 = jnp.log2(y)
    acc_ref[...] += jnp.sum(l2, axis=0, keepdims=True)

    @pl.when(i == n - 1)
    def _():
        lane = jax.lax.broadcasted_iota(jnp.int32, (1, _NO), 1)
        sp = acc_ref[...] * _LN2
        s_obj = jnp.sum(jnp.where(lane == 4, sp, 0.0))
        s_cls = jnp.sum(jnp.where(lane >= 5, sp, 0.0))
        psum = jnp.sum(part_ref[...], axis=0, keepdims=True)
        plane = jax.lax.broadcasted_iota(jnp.int32, (1, 16), 1)

        def pick(k):
            return jnp.sum(jnp.where(plane == k, psum, 0.0))

        lbox, lwh, cobj, ccls, npos = (pick(0), pick(1), pick(2),
                                       pick(3), pick(4))
        denom = jnp.maximum(npos * 2.0, 1.0)
        l_box = jnp.where(npos > 0, lbox / denom, 0.0)
        l_wh = jnp.where(npos > 0, lwh / denom, 0.0)
        l_obj = (s_obj - cobj) / float(_NROW)
        l_cls = (s_cls - ccls) / float(_NROW * _NCLS)
        out_ref[0] = l_box + l_wh + l_obj + l_cls


def _dense_loss(x85, part):
    grid = _NROW // _BLKR
    return pl.pallas_call(
        _dense_kernel,
        grid=(grid,),
        in_specs=[
            pl.BlockSpec((_BLKR, _NO), lambda i: (i, 0)),
            pl.BlockSpec((32, 16), lambda i: (0, 0)),
        ],
        out_specs=pl.BlockSpec(memory_space=pltpu.SMEM),
        out_shape=jax.ShapeDtypeStruct((1,), jnp.float32),
        scratch_shapes=[pltpu.VMEM((1, _NO), jnp.float32)],
        compiler_params=pltpu.CompilerParams(
            dimension_semantics=("arbitrary",)),
    )(x85, part)


def _prologue_kernel(t_ref, info_ref):
    tb = t_ref[:, 0:1]
    tc = t_ref[:, 1:2]
    gx = t_ref[:, 2:3] * float(_W)
    gy = t_ref[:, 3:4] * float(_H)
    tw_in = t_ref[:, 4:5]
    th_in = t_ref[:, 5:6]
    b = tb.astype(jnp.int32)
    cls = tc.astype(jnp.int32)
    gi = gx.astype(jnp.int32)
    gj = gy.astype(jnp.int32)
    fx = gx - gi.astype(jnp.float32)
    fy = gy - gj.astype(jnp.float32)
    gw = tw_in * float(_W * _STRIDE) / float(_STRIDE)
    gh = th_in * float(_H * _STRIDE) / float(_STRIDE)

    best = jnp.zeros_like(b)
    bm = None
    for a in range(3):
        aw = float(_ANCHORS[a, 0] / _STRIDE)
        ah = float(_ANCHORS[a, 1] / _STRIDE)
        r = jnp.maximum(jnp.maximum(gw / aw, aw / (gw + 1e-9)),
                        jnp.maximum(gh / ah, ah / (gh + 1e-9)))
        if bm is None:
            bm = r
        else:
            best = jnp.where(r < bm, a, best)
            bm = jnp.minimum(bm, r)

    aw_best = jnp.where(best == 0, float(_ANCHORS[0, 0]),
                        jnp.where(best == 1, float(_ANCHORS[1, 0]),
                                  float(_ANCHORS[2, 0])))
    ah_best = jnp.where(best == 0, float(_ANCHORS[0, 1]),
                        jnp.where(best == 1, float(_ANCHORS[1, 1]),
                                  float(_ANCHORS[2, 1])))
    twh_w = jnp.log(tw_in * float(_W * _STRIDE) / aw_best + 1e-16)
    twh_h = jnp.log(th_in * float(_H * _STRIDE) / ah_best + 1e-16)

    valid = (gj < _H) & (gi < _W)
    row = ((b * _NA + best) * _H + gj) * _W + gi

    iota_r = jax.lax.broadcasted_iota(jnp.int32, (_NT, _NT), 0)
    iota_c = jax.lax.broadcasted_iota(jnp.int32, (_NT, _NT), 1)
    own = jax.lax.broadcasted_iota(jnp.int32, (_NT, 1), 0)
    key = jnp.where(valid, row + _NT, own)
    eye = (iota_r == iota_c).astype(jnp.float32)
    ones = jnp.ones((_NT, _NT), jnp.float32)
    same = None
    for shift in (0, 6, 12):
        part = ((key >> shift) & 63).astype(jnp.float32)
        part_col = jnp.dot(ones, eye * part,
                           preferred_element_type=jnp.float32)
        eq = part_col == part
        same = eq if same is None else (same & eq)
    later_same = same & (iota_c > iota_r)
    shadowed = jnp.any(later_same, axis=1, keepdims=True)
    win = (valid & jnp.logical_not(shadowed)).astype(jnp.float32)

    info_ref[:, 0:1] = fx
    info_ref[:, 1:2] = fy
    info_ref[:, 2:3] = twh_w
    info_ref[:, 3:4] = twh_h
    info_ref[:, 4:5] = win
    info_ref[:, 5:6] = row.astype(jnp.float32)
    info_ref[:, 6:7] = cls.astype(jnp.float32)
    info_ref[:, 7:8] = jnp.zeros_like(fx)


def _prologue(targets):
    return pl.pallas_call(
        _prologue_kernel,
        out_shape=jax.ShapeDtypeStruct((_NT, 8), jnp.float32),
    )(targets)


def _smooth_l1(x, y):
    d = x - y
    ad = jnp.abs(d)
    return jnp.where(ad < 1.0, 0.5 * d * d, ad - 0.5)


_NTP = 512


def _sc_sparse_body(x85, tinfo_hbm, out_hbm, tiv, rv, ov, sem):
    c = lax.axis_index("c")
    s = lax.axis_index("s")
    wid = s * 2 + c
    o = wid * 16
    tcopies = [pltpu.make_async_copy(tinfo_hbm.at[k], tiv.at[k], sem)
               for k in range(8)]
    for cp in tcopies:
        cp.start()
    for cp in tcopies:
        cp.wait()
    iota = lax.iota(jnp.int32, 16)
    rvec = tiv[5, pl.ds(o, 16)].astype(jnp.int32)
    clsv = tiv[6, pl.ds(o, 16)].astype(jnp.int32)
    copies = []
    for t in range(16):
        rt = jnp.sum(jnp.where(iota == t, rvec, 0))
        copies.append(pltpu.make_async_copy(x85.at[rt], rv.at[t], sem))
    for cp in copies:
        cp.start()
    for cp in copies:
        cp.wait()

    def col(cidx):
        return plsc.load_gather(rv, [iota, cidx])

    px = col(jnp.zeros((16,), jnp.int32))
    py = col(jnp.full((16,), 1, jnp.int32))
    pw = col(jnp.full((16,), 2, jnp.int32))
    ph = col(jnp.full((16,), 3, jnp.int32))
    pobj = col(jnp.full((16,), 4, jnp.int32))
    pcls = col(clsv + 5)

    m = tiv[4, pl.ds(o, 16)]
    sigx = 1.0 / (1.0 + jnp.exp(-px))
    sigy = 1.0 / (1.0 + jnp.exp(-py))
    lbox = jnp.sum(m * (_smooth_l1(sigx, tiv[0, pl.ds(o, 16)])
                        + _smooth_l1(sigy, tiv[1, pl.ds(o, 16)])))
    lwh = jnp.sum(m * (_smooth_l1(pw, tiv[2, pl.ds(o, 16)])
                       + _smooth_l1(ph, tiv[3, pl.ds(o, 16)])))
    cobj = jnp.sum(m * pobj)
    ccls = jnp.sum(m * pcls)
    npos = jnp.sum(m)

    fiota = iota
    ov[...] = (jnp.where(fiota == 0, lbox, 0.0)
               + jnp.where(fiota == 1, lwh, 0.0)
               + jnp.where(fiota == 2, cobj, 0.0)
               + jnp.where(fiota == 3, ccls, 0.0)
               + jnp.where(fiota == 4, npos, 0.0))
    pltpu.sync_copy(ov, out_hbm.at[wid])


_sc_sparse = functools.partial(
    pl.kernel,
    out_type=jax.ShapeDtypeStruct((32, 16), jnp.float32),
    mesh=plsc.VectorSubcoreMesh(core_axis_name="c", subcore_axis_name="s"),
    compiler_params=pltpu.CompilerParams(needs_layout_passes=False),
    scratch_types=[
        pltpu.VMEM((8, _NTP), jnp.float32),
        pltpu.VMEM((16, _NO), jnp.float32),
        pltpu.VMEM((16,), jnp.float32),
        pltpu.SemaphoreType.DMA,
    ],
)(_sc_sparse_body)


def kernel(raw_pred, targets):
    x85 = raw_pred.reshape(_NROW, _NO)
    info = _prologue(targets)
    pad_t = _NTP - _NT
    tinfo = jnp.concatenate(
        [info.T, jnp.zeros((8, pad_t), jnp.float32)], axis=1)
    part = _sc_sparse(x85, tinfo)
    loss = _dense_loss(x85, part)
    return loss[0]

# --- scband reference (transcript-rebuilt; emitter-appended) ---
"""Pipeline reference for scband-yolo-loss-14130442404249 (READ-ONLY COPY).

The authoritative reference and input builder live on the scoring server;
editing this copy changes nothing except your own understanding.
"""

import jax, jax.numpy as jnp
import numpy as np

ANCHORS = jnp.array([[30.0, 61.0], [62.0, 45.0], [59.0, 119.0]], dtype=jnp.float32)
NUM_CLASSES = 80
STRIDE = 16


def setup_inputs(seed: int = 0) -> dict:
    key = jax.random.key(seed)
    k1, k2 = jax.random.split(key)
    raw_pred = jax.random.normal(k1, (16, 3, 40, 40, 85), dtype=jnp.float32)
    targets = jax.random.uniform(k2, (256, 6), dtype=jnp.float32)
    return {"raw_pred": raw_pred, "targets": targets}


def _smooth_l1(x, y):
    d = x - y
    ad = jnp.abs(d)
    return jnp.where(ad < 1.0, 0.5 * d * d, ad - 0.5)


def _bce_logits(p, t):
    return jnp.maximum(p, 0.0) - p * t + jnp.log1p(jnp.exp(-jnp.abs(p)))


def _build_targets(targets, anchors, stride, feat_h, feat_w, num_classes, batch_size):
    nA = anchors.shape[0]
    tbox = jnp.zeros((batch_size, nA, feat_h, feat_w, 4), dtype=jnp.float32)
    tconf = jnp.zeros((batch_size, nA, feat_h, feat_w, 1), dtype=jnp.float32)
    tcls = jnp.zeros((batch_size, nA, feat_h, feat_w, num_classes), dtype=jnp.float32)
    wh_scale = jnp.array([feat_w * stride, feat_h * stride], dtype=jnp.float32)
    gxy = targets[:, 2:4] * jnp.array([feat_w, feat_h], dtype=jnp.float32)
    gwh = targets[:, 4:6] * wh_scale / stride
    gij = gxy.astype(jnp.int32)
    gi = gij[:, 0]
    gj = gij[:, 1]
    anchor_wh = anchors / stride
    ratios = gwh[:, None, :] / anchor_wh[None]
    inv_ratios = anchor_wh[None] / (gwh[:, None, :] + 1e-09)
    max_ratios = jnp.maximum(ratios, inv_ratios).max(axis=2)
    best = jnp.argmin(max_ratios, axis=1)
    b = targets[:, 0].astype(jnp.int32)
    cls = targets[:, 1].astype(jnp.int32)
    valid = (gj < feat_h) & (gi < feat_w)
    # out-of-bounds scatter indices are dropped by jax's default scatter mode,
    # which reproduces the torch loop's `if gj < feat_h and gi < feat_w` guard
    gi_s = jnp.where(valid, gi, feat_w)
    txy = gxy - gij.astype(jnp.float32)
    twh = jnp.log(targets[:, 4:6] * wh_scale / anchors[best] + 1e-16)
    tbox = tbox.at[b, best, gj, gi_s].set(jnp.concatenate([txy, twh], axis=1))
    tconf = tconf.at[b, best, gj, gi_s, 0].set(1.0)
    if num_classes > 1:
        tcls = tcls.at[b, best, gj, gi_s, cls].set(1.0)
    return tbox, tconf, tcls


def reference(raw_pred, targets):
    b, nA, ny, nx, no = raw_pred.shape
    tbox, tconf, tcls = _build_targets(targets, ANCHORS, STRIDE, ny, nx, NUM_CLASSES, b)
    p_xy = jax.nn.sigmoid(raw_pred[..., 0:2])
    p_wh = raw_pred[..., 2:4]
    p_obj = raw_pred[..., 4:5]
    p_cls = raw_pred[..., 5:]
    obj_mask = tconf[..., 0]
    n_pos = jnp.sum(obj_mask)
    mask = obj_mask[..., None]
    denom = jnp.maximum(n_pos * 2.0, 1.0)
    l_box = jnp.sum(_smooth_l1(p_xy, tbox[..., 0:2]) * mask) / denom
    l_wh = jnp.sum(_smooth_l1(p_wh, tbox[..., 2:4]) * mask) / denom
    l_box = jnp.where(n_pos > 0, l_box, 0.0)
    l_wh = jnp.where(n_pos > 0, l_wh, 0.0)
    l_obj = jnp.mean(_bce_logits(p_obj, tconf))
    if NUM_CLASSES > 1:
        l_cls = jnp.mean(_bce_logits(p_cls, tcls))
    else:
        l_cls = jnp.array(0.0, dtype=jnp.float32)
    loss = l_box + l_wh + l_obj + l_cls
    return loss

if __name__ == "__main__":
    import jax
    _d = setup_inputs()
    print(jax.jit(kernel)(*tuple(_d.values())))

</pallas_src>

<mosaic_0001>
#map = affine_map<(d0, d1) -> (0, 0)>
module attributes {stable_mosaic.version = 14 : i64} {
  func.func @_sc_sparse_body(%arg0: i32, %arg1: i32, %arg2: memref<76800x85xf32, #tpu.memory_space<hbm>>, %arg3: memref<8x512xf32, #tpu.memory_space<hbm>>, %arg4: memref<32x16xf32, #tpu.memory_space<hbm>>, %arg5: memref<8x512xf32, #tpu.memory_space<vmem>>, %arg6: memref<16x85xf32, #tpu.memory_space<vmem>>, %arg7: memref<16xf32, #tpu.memory_space<vmem>>, %arg8: memref<!tpu.dma_semaphore, #tpu.memory_space<semaphore_mem>>) attributes {dimension_semantics = [#tpu.dimension_semantics<core_parallel>, #tpu.dimension_semantics<subcore_parallel>], iteration_bounds = array<i64: 2, 16>, scalar_prefetch = 0 : i64, scratch_operands = 4 : i64, tpu.core_type = #tpu.core_type<sc_vector_subcore>, window_params = [{transform_indices = #map}, {transform_indices = #map}, {transform_indices = #map}]} {
    %mul3A = arith.constant 2 : i32
    %mul3A_0 = arith.muli %arg1, %mul3A : i32
    %add3A = arith.addi %mul3A_0, %arg0 : i32
    %mul3A_1 = arith.constant 16 : i32
    %mul3A_2 = arith.muli %add3A, %mul3A_1 : i32
    %dma_start3A = arith.constant 0 : i32
    %dma_start3A_3 = arith.constant 0 : i32
    %dma_start3A_4 = arith.constant 0 : i32
    %dma_start3A_5 = tpu.memref_slice %arg5[%dma_start3A_3, %dma_start3A_4] : memref<8x512xf32, #tpu.memory_space<vmem>> -> memref<1x512xf32, #tpu.memory_space<vmem>>
    %dma_start3A_6 = tpu.memref_squeeze %dma_start3A_5 : memref<1x512xf32, #tpu.memory_space<vmem>> -> memref<512xf32, #tpu.memory_space<vmem>>
    %dma_start3A_7 = arith.constant 0 : i32
    %dma_start3A_8 = tpu.memref_slice %arg3[%dma_start3A, %dma_start3A_7] : memref<8x512xf32, #tpu.memory_space<hbm>> -> memref<1x512xf32, #tpu.memory_space<hbm>>
    %dma_start3A_9 = tpu.memref_squeeze %dma_start3A_8 : memref<1x512xf32, #tpu.memory_space<hbm>> -> memref<512xf32, #tpu.memory_space<hbm>>
    %dma_start3A_10 = arith.constant 0 : i32
    %dma_start3A_11 = tpu.memref_slice %arg5[%dma_start3A_3, %dma_start3A_10] : memref<8x512xf32, #tpu.memory_space<vmem>> -> memref<1x512xf32, #tpu.memory_space<vmem>>
    %dma_start3A_12 = tpu.memref_squeeze %dma_start3A_11 : memref<1x512xf32, #tpu.memory_space<vmem>> -> memref<512xf32, #tpu.memory_space<vmem>>
    %dma_start3A_13 = arith.constant 0 : i32
    %dma_start3A_14 = tpu.memref_slice %arg3[%dma_start3A, %dma_start3A_13] : memref<8x512xf32, #tpu.memory_space<hbm>> -> memref<1x512xf32, #tpu.memory_space<hbm>>
    %dma_start3A_15 = tpu.memref_squeeze %dma_start3A_14 : memref<1x512xf32, #tpu.memory_space<hbm>> -> memref<512xf32, #tpu.memory_space<hbm>>
    tpu.enqueue_dma source(%dma_start3A_15 : memref<512xf32, #tpu.memory_space<hbm>>) target(%dma_start3A_12 : memref<512xf32, #tpu.memory_space<vmem>>) target_semaphore(%arg8 : memref<!tpu.dma_semaphore, #tpu.memory_space<semaphore_mem>>)
    %dma_start3A_16 = arith.constant 1 : i32
    %dma_start3A_17 = arith.constant 1 : i32
    %dma_start3A_18 = arith.constant 0 : i32
    %dma_start3A_19 = tpu.memref_slice %arg5[%dma_start3A_17, %dma_start3A_18] : memref<8x512xf32, #tpu.memory_space<vmem>> -> memref<1x512xf32, #tpu.memory_space<vmem>>
    %dma_start3A_20 = tpu.memref_squeeze %dma_start3A_19 : memref<1x512xf32, #tpu.memory_space<vmem>> -> memref<512xf32, #tpu.memory_space<vmem>>
    %dma_start3A_21 = arith.constant 0 : i32
    %dma_start3A_22 = tpu.memref_slice %arg3[%dma_start3A_16, %dma_start3A_21] : memref<8x512xf32, #tpu.memory_space<hbm>> -> memref<1x512xf32, #tpu.memory_space<hbm>>
    %dma_start3A_23 = tpu.memref_squeeze %dma_start3A_22 : memref<1x512xf32, #tpu.memory_space<hbm>> -> memref<512xf32, #tpu.memory_space<hbm>>
    %dma_start3A_24 = arith.constant 0 : i32
    %dma_start3A_25 = tpu.memref_slice %arg5[%dma_start3A_17, %dma_start3A_24] : memref<8x512xf32, #tpu.memory_space<vmem>> -> memref<1x512xf32, #tpu.memory_space<vmem>>
    %dma_start3A_26 = tpu.memref_squeeze %dma_start3A_25 : memref<1x512xf32, #tpu.memory_space<vmem>> -> memref<512xf32, #tpu.memory_space<vmem>>
    %dma_start3A_27 = arith.constant 0 : i32
    %dma_start3A_28 = tpu.memref_slice %arg3[%dma_start3A_16, %dma_start3A_27] : memref<8x512xf32, #tpu.memory_space<hbm>> -> memref<1x512xf32, #tpu.memory_space<hbm>>
    %dma_start3A_29 = tpu.memref_squeeze %dma_start3A_28 : memref<1x512xf32, #tpu.memory_space<hbm>> -> memref<512xf32, #tpu.memory_space<hbm>>
    tpu.enqueue_dma source(%dma_start3A_29 : memref<512xf32, #tpu.memory_space<hbm>>) target(%dma_start3A_26 : memref<512xf32, #tpu.memory_space<vmem>>) target_semaphore(%arg8 : memref<!tpu.dma_semaphore, #tpu.memory_space<semaphore_mem>>)
    %dma_start3A_30 = arith.constant 2 : i32
    %dma_start3A_31 = arith.constant 2 : i32
    %dma_start3A_32 = arith.constant 0 : i32
    %dma_start3A_33 = tpu.memref_slice %arg5[%dma_start3A_31, %dma_start3A_32] : memref<8x512xf32, #tpu.memory_space<vmem>> -> memref<1x512xf32, #tpu.memory_space<vmem>>
    %dma_start3A_34 = tpu.memref_squeeze %dma_start3A_33 : memref<1x512xf32, #tpu.memory_space<vmem>> -> memref<512xf32, #tpu.memory_space<vmem>>
    %dma_start3A_35 = arith.constant 0 : i32
    %dma_start3A_36 = tpu.memref_slice %arg3[%dma_start3A_30, %dma_start3A_35] : memref<8x512xf32, #tpu.memory_space<hbm>> -> memref<1x512xf32, #tpu.memory_space<hbm>>
    %dma_start3A_37 = tpu.memref_squeeze %dma_start3A_36 : memref<1x512xf32, #tpu.memory_space<hbm>> -> memref<512xf32, #tpu.memory_space<hbm>>
    %dma_start3A_38 = arith.constant 0 : i32
    %dma_start3A_39 = tpu.memref_slice %arg5[%dma_start3A_31, %dma_start3A_38] : memref<8x512xf32, #tpu.memory_space<vmem>> -> memref<1x512xf32, #tpu.memory_space<vmem>>
    %dma_start3A_40 = tpu.memref_squeeze %dma_start3A_39 : memref<1x512xf32, #tpu.memory_space<vmem>> -> memref<512xf32, #tpu.memory_space<vmem>>
    %dma_start3A_41 = arith.constant 0 : i32
    %dma_start3A_42 = tpu.memref_slice %arg3[%dma_start3A_30, %dma_start3A_41] : memref<8x512xf32, #tpu.memory_space<hbm>> -> memref<1x512xf32, #tpu.memory_space<hbm>>
    %dma_start3A_43 = tpu.memref_squeeze %dma_start3A_42 : memref<1x512xf32, #tpu.memory_space<hbm>> -> memref<512xf32, #tpu.memory_space<hbm>>
    tpu.enqueue_dma source(%dma_start3A_43 : memref<512xf32, #tpu.memory_space<hbm>>) target(%dma_start3A_40 : memref<512xf32, #tpu.memory_space<vmem>>) target_semaphore(%arg8 : memref<!tpu.dma_semaphore, #tpu.memory_space<semaphore_mem>>)
    %dma_start3A_44 = arith.constant 3 : i32
    %dma_start3A_45 = arith.constant 3 : i32
    %dma_start3A_46 = arith.constant 0 : i32
    %dma_start3A_47 = tpu.memref_slice %arg5[%dma_start3A_45, %dma_start3A_46] : memref<8x512xf32, #tpu.memory_space<vmem>> -> memref<1x512xf32, #tpu.memory_space<vmem>>
    %dma_start3A_48 = tpu.memref_squeeze %dma_start3A_47 : memref<1x512xf32, #tpu.memory_space<vmem>> -> memref<512xf32, #tpu.memory_space<vmem>>
    %dma_start3A_49 = arith.constant 0 : i32
    %dma_start3A_50 = tpu.memref_slice %arg3[%dma_start3A_44, %dma_start3A_49] : memref<8x512xf32, #tpu.memory_space<hbm>> -> memref<1x512xf32, #tpu.memory_space<hbm>>
    %dma_start3A_51 = tpu.memref_squeeze %dma_start3A_50 : memref<1x512xf32, #tpu.memory_space<hbm>> -> memref<512xf32, #tpu.memory_space<hbm>>
    %dma_start3A_52 = arith.constant 0 : i32
    %dma_start3A_53 = tpu.memref_slice %arg5[%dma_start3A_45, %dma_start3A_52] : memref<8x512xf32, #tpu.memory_space<vmem>> -> memref<1x512xf32, #tpu.memory_space<vmem>>
    %dma_start3A_54 = tpu.memref_squeeze %dma_start3A_53 : memref<1x512xf32, #tpu.memory_space<vmem>> -> memref<512xf32, #tpu.memory_space<vmem>>
    %dma_start3A_55 = arith.constant 0 : i32
    %dma_start3A_56 = tpu.memref_slice %arg3[%dma_start3A_44, %dma_start3A_55] : memref<8x512xf32, #tpu.memory_space<hbm>> -> memref<1x512xf32, #tpu.memory_space<hbm>>
    %dma_start3A_57 = tpu.memref_squeeze %dma_start3A_56 : memref<1x512xf32, #tpu.memory_space<hbm>> -> memref<512xf32, #tpu.memory_space<hbm>>
    tpu.enqueue_dma source(%dma_start3A_57 : memref<512xf32, #tpu.memory_space<hbm>>) target(%dma_start3A_54 : memref<512xf32, #tpu.memory_space<vmem>>) target_semaphore(%arg8 : memref<!tpu.dma_semaphore, #tpu.memory_space<semaphore_mem>>)
    %dma_start3A_58 = arith.constant 4 : i32
    %dma_start3A_59 = arith.constant 4 : i32
    %dma_start3A_60 = arith.constant 0 : i32
    %dma_start3A_61 = tpu.memref_slice %arg5[%dma_start3A_59, %dma_start3A_60] : memref<8x512xf32, #tpu.memory_space<vmem>> -> memref<1x512xf32, #tpu.memory_space<vmem>>
    %dma_start3A_62 = tpu.memref_squeeze %dma_start3A_61 : memref<1x512xf32, #tpu.memory_space<vmem>> -> memref<512xf32, #tpu.memory_space<vmem>>
    %dma_start3A_63 = arith.constant 0 : i32
    %dma_start3A_64 = tpu.memref_slice %arg3[%dma_start3A_58, %dma_start3A_63] : memref<8x512xf32, #tpu.memory_space<hbm>> -> memref<1x512xf32, #tpu.memory_space<hbm>>
    %dma_start3A_65 = tpu.memref_squeeze %dma_start3A_64 : memref<1x512xf32, #tpu.memory_space<hbm>> -> memref<512xf32, #tpu.memory_space<hbm>>
    %dma_start3A_66 = arith.constant 0 : i32
    %dma_start3A_67 = tpu.memref_slice %arg5[%dma_start3A_59, %dma_start3A_66] : memref<8x512xf32, #tpu.memory_space<vmem>> -> memref<1x512xf32, #tpu.memory_space<vmem>>
    %dma_start3A_68 = tpu.memref_squeeze %dma_start3A_67 : memref<1x512xf32, #tpu.memory_space<vmem>> -> memref<512xf32, #tpu.memory_space<vmem>>
    %dma_start3A_69 = arith.constant 0 : i32
    %dma_start3A_70 = tpu.memref_slice %arg3[%dma_start3A_58, %dma_start3A_69] : memref<8x512xf32, #tpu.memory_space<hbm>> -> memref<1x512xf32, #tpu.memory_space<hbm>>
    %dma_start3A_71 = tpu.memref_squeeze %dma_start3A_70 : memref<1x512xf32, #tpu.memory_space<hbm>> -> memref<512xf32, #tpu.memory_space<hbm>>
    tpu.enqueue_dma source(%dma_start3A_71 : memref<512xf32, #tpu.memory_space<hbm>>) target(%dma_start3A_68 : memref<512xf32, #tpu.memory_space<vmem>>) target_semaphore(%arg8 : memref<!tpu.dma_semaphore, #tpu.memory_space<semaphore_mem>>)
    %dma_start3A_72 = arith.constant 5 : i32
    %dma_start3A_73 = arith.constant 5 : i32
    %dma_start3A_74 = arith.constant 0 : i32
    %dma_start3A_75 = tpu.memref_slice %arg5[%dma_start3A_73, %dma_start3A_74] : memref<8x512xf32, #tpu.memory_space<vmem>> -> memref<1x512xf32, #tpu.memory_space<vmem>>
    %dma_start3A_76 = tpu.memref_squeeze %dma_start3A_75 : memref<1x512xf32, #tpu.memory_space<vmem>> -> memref<512xf32, #tpu.memory_space<vmem>>
    %dma_start3A_77 = arith.constant 0 : i32
    %dma_start3A_78 = tpu.memref_slice %arg3[%dma_start3A_72, %dma_start3A_77] : memref<8x512xf32, #tpu.memory_space<hbm>> -> memref<1x512xf32, #tpu.memory_space<hbm>>
    %dma_start3A_79 = tpu.memref_squeeze %dma_start3A_78 : memref<1x512xf32, #tpu.memory_space<hbm>> -> memref<512xf32, #tpu.memory_space<hbm>>
    %dma_start3A_80 = arith.constant 0 : i32
    %dma_start3A_81 = tpu.memref_slice %arg5[%dma_start3A_73, %dma_start3A_80] : memref<8x512xf32, #tpu.memory_space<vmem>> -> memref<1x512xf32, #tpu.memory_space<vmem>>
    %dma_start3A_82 = tpu.memref_squeeze %dma_start3A_81 : memref<1x512xf32, #tpu.memory_space<vmem>> -> memref<512xf32, #tpu.memory_space<vmem>>
    %dma_start3A_83 = arith.constant 0 : i32
    %dma_start3A_84 = tpu.memref_slice %arg3[%dma_start3A_72, %dma_start3A_83] : memref<8x512xf32, #tpu.memory_space<hbm>> -> memref<1x512xf32, #tpu.memory_space<hbm>>
    %dma_start3A_85 = tpu.memref_squeeze %dma_start3A_84 : memref<1x512xf32, #tpu.memory_space<hbm>> -> memref<512xf32, #tpu.memory_space<hbm>>
    tpu.enqueue_dma source(%dma_start3A_85 : memref<512xf32, #tpu.memory_space<hbm>>) target(%dma_start3A_82 : memref<512xf32, #tpu.memory_space<vmem>>) target_semaphore(%arg8 : memref<!tpu.dma_semaphore, #tpu.memory_space<semaphore_mem>>)
    %dma_start3A_86 = arith.constant 6 : i32
    %dma_start3A_87 = arith.constant 6 : i32
    %dma_start3A_88 = arith.constant 0 : i32
    %dma_start3A_89 = tpu.memref_slice %arg5[%dma_start3A_87, %dma_start3A_88] : memref<8x512xf32, #tpu.memory_space<vmem>> -> memref<1x512xf32, #tpu.memory_space<vmem>>
    %dma_start3A_90 = tpu.memref_squeeze %dma_start3A_89 : memref<1x512xf32, #tpu.memory_space<vmem>> -> memref<512xf32, #tpu.memory_space<vmem>>
    %dma_start3A_91 = arith.constant 0 : i32
    %dma_start3A_92 = tpu.memref_slice %arg3[%dma_start3A_86, %dma_start3A_91] : memref<8x512xf32, #tpu.memory_space<hbm>> -> memref<1x512xf32, #tpu.memory_space<hbm>>
    %dma_start3A_93 = tpu.memref_squeeze %dma_start3A_92 : memref<1x512xf32, #tpu.memory_space<hbm>> -> memref<512xf32, #tpu.memory_space<hbm>>
    %dma_start3A_94 = arith.constant 0 : i32
    %dma_start3A_95 = tpu.memref_slice %arg5[%dma_start3A_87, %dma_start3A_94] : memref<8x512xf32, #tpu.memory_space<vmem>> -> memref<1x512xf32, #tpu.memory_space<vmem>>
    %dma_start3A_96 = tpu.memref_squeeze %dma_start3A_95 : memref<1x512xf32, #tpu.memory_space<vmem>> -> memref<512xf32, #tpu.memory_space<vmem>>
    %dma_start3A_97 = arith.constant 0 : i32
    %dma_start3A_98 = tpu.memref_slice %arg3[%dma_start3A_86, %dma_start3A_97] : memref<8x512xf32, #tpu.memory_space<hbm>> -> memref<1x512xf32, #tpu.memory_space<hbm>>
    %dma_start3A_99 = tpu.memref_squeeze %dma_start3A_98 : memref<1x512xf32, #tpu.memory_space<hbm>> -> memref<512xf32, #tpu.memory_space<hbm>>
    tpu.enqueue_dma source(%dma_start3A_99 : memref<512xf32, #tpu.memory_space<hbm>>) target(%dma_start3A_96 : memref<512xf32, #tpu.memory_space<vmem>>) target_semaphore(%arg8 : memref<!tpu.dma_semaphore, #tpu.memory_space<semaphore_mem>>)
    %dma_start3A_100 = arith.constant 7 : i32
    %dma_start3A_101 = arith.constant 7 : i32
    %dma_start3A_102 = arith.constant 0 : i32
    %dma_start3A_103 = tpu.memref_slice %arg5[%dma_start3A_101, %dma_start3A_102] : memref<8x512xf32, #tpu.memory_space<vmem>> -> memref<1x512xf32, #tpu.memory_space<vmem>>
    %dma_start3A_104 = tpu.memref_squeeze %dma_start3A_103 : memref<1x512xf32, #tpu.memory_space<vmem>> -> memref<512xf32, #tpu.memory_space<vmem>>
    %dma_start3A_105 = arith.constant 0 : i32
    %dma_start3A_106 = tpu.memref_slice %arg3[%dma_start3A_100, %dma_start3A_105] : memref<8x512xf32, #tpu.memory_space<hbm>> -> memref<1x512xf32, #tpu.memory_space<hbm>>
    %dma_start3A_107 = tpu.memref_squeeze %dma_start3A_106 : memref<1x512xf32, #tpu.memory_space<hbm>> -> memref<512xf32, #tpu.memory_space<hbm>>
    %dma_start3A_108 = arith.constant 0 : i32
    %dma_start3A_109 = tpu.memref_slice %arg5[%dma_start3A_101, %dma_start3A_108] : memref<8x512xf32, #tpu.memory_space<vmem>> -> memref<1x512xf32, #tpu.memory_space<vmem>>
    %dma_start3A_110 = tpu.memref_squeeze %dma_start3A_109 : memref<1x512xf32, #tpu.memory_space<vmem>> -> memref<512xf32, #tpu.memory_space<vmem>>
    %dma_start3A_111 = arith.constant 0 : i32
    %dma_start3A_112 = tpu.memref_slice %arg3[%dma_start3A_100, %dma_start3A_111] : memref<8x512xf32, #tpu.memory_space<hbm>> -> memref<1x512xf32, #tpu.memory_space<hbm>>
    %dma_start3A_113 = tpu.memref_squeeze %dma_start3A_112 : memref<1x512xf32, #tpu.memory_space<hbm>> -> memref<512xf32, #tpu.memory_space<hbm>>
    tpu.enqueue_dma source(%dma_start3A_113 : memref<512xf32, #tpu.memory_space<hbm>>) target(%dma_start3A_110 : memref<512xf32, #tpu.memory_space<vmem>>) target_semaphore(%arg8 : memref<!tpu.dma_semaphore, #tpu.memory_space<semaphore_mem>>)
    %dma_wait3A = arith.constant 0 : i32
    %dma_wait3A_114 = arith.constant 0 : i32
    %dma_wait3A_115 = arith.constant 0 : i32
    %dma_wait3A_116 = tpu.memref_slice %arg5[%dma_wait3A_114, %dma_wait3A_115] : memref<8x512xf32, #tpu.memory_space<vmem>> -> memref<1x512xf32, #tpu.memory_space<vmem>>
    %dma_wait3A_117 = tpu.memref_squeeze %dma_wait3A_116 : memref<1x512xf32, #tpu.memory_space<vmem>> -> memref<512xf32, #tpu.memory_space<vmem>>
    %dma_wait3A_118 = arith.constant 0 : i32
    %dma_wait3A_119 = tpu.memref_slice %arg3[%dma_wait3A, %dma_wait3A_118] : memref<8x512xf32, #tpu.memory_space<hbm>> -> memref<1x512xf32, #tpu.memory_space<hbm>>
    %dma_wait3A_120 = tpu.memref_squeeze %dma_wait3A_119 : memref<1x512xf32, #tpu.memory_space<hbm>> -> memref<512xf32, #tpu.memory_space<hbm>>
    %dma_wait3A_121 = arith.constant 0 : i32
    %dma_wait3A_122 = tpu.memref_slice %arg5[%dma_wait3A_114, %dma_wait3A_121] : memref<8x512xf32, #tpu.memory_space<vmem>> -> memref<1x512xf32, #tpu.memory_space<vmem>>
    %dma_wait3A_123 = tpu.memref_squeeze %dma_wait3A_122 : memref<1x512xf32, #tpu.memory_space<vmem>> -> memref<512xf32, #tpu.memory_space<vmem>>
    %dma_wait3A_124 = arith.constant 0 : i32
    %dma_wait3A_125 = tpu.memref_slice %arg3[%dma_wait3A, %dma_wait3A_124] : memref<8x512xf32, #tpu.memory_space<hbm>> -> memref<1x512xf32, #tpu.memory_space<hbm>>
    %dma_wait3A_126 = tpu.memref_squeeze %dma_wait3A_125 : memref<1x512xf32, #tpu.memory_space<hbm>> -> memref<512xf32, #tpu.memory_space<hbm>>
    tpu.wait_dma2 semaphore(%arg8 : memref<!tpu.dma_semaphore, #tpu.memory_space<semaphore_mem>>) src(%dma_wait3A_126 : memref<512xf32, #tpu.memory_space<hbm>>) dst(%dma_wait3A_123 : memref<512xf32, #tpu.memory_space<vmem>>)
    %dma_wait3A_127 = arith.constant 1 : i32
    %dma_wait3A_128 = arith.constant 1 : i32
    %dma_wait3A_129 = arith.constant 0 : i32
    %dma_wait3A_130 = tpu.memref_slice %arg5[%dma_wait3A_128, %dma_wait3A_129] : memref<8x512xf32, #tpu.memory_space<vmem>> -> memref<1x512xf32, #tpu.memory_space<vmem>>
    %dma_wait3A_131 = tpu.memref_squeeze %dma_wait3A_130 : memref<1x512xf32, #tpu.memory_space<vmem>> -> memref<512xf32, #tpu.memory_space<vmem>>
    %dma_wait3A_132 = arith.constant 0 : i32
    %dma_wait3A_133 = tpu.memref_slice %arg3[%dma_wait3A_127, %dma_wait3A_132] : memref<8x512xf32, #tpu.memory_space<hbm>> -> memref<1x512xf32, #tpu.memory_space<hbm>>
    %dma_wait3A_134 = tpu.memref_squeeze %dma_wait3A_133 : memref<1x512xf32, #tpu.memory_space<hbm>> -> memref<512xf32, #tpu.memory_space<hbm>>
    %dma_wait3A_135 = arith.constant 0 : i32
    %dma_wait3A_136 = tpu.memref_slice %arg5[%dma_wait3A_128, %dma_wait3A_135] : memref<8x512xf32, #tpu.memory_space<vmem>> -> memref<1x512xf32, #tpu.memory_space<vmem>>
    %dma_wait3A_137 = tpu.memref_squeeze %dma_wait3A_136 : memref<1x512xf32, #tpu.memory_space<vmem>> -> memref<512xf32, #tpu.memory_space<vmem>>
    %dma_wait3A_138 = arith.constant 0 : i32
    %dma_wait3A_139 = tpu.memref_slice %arg3[%dma_wait3A_127, %dma_wait3A_138] : memref<8x512xf32, #tpu.memory_space<hbm>> -> memref<1x512xf32, #tpu.memory_space<hbm>>
    %dma_wait3A_140 = tpu.memref_squeeze %dma_wait3A_139 : memref<1x512xf32, #tpu.memory_space<hbm>> -> memref<512xf32, #tpu.memory_space<hbm>>
    tpu.wait_dma2 semaphore(%arg8 : memref<!tpu.dma_semaphore, #tpu.memory_space<semaphore_mem>>) src(%dma_wait3A_140 : memref<512xf32, #tpu.memory_space<hbm>>) dst(%dma_wait3A_137 : memref<512xf32, #tpu.memory_space<vmem>>)
    %dma_wait3A_141 = arith.constant 2 : i32
    %dma_wait3A_142 = arith.constant 2 : i32
    %dma_wait3A_143 = arith.constant 0 : i32
    %dma_wait3A_144 = tpu.memref_slice %arg5[%dma_wait3A_142, %dma_wait3A_143] : memref<8x512xf32, #tpu.memory_space<vmem>> -> memref<1x512xf32, #tpu.memory_space<vmem>>
    %dma_wait3A_145 = tpu.memref_squeeze %dma_wait3A_144 : memref<1x512xf32, #tpu.memory_space<vmem>> -> memref<512xf32, #tpu.memory_space<vmem>>
    %dma_wait3A_146 = arith.constant 0 : i32
    %dma_wait3A_147 = tpu.memref_slice %arg3[%dma_wait3A_141, %dma_wait3A_146] : memref<8x512xf32, #tpu.memory_space<hbm>> -> memref<1x512xf32, #tpu.memory_space<hbm>>
    %dma_wait3A_148 = tpu.memref_squeeze %dma_wait3A_147 : memref<1x512xf32, #tpu.memory_space<hbm>> -> memref<512xf32, #tpu.memory_space<hbm>>
    %dma_wait3A_149 = arith.constant 0 : i32
    %dma_wait3A_150 = tpu.memref_slice %arg5[%dma_wait3A_142, %dma_wait3A_149] : memref<8x512xf32, #tpu.memory_space<vmem>> -> memref<1x512xf32, #tpu.memory_space<vmem>>
    %dma_wait3A_151 = tpu.memref_squeeze %dma_wait3A_150 : memref<1x512xf32, #tpu.memory_space<vmem>> -> memref<512xf32, #tpu.memory_space<vmem>>
    %dma_wait3A_152 = arith.constant 0 : i32
    %dma_wait3A_153 = tpu.memref_slice %arg3[%dma_wait3A_141, %dma_wait3A_152] : memref<8x512xf32, #tpu.memory_space<hbm>> -> memref<1x512xf32, #tpu.memory_space<hbm>>
    %dma_wait3A_154 = tpu.memref_squeeze %dma_wait3A_153 : memref<1x512xf32, #tpu.memory_space<hbm>> -> memref<512xf32, #tpu.memory_space<hbm>>
    tpu.wait_dma2 semaphore(%arg8 : memref<!tpu.dma_semaphore, #tpu.memory_space<semaphore_mem>>) src(%dma_wait3A_154 : memref<512xf32, #tpu.memory_space<hbm>>) dst(%dma_wait3A_151 : memref<512xf32, #tpu.memory_space<vmem>>)
    %dma_wait3A_155 = arith.constant 3 : i32
    %dma_wait3A_156 = arith.constant 3 : i32
    %dma_wait3A_157 = arith.constant 0 : i32
    %dma_wait3A_158 = tpu.memref_slice %arg5[%dma_wait3A_156, %dma_wait3A_157] : memref<8x512xf32, #tpu.memory_space<vmem>> -> memref<1x512xf32, #tpu.memory_space<vmem>>
    %dma_wait3A_159 = tpu.memref_squeeze %dma_wait3A_158 : memref<1x512xf32, #tpu.memory_space<vmem>> -> memref<512xf32, #tpu.memory_space<vmem>>
    %dma_wait3A_160 = arith.constant 0 : i32
    %dma_wait3A_161 = tpu.memref_slice %arg3[%dma_wait3A_155, %dma_wait3A_160] : memref<8x512xf32, #tpu.memory_space<hbm>> -> memref<1x512xf32, #tpu.memory_space<hbm>>
    %dma_wait3A_162 = tpu.memref_squeeze %dma_wait3A_161 : memref<1x512xf32, #tpu.memory_space<hbm>> -> memref<512xf32, #tpu.memory_space<hbm>>
    %dma_wait3A_163 = arith.constant 0 : i32
    %dma_wait3A_164 = tpu.memref_slice %arg5[%dma_wait3A_156, %dma_wait3A_163] : memref<8x512xf32, #tpu.memory_space<vmem>> -> memref<1x512xf32, #tpu.memory_space<vmem>>
    %dma_wait3A_165 = tpu.memref_squeeze %dma_wait3A_164 : memref<1x512xf32, #tpu.memory_space<vmem>> -> memref<512xf32, #tpu.memory_space<vmem>>
    %dma_wait3A_166 = arith.constant 0 : i32
    %dma_wait3A_167 = tpu.memref_slice %arg3[%dma_wait3A_155, %dma_wait3A_166] : memref<8x512xf32, #tpu.memory_space<hbm>> -> memref<1x512xf32, #tpu.memory_space<hbm>>
    %dma_wait3A_168 = tpu.memref_squeeze %dma_wait3A_167 : memref<1x512xf32, #tpu.memory_space<hbm>> -> memref<512xf32, #tpu.memory_space<hbm>>
    tpu.wait_dma2 semaphore(%arg8 : memref<!tpu.dma_semaphore, #tpu.memory_space<semaphore_mem>>) src(%dma_wait3A_168 : memref<512xf32, #tpu.memory_space<hbm>>) dst(%dma_wait3A_165 : memref<512xf32, #tpu.memory_space<vmem>>)
    %dma_wait3A_169 = arith.constant 4 : i32
    %dma_wait3A_170 = arith.constant 4 : i32
    %dma_wait3A_171 = arith.constant 0 : i32
    %dma_wait3A_172 = tpu.memref_slice %arg5[%dma_wait3A_170, %dma_wait3A_171] : memref<8x512xf32, #tpu.memory_space<vmem>> -> memref<1x512xf32, #tpu.memory_space<vmem>>
    %dma_wait3A_173 = tpu.memref_squeeze %dma_wait3A_172 : memref<1x512xf32, #tpu.memory_space<vmem>> -> memref<512xf32, #tpu.memory_space<vmem>>
    %dma_wait3A_174 = arith.constant 0 : i32
    %dma_wait3A_175 = tpu.memref_slice %arg3[%dma_wait3A_169, %dma_wait3A_174] : memref<8x512xf32, #tpu.memory_space<hbm>> -> memref<1x512xf32, #tpu.memory_space<hbm>>
    %dma_wait3A_176 = tpu.memref_squeeze %dma_wait3A_175 : memref<1x512xf32, #tpu.memory_space<hbm>> -> memref<512xf32, #tpu.memory_space<hbm>>
    %dma_wait3A_177 = arith.constant 0 : i32
    %dma_wait3A_178 = tpu.memref_slice %arg5[%dma_wait3A_170, %dma_wait3A_177] : memref<8x512xf32, #tpu.memory_space<vmem>> -> memref<1x512xf32, #tpu.memory_space<vmem>>
    %dma_wait3A_179 = tpu.memref_squeeze %dma_wait3A_178 : memref<1x512xf32, #tpu.memory_space<vmem>> -> memref<512xf32, #tpu.memory_space<vmem>>
    %dma_wait3A_180 = arith.constant 0 : i32
    %dma_wait3A_181 = tpu.memref_slice %arg3[%dma_wait3A_169, %dma_wait3A_180] : memref<8x512xf32, #tpu.memory_space<hbm>> -> memref<1x512xf32, #tpu.memory_space<hbm>>
    %dma_wait3A_182 = tpu.memref_squeeze %dma_wait3A_181 : memref<1x512xf32, #tpu.memory_space<hbm>> -> memref<512xf32, #tpu.memory_space<hbm>>
    tpu.wait_dma2 semaphore(%arg8 : memref<!tpu.dma_semaphore, #tpu.memory_space<semaphore_mem>>) src(%dma_wait3A_182 : memref<512xf32, #tpu.memory_space<hbm>>) dst(%dma_wait3A_179 : memref<512xf32, #tpu.memory_space<vmem>>)
    %dma_wait3A_183 = arith.constant 5 : i32
    %dma_wait3A_184 = arith.constant 5 : i32
    %dma_wait3A_185 = arith.constant 0 : i32
    %dma_wait3A_186 = tpu.memref_slice %arg5[%dma_wait3A_184, %dma_wait3A_185] : memref<8x512xf32, #tpu.memory_space<vmem>> -> memref<1x512xf32, #tpu.memory_space<vmem>>
    %dma_wait3A_187 = tpu.memref_squeeze %dma_wait3A_186 : memref<1x512xf32, #tpu.memory_space<vmem>> -> memref<512xf32, #tpu.memory_space<vmem>>
    %dma_wait3A_188 = arith.constant 0 : i32
    %dma_wait3A_189 = tpu.memref_slice %arg3[%dma_wait3A_183, %dma_wait3A_188] : memref<8x512xf32, #tpu.memory_space<hbm>> -> memref<1x512xf32, #tpu.memory_space<hbm>>
    %dma_wait3A_190 = tpu.memref_squeeze %dma_wait3A_189 : memref<1x512xf32, #tpu.memory_space<hbm>> -> memref<512xf32, #tpu.memory_space<hbm>>
    %dma_wait3A_191 = arith.constant 0 : i32
    %dma_wait3A_192 = tpu.memref_slice %arg5[%dma_wait3A_184, %dma_wait3A_191] : memref<8x512xf32, #tpu.memory_space<vmem>> -> memref<1x512xf32, #tpu.memory_space<vmem>>
    %dma_wait3A_193 = tpu.memref_squeeze %dma_wait3A_192 : memref<1x512xf32, #tpu.memory_space<vmem>> -> memref<512xf32, #tpu.memory_space<vmem>>
    %dma_wait3A_194 = arith.constant 0 : i32
    %dma_wait3A_195 = tpu.memref_slice %arg3[%dma_wait3A_183, %dma_wait3A_194] : memref<8x512xf32, #tpu.memory_space<hbm>> -> memref<1x512xf32, #tpu.memory_space<hbm>>
    %dma_wait3A_196 = tpu.memref_squeeze %dma_wait3A_195 : memref<1x512xf32, #tpu.memory_space<hbm>> -> memref<512xf32, #tpu.memory_space<hbm>>
    tpu.wait_dma2 semaphore(%arg8 : memref<!tpu.dma_semaphore, #tpu.memory_space<semaphore_mem>>) src(%dma_wait3A_196 : memref<512xf32, #tpu.memory_space<hbm>>) dst(%dma_wait3A_193 : memref<512xf32, #tpu.memory_space<vmem>>)
    %dma_wait3A_197 = arith.constant 6 : i32
    %dma_wait3A_198 = arith.constant 6 : i32
    %dma_wait3A_199 = arith.constant 0 : i32
    %dma_wait3A_200 = tpu.memref_slice %arg5[%dma_wait3A_198, %dma_wait3A_199] : memref<8x512xf32, #tpu.memory_space<vmem>> -> memref<1x512xf32, #tpu.memory_space<vmem>>
    %dma_wait3A_201 = tpu.memref_squeeze %dma_wait3A_200 : memref<1x512xf32, #tpu.memory_space<vmem>> -> memref<512xf32, #tpu.memory_space<vmem>>
    %dma_wait3A_202 = arith.constant 0 : i32
    %dma_wait3A_203 = tpu.memref_slice %arg3[%dma_wait3A_197, %dma_wait3A_202] : memref<8x512xf32, #tpu.memory_space<hbm>> -> memref<1x512xf32, #tpu.memory_space<hbm>>
    %dma_wait3A_204 = tpu.memref_squeeze %dma_wait3A_203 : memref<1x512xf32, #tpu.memory_space<hbm>> -> memref<512xf32, #tpu.memory_space<hbm>>
    %dma_wait3A_205 = arith.constant 0 : i32
    %dma_wait3A_206 = tpu.memref_slice %arg5[%dma_wait3A_198, %dma_wait3A_205] : memref<8x512xf32, #tpu.memory_space<vmem>> -> memref<1x512xf32, #tpu.memory_space<vmem>>
    %dma_wait3A_207 = tpu.memref_squeeze %dma_wait3A_206 : memref<1x512xf32, #tpu.memory_space<vmem>> -> memref<512xf32, #tpu.memory_space<vmem>>
    %dma_wait3A_208 = arith.constant 0 : i32
    %dma_wait3A_209 = tpu.memref_slice %arg3[%dma_wait3A_197, %dma_wait3A_208] : memref<8x512xf32, #tpu.memory_space<hbm>> -> memref<1x512xf32, #tpu.memory_space<hbm>>
    %dma_wait3A_210 = tpu.memref_squeeze %dma_wait3A_209 : memref<1x512xf32, #tpu.memory_space<hbm>> -> memref<512xf32, #tpu.memory_space<hbm>>
    tpu.wait_dma2 semaphore(%arg8 : memref<!tpu.dma_semaphore, #tpu.memory_space<semaphore_mem>>) src(%dma_wait3A_210 : memref<512xf32, #tpu.memory_space<hbm>>) dst(%dma_wait3A_207 : memref<512xf32, #tpu.memory_space<vmem>>)
    %dma_wait3A_211 = arith.constant 7 : i32
    %dma_wait3A_212 = arith.constant 7 : i32
    %dma_wait3A_213 = arith.constant 0 : i32
    %dma_wait3A_214 = tpu.memref_slice %arg5[%dma_wait3A_212, %dma_wait3A_213] : memref<8x512xf32, #tpu.memory_space<vmem>> -> memref<1x512xf32, #tpu.memory_space<vmem>>
    %dma_wait3A_215 = tpu.memref_squeeze %dma_wait3A_214 : memref<1x512xf32, #tpu.memory_space<vmem>> -> memref<512xf32, #tpu.memory_space<vmem>>
    %dma_wait3A_216 = arith.constant 0 : i32
    %dma_wait3A_217 = tpu.memref_slice %arg3[%dma_wait3A_211, %dma_wait3A_216] : memref<8x512xf32, #tpu.memory_space<hbm>> -> memref<1x512xf32, #tpu.memory_space<hbm>>
    %dma_wait3A_218 = tpu.memref_squeeze %dma_wait3A_217 : memref<1x512xf32, #tpu.memory_space<hbm>> -> memref<512xf32, #tpu.memory_space<hbm>>
    %dma_wait3A_219 = arith.constant 0 : i32
    %dma_wait3A_220 = tpu.memref_slice %arg5[%dma_wait3A_212, %dma_wait3A_219] : memref<8x512xf32, #tpu.memory_space<vmem>> -> memref<1x512xf32, #tpu.memory_space<vmem>>
    %dma_wait3A_221 = tpu.memref_squeeze %dma_wait3A_220 : memref<1x512xf32, #tpu.memory_space<vmem>> -> memref<512xf32, #tpu.memory_space<vmem>>
    %dma_wait3A_222 = arith.constant 0 : i32
    %dma_wait3A_223 = tpu.memref_slice %arg3[%dma_wait3A_211, %dma_wait3A_222] : memref<8x512xf32, #tpu.memory_space<hbm>> -> memref<1x512xf32, #tpu.memory_space<hbm>>
    %dma_wait3A_224 = tpu.memref_squeeze %dma_wait3A_223 : memref<1x512xf32, #tpu.memory_space<hbm>> -> memref<512xf32, #tpu.memory_space<hbm>>
    tpu.wait_dma2 semaphore(%arg8 : memref<!tpu.dma_semaphore, #tpu.memory_space<semaphore_mem>>) src(%dma_wait3A_224 : memref<512xf32, #tpu.memory_space<hbm>>) dst(%dma_wait3A_221 : memref<512xf32, #tpu.memory_space<vmem>>)
    %iota3A = tpu.iota {dimensions = array<i32: 0>} : vector<16xi32>
    %get3A = arith.constant 5 : i32
    %get3A_225 = arith.index_cast %get3A : i32 to index
    %get3A_226 = arith.index_cast %mul3A_2 : i32 to index
    %get3A_227 = tpu.vector_load %arg5[%get3A_225, %get3A_226] {strides = array<i32>} : memref<8x512xf32, #tpu.memory_space<vmem>>, vector<16xf32>,
    %convert_element_type3A = arith.fptosi %get3A_227 : vector<16xf32> to vector<16xi32>
    %get3A_228 = arith.constant 6 : i32
    %get3A_229 = arith.index_cast %get3A_228 : i32 to index
    %get3A_230 = arith.index_cast %mul3A_2 : i32 to index
    %get3A_231 = tpu.vector_load %arg5[%get3A_229, %get3A_230] {strides = array<i32>} : memref<8x512xf32, #tpu.memory_space<vmem>>, vector<16xf32>,
    %convert_element_type3A_232 = arith.fptosi %get3A_231 : vector<16xf32> to vector<16xi32>
    %eq3A = arith.constant 0 : i32
    %eq3A_233 = vector.broadcast %eq3A : i32 to vector<16xi32>
    %eq3A_234 = arith.cmpi eq, %iota3A, %eq3A_233 : vector<16xi32>
    %jit3A = arith.constant 0 : i32
    %broadcast_in_dim3A = vector.broadcast %jit3A : i32 to vector<16xi32>
    %select_n3A = arith.select %eq3A_234, %convert_element_type3A, %broadcast_in_dim3A : vector<16xi1>, vector<16xi32>
    %reduce_sum3A = arith.constant true
    %reduce_sum3A_235 = vector.broadcast %reduce_sum3A : i1 to vector<16xi1>
    %reduce_sum3A_236 = tpu.scan <sum>, %select_n3A masked %reduce_sum3A_235 : vector<16xi32>, vector<16xi1> -> vector<16xi32>
    %reduce_sum3A_237 = vector.extract %reduce_sum3A_236[15] : i32 from vector<16xi32>
    %eq3A_238 = arith.constant 1 : i32
    %eq3A_239 = vector.broadcast %eq3A_238 : i32 to vector<16xi32>
    %eq3A_240 = arith.cmpi eq, %iota3A, %eq3A_239 : vector<16xi32>
    %jit3A_241 = arith.constant 0 : i32
    %broadcast_in_dim3A_242 = vector.broadcast %jit3A_241 : i32 to vector<16xi32>
    %select_n3A_243 = arith.select %eq3A_240, %convert_element_type3A, %broadcast_in_dim3A_242 : vector<16xi1>, vector<16xi32>
    %reduce_sum3A_244 = arith.constant true
    %reduce_sum3A_245 = vector.broadcast %reduce_sum3A_244 : i1 to vector<16xi1>
    %reduce_sum3A_246 = tpu.scan <sum>, %select_n3A_243 masked %reduce_sum3A_245 : vector<16xi32>, vector<16xi1> -> vector<16xi32>
    %reduce_sum3A_247 = vector.extract %reduce_sum3A_246[15] : i32 from vector<16xi32>
    %eq3A_248 = arith.constant 2 : i32
    %eq3A_249 = vector.broadcast %eq3A_248 : i32 to vector<16xi32>
    %eq3A_250 = arith.cmpi eq, %iota3A, %eq3A_249 : vector<16xi32>
    %jit3A_251 = arith.constant 0 : i32
    %broadcast_in_dim3A_252 = vector.broadcast %jit3A_251 : i32 to vector<16xi32>
    %select_n3A_253 = arith.select %eq3A_250, %convert_element_type3A, %broadcast_in_dim3A_252 : vector<16xi1>, vector<16xi32>
    %reduce_sum3A_254 = arith.constant true
    %reduce_sum3A_255 = vector.broadcast %reduce_sum3A_254 : i1 to vector<16xi1>
    %reduce_sum3A_256 = tpu.scan <sum>, %select_n3A_253 masked %reduce_sum3A_255 : vector<16xi32>, vector<16xi1> -> vector<16xi32>
    %reduce_sum3A_257 = vector.extract %reduce_sum3A_256[15] : i32 from vector<16xi32>
    %eq3A_258 = arith.constant 3 : i32
    %eq3A_259 = vector.broadcast %eq3A_258 : i32 to vector<16xi32>
    %eq3A_260 = arith.cmpi eq, %iota3A, %eq3A_259 : vector<16xi32>
    %jit3A_261 = arith.constant 0 : i32
    %broadcast_in_dim3A_262 = vector.broadcast %jit3A_261 : i32 to vector<16xi32>
    %select_n3A_263 = arith.select %eq3A_260, %convert_element_type3A, %broadcast_in_dim3A_262 : vector<16xi1>, vector<16xi32>
    %reduce_sum3A_264 = arith.constant true
    %reduce_sum3A_265 = vector.broadcast %reduce_sum3A_264 : i1 to vector<16xi1>
    %reduce_sum3A_266 = tpu.scan <sum>, %select_n3A_263 masked %reduce_sum3A_265 : vector<16xi32>, vector<16xi1> -> vector<16xi32>
    %reduce_sum3A_267 = vector.extract %reduce_sum3A_266[15] : i32 from vector<16xi32>
    %eq3A_268 = arith.constant 4 : i32
    %eq3A_269 = vector.broadcast %eq3A_268 : i32 to vector<16xi32>
    %eq3A_270 = arith.cmpi eq, %iota3A, %eq3A_269 : vector<16xi32>
    %jit3A_271 = arith.constant 0 : i32
    %broadcast_in_dim3A_272 = vector.broadcast %jit3A_271 : i32 to vector<16xi32>
    %select_n3A_273 = arith.select %eq3A_270, %convert_element_type3A, %broadcast_in_dim3A_272 : vector<16xi1>, vector<16xi32>
    %reduce_sum3A_274 = arith.constant true
    %reduce_sum3A_275 = vector.broadcast %reduce_sum3A_274 : i1 to vector<16xi1>
    %reduce_sum3A_276 = tpu.scan <sum>, %select_n3A_273 masked %reduce_sum3A_275 : vector<16xi32>, vector<16xi1> -> vector<16xi32>
    %reduce_sum3A_277 = vector.extract %reduce_sum3A_276[15] : i32 from vector<16xi32>
    %eq3A_278 = arith.constant 5 : i32
    %eq3A_279 = vector.broadcast %eq3A_278 : i32 to vector<16xi32>
    %eq3A_280 = arith.cmpi eq, %iota3A, %eq3A_279 : vector<16xi32>
    %jit3A_281 = arith.constant 0 : i32
    %broadcast_in_dim3A_282 = vector.broadcast %jit3A_281 : i32 to vector<16xi32>
    %select_n3A_283 = arith.select %eq3A_280, %convert_element_type3A, %broadcast_in_dim3A_282 : vector<16xi1>, vector<16xi32>
    %reduce_sum3A_284 = arith.constant true
    %reduce_sum3A_285 = vector.broadcast %reduce_sum3A_284 : i1 to vector<16xi1>
    %reduce_sum3A_286 = tpu.scan <sum>, %select_n3A_283 masked %reduce_sum3A_285 : vector<16xi32>, vector<16xi1> -> vector<16xi32>
    %reduce_sum3A_287 = vector.extract %reduce_sum3A_286[15] : i32 from vector<16xi32>
    %eq3A_288 = arith.constant 6 : i32
    %eq3A_289 = vector.broadcast %eq3A_288 : i32 to vector<16xi32>
    %eq3A_290 = arith.cmpi eq, %iota3A, %eq3A_289 : vector<16xi32>
    %jit3A_291 = arith.constant 0 : i32
    %broadcast_in_dim3A_292 = vector.broadcast %jit3A_291 : i32 to vector<16xi32>
    %select_n3A_293 = arith.select %eq3A_290, %convert_element_type3A, %broadcast_in_dim3A_292 : vector<16xi1>, vector<16xi32>
    %reduce_sum3A_294 = arith.constant true
    %reduce_sum3A_295 = vector.broadcast %reduce_sum3A_294 : i1 to vector<16xi1>
    %reduce_sum3A_296 = tpu.scan <sum>, %select_n3A_293 masked %reduce_sum3A_295 : vector<16xi32>, vector<16xi1> -> vector<16xi32>
    %reduce_sum3A_297 = vector.extract %reduce_sum3A_296[15] : i32 from vector<16xi32>
    %eq3A_298 = arith.constant 7 : i32
    %eq3A_299 = vector.broadcast %eq3A_298 : i32 to vector<16xi32>
    %eq3A_300 = arith.cmpi eq, %iota3A, %eq3A_299 : vector<16xi32>
    %jit3A_301 = arith.constant 0 : i32
    %broadcast_in_dim3A_302 = vector.broadcast %jit3A_301 : i32 to vector<16xi32>
    %select_n3A_303 = arith.select %eq3A_300, %convert_element_type3A, %broadcast_in_dim3A_302 : vector<16xi1>, vector<16xi32>
    %reduce_sum3A_304 = arith.constant true
    %reduce_sum3A_305 = vector.broadcast %reduce_sum3A_304 : i1 to vector<16xi1>
    %reduce_sum3A_306 = tpu.scan <sum>, %select_n3A_303 masked %reduce_sum3A_305 : vector<16xi32>, vector<16xi1> -> vector<16xi32>
    %reduce_sum3A_307 = vector.extract %reduce_sum3A_306[15] : i32 from vector<16xi32>
    %eq3A_308 = arith.constant 8 : i32
    %eq3A_309 = vector.broadcast %eq3A_308 : i32 to vector<16xi32>
    %eq3A_310 = arith.cmpi eq, %iota3A, %eq3A_309 : vector<16xi32>
    %jit3A_311 = arith.constant 0 : i32
    %broadcast_in_dim3A_312 = vector.broadcast %jit3A_311 : i32 to vector<16xi32>
    %select_n3A_313 = arith.select %eq3A_310, %convert_element_type3A, %broadcast_in_dim3A_312 : vector<16xi1>, vector<16xi32>
    %reduce_sum3A_314 = arith.constant true
    %reduce_sum3A_315 = vector.broadcast %reduce_sum3A_314 : i1 to vector<16xi1>
    %reduce_sum3A_316 = tpu.scan <sum>, %select_n3A_313 masked %reduce_sum3A_315 : vector<16xi32>, vector<16xi1> -> vector<16xi32>
    %reduce_sum3A_317 = vector.extract %reduce_sum3A_316[15] : i32 from vector<16xi32>
    %eq3A_318 = arith.constant 9 : i32
    %eq3A_319 = vector.broadcast %eq3A_318 : i32 to vector<16xi32>
    %eq3A_320 = arith.cmpi eq, %iota3A, %eq3A_319 : vector<16xi32>
    %jit3A_321 = arith.constant 0 : i32
    %broadcast_in_dim3A_322 = vector.broadcast %jit3A_321 : i32 to vector<16xi32>
    %select_n3A_323 = arith.select %eq3A_320, %convert_element_type3A, %broadcast_in_dim3A_322 : vector<16xi1>, vector<16xi32>
    %reduce_sum3A_324 = arith.constant true
    %reduce_sum3A_325 = vector.broadcast %reduce_sum3A_324 : i1 to vector<16xi1>
    %reduce_sum3A_326 = tpu.scan <sum>, %select_n3A_323 masked %reduce_sum3A_325 : vector<16xi32>, vector<16xi1> -> vector<16xi32>
    %reduce_sum3A_327 = vector.extract %reduce_sum3A_326[15] : i32 from vector<16xi32>
    %eq3A_328 = arith.constant 10 : i32
    %eq3A_329 = vector.broadcast %eq3A_328 : i32 to vector<16xi32>
    %eq3A_330 = arith.cmpi eq, %iota3A, %eq3A_329 : vector<16xi32>
    %jit3A_331 = arith.constant 0 : i32
    %broadcast_in_dim3A_332 = vector.broadcast %jit3A_331 : i32 to vector<16xi32>
    %select_n3A_333 = arith.select %eq3A_330, %convert_element_type3A, %broadcast_in_dim3A_332 : vector<16xi1>, vector<16xi32>
    %reduce_sum3A_334 = arith.constant true
    %reduce_sum3A_335 = vector.broadcast %reduce_sum3A_334 : i1 to vector<16xi1>
    %reduce_sum3A_336 = tpu.scan <sum>, %select_n3A_333 masked %reduce_sum3A_335 : vector<16xi32>, vector<16xi1> -> vector<16xi32>
    %reduce_sum3A_337 = vector.extract %reduce_sum3A_336[15] : i32 from vector<16xi32>
    %eq3A_338 = arith.constant 11 : i32
    %eq3A_339 = vector.broadcast %eq3A_338 : i32 to vector<16xi32>
    %eq3A_340 = arith.cmpi eq, %iota3A, %eq3A_339 : vector<16xi32>
    %jit3A_341 = arith.constant 0 : i32
    %broadcast_in_dim3A_342 = vector.broadcast %jit3A_341 : i32 to vector<16xi32>
    %select_n3A_343 = arith.select %eq3A_340, %convert_element_type3A, %broadcast_in_dim3A_342 : vector<16xi1>, vector<16xi32>
    %reduce_sum3A_344 = arith.constant true
    %reduce_sum3A_345 = vector.broadcast %reduce_sum3A_344 : i1 to vector<16xi1>
    %reduce_sum3A_346 = tpu.scan <sum>, %select_n3A_343 masked %reduce_sum3A_345 : vector<16xi32>, vector<16xi1> -> vector<16xi32>
    %reduce_sum3A_347 = vector.extract %reduce_sum3A_346[15] : i32 from vector<16xi32>
    %eq3A_348 = arith.constant 12 : i32
    %eq3A_349 = vector.broadcast %eq3A_348 : i32 to vector<16xi32>
    %eq3A_350 = arith.cmpi eq, %iota3A, %eq3A_349 : vector<16xi32>
    %jit3A_351 = arith.constant 0 : i32
    %broadcast_in_dim3A_352 = vector.broadcast %jit3A_351 : i32 to vector<16xi32>
    %select_n3A_353 = arith.select %eq3A_350, %convert_element_type3A, %broadcast_in_dim3A_352 : vector<16xi1>, vector<16xi32>
    %reduce_sum3A_354 = arith.constant true
    %reduce_sum3A_355 = vector.broadcast %reduce_sum3A_354 : i1 to vector<16xi1>
    %reduce_sum3A_356 = tpu.scan <sum>, %select_n3A_353 masked %reduce_sum3A_355 : vector<16xi32>, vector<16xi1> -> vector<16xi32>
    %reduce_sum3A_357 = vector.extract %reduce_sum3A_356[15] : i32 from vector<16xi32>
    %eq3A_358 = arith.constant 13 : i32
    %eq3A_359 = vector.broadcast %eq3A_358 : i32 to vector<16xi32>
    %eq3A_360 = arith.cmpi eq, %iota3A, %eq3A_359 : vector<16xi32>
    %jit3A_361 = arith.constant 0 : i32
    %broadcast_in_dim3A_362 = vector.broadcast %jit3A_361 : i32 to vector<16xi32>
    %select_n3A_363 = arith.select %eq3A_360, %convert_element_type3A, %broadcast_in_dim3A_362 : vector<16xi1>, vector<16xi32>
    %reduce_sum3A_364 = arith.constant true
    %reduce_sum3A_365 = vector.broadcast %reduce_sum3A_364 : i1 to vector<16xi1>
    %reduce_sum3A_366 = tpu.scan <sum>, %select_n3A_363 masked %reduce_sum3A_365 : vector<16xi32>, vector<16xi1> -> vector<16xi32>
    %reduce_sum3A_367 = vector.extract %reduce_sum3A_366[15] : i32 from vector<16xi32>
    %eq3A_368 = arith.constant 14 : i32
    %eq3A_369 = vector.broadcast %eq3A_368 : i32 to vector<16xi32>
    %eq3A_370 = arith.cmpi eq, %iota3A, %eq3A_369 : vector<16xi32>
    %jit3A_371 = arith.constant 0 : i32
    %broadcast_in_dim3A_372 = vector.broadcast %jit3A_371 : i32 to vector<16xi32>
    %select_n3A_373 = arith.select %eq3A_370, %convert_element_type3A, %broadcast_in_dim3A_372 : vector<16xi1>, vector<16xi32>
    %reduce_sum3A_374 = arith.constant true
    %reduce_sum3A_375 = vector.broadcast %reduce_sum3A_374 : i1 to vector<16xi1>
    %reduce_sum3A_376 = tpu.scan <sum>, %select_n3A_373 masked %reduce_sum3A_375 : vector<16xi32>, vector<16xi1> -> vector<16xi32>
    %reduce_sum3A_377 = vector.extract %reduce_sum3A_376[15] : i32 from vector<16xi32>
    %eq3A_378 = arith.constant 15 : i32
    %eq3A_379 = vector.broadcast %eq3A_378 : i32 to vector<16xi32>
    %eq3A_380 = arith.cmpi eq, %iota3A, %eq3A_379 : vector<16xi32>
    %jit3A_381 = arith.constant 0 : i32
    %broadcast_in_dim3A_382 = vector.broadcast %jit3A_381 : i32 to vector<16xi32>
    %select_n3A_383 = arith.select %eq3A_380, %convert_element_type3A, %broadcast_in_dim3A_382 : vector<16xi1>, vector<16xi32>
    %reduce_sum3A_384 = arith.constant true
    %reduce_sum3A_385 = vector.broadcast %reduce_sum3A_384 : i1 to vector<16xi1>
    %reduce_sum3A_386 = tpu.scan <sum>, %select_n3A_383 masked %reduce_sum3A_385 : vector<16xi32>, vector<16xi1> -> vector<16xi32>
    %reduce_sum3A_387 = vector.extract %reduce_sum3A_386[15] : i32 from vector<16xi32>
    %dma_start3A_388 = arith.constant 0 : i32
    %dma_start3A_389 = arith.constant 0 : i32
    %dma_start3A_390 = tpu.memref_slice %arg6[%dma_start3A_388, %dma_start3A_389] : memref<16x85xf32, #tpu.memory_space<vmem>> -> memref<1x85xf32, #tpu.memory_space<vmem>>
    %dma_start3A_391 = tpu.memref_squeeze %dma_start3A_390 : memref<1x85xf32, #tpu.memory_space<vmem>> -> memref<85xf32, #tpu.memory_space<vmem>>
    %dma_start3A_392 = arith.constant 0 : i32
    %dma_start3A_393 = tpu.memref_slice %arg2[%reduce_sum3A_237, %dma_start3A_392] : memref<76800x85xf32, #tpu.memory_space<hbm>> -> memref<1x85xf32, #tpu.memory_space<hbm>>
    %dma_start3A_394 = tpu.memref_squeeze %dma_start3A_393 : memref<1x85xf32, #tpu.memory_space<hbm>> -> memref<85xf32, #tpu.memory_space<hbm>>
    %dma_start3A_395 = arith.constant 0 : i32
    %dma_start3A_396 = tpu.memref_slice %arg6[%dma_start3A_388, %dma_start3A_395] : memref<16x85xf32, #tpu.memory_space<vmem>> -> memref<1x85xf32, #tpu.memory_space<vmem>>
    %dma_start3A_397 = tpu.memref_squeeze %dma_start3A_396 : memref<1x85xf32, #tpu.memory_space<vmem>> -> memref<85xf32, #tpu.memory_space<vmem>>
    %dma_start3A_398 = arith.constant 0 : i32
    %dma_start3A_399 = tpu.memref_slice %arg2[%reduce_sum3A_237, %dma_start3A_398] : memref<76800x85xf32, #tpu.memory_space<hbm>> -> memref<1x85xf32, #tpu.memory_space<hbm>>
    %dma_start3A_400 = tpu.memref_squeeze %dma_start3A_399 : memref<1x85xf32, #tpu.memory_space<hbm>> -> memref<85xf32, #tpu.memory_space<hbm>>
    tpu.enqueue_dma source(%dma_start3A_400 : memref<85xf32, #tpu.memory_space<hbm>>) target(%dma_start3A_397 : memref<85xf32, #tpu.memory_space<vmem>>) target_semaphore(%arg8 : memref<!tpu.dma_semaphore, #tpu.memory_space<semaphore_mem>>)
    %dma_start3A_401 = arith.constant 1 : i32
    %dma_start3A_402 = arith.constant 0 : i32
    %dma_start3A_403 = tpu.memref_slice %arg6[%dma_start3A_401, %dma_start3A_402] : memref<16x85xf32, #tpu.memory_space<vmem>> -> memref<1x85xf32, #tpu.memory_space<vmem>>
    %dma_start3A_404 = tpu.memref_squeeze %dma_start3A_403 : memref<1x85xf32, #tpu.memory_space<vmem>> -> memref<85xf32, #tpu.memory_space<vmem>>
    %dma_start3A_405 = arith.constant 0 : i32
    %dma_start3A_406 = tpu.memref_slice %arg2[%reduce_sum3A_247, %dma_start3A_405] : memref<76800x85xf32, #tpu.memory_space<hbm>> -> memref<1x85xf32, #tpu.memory_space<hbm>>
    %dma_start3A_407 = tpu.memref_squeeze %dma_start3A_406 : memref<1x85xf32, #tpu.memory_space<hbm>> -> memref<85xf32, #tpu.memory_space<hbm>>
    %dma_start3A_408 = arith.constant 0 : i32
    %dma_start3A_409 = tpu.memref_slice %arg6[%dma_start3A_401, %dma_start3A_408] : memref<16x85xf32, #tpu.memory_space<vmem>> -> memref<1x85xf32, #tpu.memory_space<vmem>>
    %dma_start3A_410 = tpu.memref_squeeze %dma_start3A_409 : memref<1x85xf32, #tpu.memory_space<vmem>> -> memref<85xf32, #tpu.memory_space<vmem>>
    %dma_start3A_411 = arith.constant 0 : i32
    %dma_start3A_412 = tpu.memref_slice %arg2[%reduce_sum3A_247, %dma_start3A_411] : memref<76800x85xf32, #tpu.memory_space<hbm>> -> memref<1x85xf32, #tpu.memory_space<hbm>>
    %dma_start3A_413 = tpu.memref_squeeze %dma_start3A_412 : memref<1x85xf32, #tpu.memory_space<hbm>> -> memref<85xf32, #tpu.memory_space<hbm>>
    tpu.enqueue_dma source(%dma_start3A_413 : memref<85xf32, #tpu.memory_space<hbm>>) target(%dma_start3A_410 : memref<85xf32, #tpu.memory_space<vmem>>) target_semaphore(%arg8 : memref<!tpu.dma_semaphore, #tpu.memory_space<semaphore_mem>>)
    %dma_start3A_414 = arith.constant 2 : i32
    %dma_start3A_415 = arith.constant 0 : i32
    %dma_start3A_416 = tpu.memref_slice %arg6[%dma_start3A_414, %dma_start3A_415] : memref<16x85xf32, #tpu.memory_space<vmem>> -> memref<1x85xf32, #tpu.memory_space<vmem>>
    %dma_start3A_417 = tpu.memref_squeeze %dma_start3A_416 : memref<1x85xf32, #tpu.memory_space<vmem>> -> memref<85xf32, #tpu.memory_space<vmem>>
    %dma_start3A_418 = arith.constant 0 : i32
    %dma_start3A_419 = tpu.memref_slice %arg2[%reduce_sum3A_257, %dma_start3A_418] : memref<76800x85xf32, #tpu.memory_space<hbm>> -> memref<1x85xf32, #tpu.memory_space<hbm>>
    %dma_start3A_420 = tpu.memref_squeeze %dma_start3A_419 : memref<1x85xf32, #tpu.memory_space<hbm>> -> memref<85xf32, #tpu.memory_space<hbm>>
    %dma_start3A_421 = arith.constant 0 : i32
    %dma_start3A_422 = tpu.memref_slice %arg6[%dma_start3A_414, %dma_start3A_421] : memref<16x85xf32, #tpu.memory_space<vmem>> -> memref<1x85xf32, #tpu.memory_space<vmem>>
    %dma_start3A_423 = tpu.memref_squeeze %dma_start3A_422 : memref<1x85xf32, #tpu.memory_space<vmem>> -> memref<85xf32, #tpu.memory_space<vmem>>
    %dma_start3A_424 = arith.constant 0 : i32
    %dma_start3A_425 = tpu.memref_slice %arg2[%reduce_sum3A_257, %dma_start3A_424] : memref<76800x85xf32, #tpu.memory_space<hbm>> -> memref<1x85xf32, #tpu.memory_space<hbm>>
    %dma_start3A_426 = tpu.memref_squeeze %dma_start3A_425 : memref<1x85xf32, #tpu.memory_space<hbm>> -> memref<85xf32, #tpu.memory_space<hbm>>
    tpu.enqueue_dma source(%dma_start3A_426 : memref<85xf32, #tpu.memory_space<hbm>>) target(%dma_start3A_423 : memref<85xf32, #tpu.memory_space<vmem>>) target_semaphore(%arg8 : memref<!tpu.dma_semaphore, #tpu.memory_space<semaphore_mem>>)
    %dma_start3A_427 = arith.constant 3 : i32
    %dma_start3A_428 = arith.constant 0 : i32
    %dma_start3A_429 = tpu.memref_slice %arg6[%dma_start3A_427, %dma_start3A_428] : memref<16x85xf32, #tpu.memory_space<vmem>> -> memref<1x85xf32, #tpu.memory_space<vmem>>
    %dma_start3A_430 = tpu.memref_squeeze %dma_start3A_429 : memref<1x85xf32, #tpu.memory_space<vmem>> -> memref<85xf32, #tpu.memory_space<vmem>>
    %dma_start3A_431 = arith.constant 0 : i32
    %dma_start3A_432 = tpu.memref_slice %arg2[%reduce_sum3A_267, %dma_start3A_431] : memref<76800x85xf32, #tpu.memory_space<hbm>> -> memref<1x85xf32, #tpu.memory_space<hbm>>
    %dma_start3A_433 = tpu.memref_squeeze %dma_start3A_432 : memref<1x85xf32, #tpu.memory_space<hbm>> -> memref<85xf32, #tpu.memory_space<hbm>>
    %dma_start3A_434 = arith.constant 0 : i32
    %dma_start3A_435 = tpu.memref_slice %arg6[%dma_start3A_427, %dma_start3A_434] : memref<16x85xf32, #tpu.memory_space<vmem>> -> memref<1x85xf32, #tpu.memory_space<vmem>>
    %dma_start3A_436 = tpu.memref_squeeze %dma_start3A_435 : memref<1x85xf32, #tpu.memory_space<vmem>> -> memref<85xf32, #tpu.memory_space<vmem>>
    %dma_start3A_437 = arith.constant 0 : i32
    %dma_start3A_438 = tpu.memref_slice %arg2[%reduce_sum3A_267, %dma_start3A_437] : memref<76800x85xf32, #tpu.memory_space<hbm>> -> memref<1x85xf32, #tpu.memory_space<hbm>>
    %dma_start3A_439 = tpu.memref_squeeze %dma_start3A_438 : memref<1x85xf32, #tpu.memory_space<hbm>> -> memref<85xf32, #tpu.memory_space<hbm>>
    tpu.enqueue_dma source(%dma_start3A_439 : memref<85xf32, #tpu.memory_space<hbm>>) target(%dma_start3A_436 : memref<85xf32, #tpu.memory_space<vmem>>) target_semaphore(%arg8 : memref<!tpu.dma_semaphore, #tpu.memory_space<semaphore_mem>>)
    %dma_start3A_440 = arith.constant 4 : i32
    %dma_start3A_441 = arith.constant 0 : i32
    %dma_start3A_442 = tpu.memref_slice %arg6[%dma_start3A_440, %dma_start3A_441] : memref<16x85xf32, #tpu.memory_space<vmem>> -> memref<1x85xf32, #tpu.memory_space<vmem>>
    %dma_start3A_443 = tpu.memref_squeeze %dma_start3A_442 : memref<1x85xf32, #tpu.memory_space<vmem>> -> memref<85xf32, #tpu.memory_space<vmem>>
    %dma_start3A_444 = arith.constant 0 : i32
    %dma_start3A_445 = tpu.memref_slice %arg2[%reduce_sum3A_277, %dma_start3A_444] : memref<76800x85xf32, #tpu.memory_space<hbm>> -> memref<1x85xf32, #tpu.memory_space<hbm>>
    %dma_start3A_446 = tpu.memref_squeeze %dma_start3A_445 : memref<1x85xf32, #tpu.memory_space<hbm>> -> memref<85xf32, #tpu.memory_space<hbm>>
    %dma_start3A_447 = arith.constant 0 : i32
    %dma_start3A_448 = tpu.memref_slice %arg6[%dma_start3A_440, %dma_start3A_447] : memref<16x85xf32, #tpu.memory_space<vmem>> -> memref<1x85xf32, #tpu.memory_space<vmem>>
    %dma_start3A_449 = tpu.memref_squeeze %dma_start3A_448 : memref<1x85xf32, #tpu.memory_space<vmem>> -> memref<85xf32, #tpu.memory_space<vmem>>
    %dma_start3A_450 = arith.constant 0 : i32
    %dma_start3A_451 = tpu.memref_slice %arg2[%reduce_sum3A_277, %dma_start3A_450] : memref<76800x85xf32, #tpu.memory_space<hbm>> -> memref<1x85xf32, #tpu.memory_space<hbm>>
    %dma_start3A_452 = tpu.memref_squeeze %dma_start3A_451 : memref<1x85xf32, #tpu.memory_space<hbm>> -> memref<85xf32, #tpu.memory_space<hbm>>
    tpu.enqueue_dma source(%dma_start3A_452 : memref<85xf32, #tpu.memory_space<hbm>>) target(%dma_start3A_449 : memref<85xf32, #tpu.memory_space<vmem>>) target_semaphore(%arg8 : memref<!tpu.dma_semaphore, #tpu.memory_space<semaphore_mem>>)
    %dma_start3A_453 = arith.constant 5 : i32
    %dma_start3A_454 = arith.constant 0 : i32
    %dma_start3A_455 = tpu.memref_slice %arg6[%dma_start3A_453, %dma_start3A_454] : memref<16x85xf32, #tpu.memory_space<vmem>> -> memref<1x85xf32, #tpu.memory_space<vmem>>
    %dma_start3A_456 = tpu.memref_squeeze %dma_start3A_455 : memref<1x85xf32, #tpu.memory_space<vmem>> -> memref<85xf32, #tpu.memory_space<vmem>>
    %dma_start3A_457 = arith.constant 0 : i32
    %dma_start3A_458 = tpu.memref_slice %arg2[%reduce_sum3A_287, %dma_start3A_457] : memref<76800x85xf32, #tpu.memory_space<hbm>> -> memref<1x85xf32, #tpu.memory_space<hbm>>
    %dma_start3A_459 = tpu.memref_squeeze %dma_start3A_458 : memref<1x85xf32, #tpu.memory_space<hbm>> -> memref<85xf32, #tpu.memory_space<hbm>>
    %dma_start3A_460 = arith.constant 0 : i32
    %dma_start3A_461 = tpu.memref_slice %arg6[%dma_start3A_453, %dma_start3A_460] : memref<16x85xf32, #tpu.memory_space<vmem>> -> memref<1x85xf32, #tpu.memory_space<vmem>>
    %dma_start3A_462 = tpu.memref_squeeze %dma_start3A_461 : memref<1x85xf32, #tpu.memory_space<vmem>> -> memref<85xf32, #tpu.memory_space<vmem>>
    %dma_start3A_463 = arith.constant 0 : i32
    %dma_start3A_464 = tpu.memref_slice %arg2[%reduce_sum3A_287, %dma_start3A_463] : memref<76800x85xf32, #tpu.memory_space<hbm>> -> memref<1x85xf32, #tpu.memory_space<hbm>>
    %dma_start3A_465 = tpu.memref_squeeze %dma_start3A_464 : memref<1x85xf32, #tpu.memory_space<hbm>> -> memref<85xf32, #tpu.memory_space<hbm>>
    tpu.enqueue_dma source(%dma_start3A_465 : memref<85xf32, #tpu.memory_space<hbm>>) target(%dma_start3A_462 : memref<85xf32, #tpu.memory_space<vmem>>) target_semaphore(%arg8 : memref<!tpu.dma_semaphore, #tpu.memory_space<semaphore_mem>>)
    %dma_start3A_466 = arith.constant 6 : i32
    %dma_start3A_467 = arith.constant 0 : i32
    %dma_start3A_468 = tpu.memref_slice %arg6[%dma_start3A_466, %dma_start3A_467] : memref<16x85xf32, #tpu.memory_space<vmem>> -> memref<1x85xf32, #tpu.memory_space<vmem>>
    %dma_start3A_469 = tpu.memref_squeeze %dma_start3A_468 : memref<1x85xf32, #tpu.memory_space<vmem>> -> memref<85xf32, #tpu.memory_space<vmem>>
    %dma_start3A_470 = arith.constant 0 : i32
    %dma_start3A_471 = tpu.memref_slice %arg2[%reduce_sum3A_297, %dma_start3A_470] : memref<76800x85xf32, #tpu.memory_space<hbm>> -> memref<1x85xf32, #tpu.memory_space<hbm>>
    %dma_start3A_472 = tpu.memref_squeeze %dma_start3A_471 : memref<1x85xf32, #tpu.memory_space<hbm>> -> memref<85xf32, #tpu.memory_space<hbm>>
    %dma_start3A_473 = arith.constant 0 : i32
    %dma_start3A_474 = tpu.memref_slice %arg6[%dma_start3A_466, %dma_start3A_473] : memref<16x85xf32, #tpu.memory_space<vmem>> -> memref<1x85xf32, #tpu.memory_space<vmem>>
    %dma_start3A_475 = tpu.memref_squeeze %dma_start3A_474 : memref<1x85xf32, #tpu.memory_space<vmem>> -> memref<85xf32, #tpu.memory_space<vmem>>
    %dma_start3A_476 = arith.constant 0 : i32
    %dma_start3A_477 = tpu.memref_slice %arg2[%reduce_sum3A_297, %dma_start3A_476] : memref<76800x85xf32, #tpu.memory_space<hbm>> -> memref<1x85xf32, #tpu.memory_space<hbm>>
    %dma_start3A_478 = tpu.memref_squeeze %dma_start3A_477 : memref<1x85xf32, #tpu.memory_space<hbm>> -> memref<85xf32, #tpu.memory_space<hbm>>
    tpu.enqueue_dma source(%dma_start3A_478 : memref<85xf32, #tpu.memory_space<hbm>>) target(%dma_start3A_475 : memref<85xf32, #tpu.memory_space<vmem>>) target_semaphore(%arg8 : memref<!tpu.dma_semaphore, #tpu.memory_space<semaphore_mem>>)
    %dma_start3A_479 = arith.constant 7 : i32
    %dma_start3A_480 = arith.constant 0 : i32
    %dma_start3A_481 = tpu.memref_slice %arg6[%dma_start3A_479, %dma_start3A_480] : memref<16x85xf32, #tpu.memory_space<vmem>> -> memref<1x85xf32, #tpu.memory_space<vmem>>
    %dma_start3A_482 = tpu.memref_squeeze %dma_start3A_481 : memref<1x85xf32, #tpu.memory_space<vmem>> -> memref<85xf32, #tpu.memory_space<vmem>>
    %dma_start3A_483 = arith.constant 0 : i32
    %dma_start3A_484 = tpu.memref_slice %arg2[%reduce_sum3A_307, %dma_start3A_483] : memref<76800x85xf32, #tpu.memory_space<hbm>> -> memref<1x85xf32, #tpu.memory_space<hbm>>
    %dma_start3A_485 = tpu.memref_squeeze %dma_start3A_484 : memref<1x85xf32, #tpu.memory_space<hbm>> -> memref<85xf32, #tpu.memory_space<hbm>>
    %dma_start3A_486 = arith.constant 0 : i32
    %dma_start3A_487 = tpu.memref_slice %arg6[%dma_start3A_479, %dma_start3A_486] : memref<16x85xf32, #tpu.memory_space<vmem>> -> memref<1x85xf32, #tpu.memory_space<vmem>>
    %dma_start3A_488 = tpu.memref_squeeze %dma_start3A_487 : memref<1x85xf32, #tpu.memory_space<vmem>> -> memref<85xf32, #tpu.memory_space<vmem>>
    %dma_start3A_489 = arith.constant 0 : i32
    %dma_start3A_490 = tpu.memref_slice %arg2[%reduce_sum3A_307, %dma_start3A_489] : memref<76800x85xf32, #tpu.memory_space<hbm>> -> memref<1x85xf32, #tpu.memory_space<hbm>>
    %dma_start3A_491 = tpu.memref_squeeze %dma_start3A_490 : memref<1x85xf32, #tpu.memory_space<hbm>> -> memref<85xf32, #tpu.memory_space<hbm>>
    tpu.enqueue_dma source(%dma_start3A_491 : memref<85xf32, #tpu.memory_space<hbm>>) target(%dma_start3A_488 : memref<85xf32, #tpu.memory_space<vmem>>) target_semaphore(%arg8 : memref<!tpu.dma_semaphore, #tpu.memory_space<semaphore_mem>>)
    %dma_start3A_492 = arith.constant 8 : i32
    %dma_start3A_493 = arith.constant 0 : i32
    %dma_start3A_494 = tpu.memref_slice %arg6[%dma_start3A_492, %dma_start3A_493] : memref<16x85xf32, #tpu.memory_space<vmem>> -> memref<1x85xf32, #tpu.memory_space<vmem>>
    %dma_start3A_495 = tpu.memref_squeeze %dma_start3A_494 : memref<1x85xf32, #tpu.memory_space<vmem>> -> memref<85xf32, #tpu.memory_space<vmem>>
    %dma_start3A_496 = arith.constant 0 : i32
    %dma_start3A_497 = tpu.memref_slice %arg2[%reduce_sum3A_317, %dma_start3A_496] : memref<76800x85xf32, #tpu.memory_space<hbm>> -> memref<1x85xf32, #tpu.memory_space<hbm>>
    %dma_start3A_498 = tpu.memref_squeeze %dma_start3A_497 : memref<1x85xf32, #tpu.memory_space<hbm>> -> memref<85xf32, #tpu.memory_space<hbm>>
    %dma_start3A_499 = arith.constant 0 : i32
    %dma_start3A_500 = tpu.memref_slice %arg6[%dma_start3A_492, %dma_start3A_499] : memref<16x85xf32, #tpu.memory_space<vmem>> -> memref<1x85xf32, #tpu.memory_space<vmem>>
    %dma_start3A_501 = tpu.memref_squeeze %dma_start3A_500 : memref<1x85xf32, #tpu.memory_space<vmem>> -> memref<85xf32, #tpu.memory_space<vmem>>
    %dma_start3A_502 = arith.constant 0 : i32
    %dma_start3A_503 = tpu.memref_slice %arg2[%reduce_sum3A_317, %dma_start3A_502] : memref<76800x85xf32, #tpu.memory_space<hbm>> -> memref<1x85xf32, #tpu.memory_space<hbm>>
    %dma_start3A_504 = tpu.memref_squeeze %dma_start3A_503 : memref<1x85xf32, #tpu.memory_space<hbm>> -> memref<85xf32, #tpu.memory_space<hbm>>
    tpu.enqueue_dma source(%dma_start3A_504 : memref<85xf32, #tpu.memory_space<hbm>>) target(%dma_start3A_501 : memref<85xf32, #tpu.memory_space<vmem>>) target_semaphore(%arg8 : memref<!tpu.dma_semaphore, #tpu.memory_space<semaphore_mem>>)
    %dma_start3A_505 = arith.constant 9 : i32
    %dma_start3A_506 = arith.constant 0 : i32
    %dma_start3A_507 = tpu.memref_slice %arg6[%dma_start3A_505, %dma_start3A_506] : memref<16x85xf32, #tpu.memory_space<vmem>> -> memref<1x85xf32, #tpu.memory_space<vmem>>
    %dma_start3A_508 = tpu.memref_squeeze %dma_start3A_507 : memref<1x85xf32, #tpu.memory_space<vmem>> -> memref<85xf32, #tpu.memory_space<vmem>>
    %dma_start3A_509 = arith.constant 0 : i32
    %dma_start3A_510 = tpu.memref_slice %arg2[%reduce_sum3A_327, %dma_start3A_509] : memref<76800x85xf32, #tpu.memory_space<hbm>> -> memref<1x85xf32, #tpu.memory_space<hbm>>
    %dma_start3A_511 = tpu.memref_squeeze %dma_start3A_510 : memref<1x85xf32, #tpu.memory_space<hbm>> -> memref<85xf32, #tpu.memory_space<hbm>>
    %dma_start3A_512 = arith.constant 0 : i32
    %dma_start3A_513 = tpu.memref_slice %arg6[%dma_start3A_505, %dma_start3A_512] : memref<16x85xf32, #tpu.memory_space<vmem>> -> memref<1x85xf32, #tpu.memory_space<vmem>>
    %dma_start3A_514 = tpu.memref_squeeze %dma_start3A_513 : memref<1x85xf32, #tpu.memory_space<vmem>> -> memref<85xf32, #tpu.memory_space<vmem>>
    %dma_start3A_515 = arith.constant 0 : i32
    %dma_start3A_516 = tpu.memref_slice %arg2[%reduce_sum3A_327, %dma_start3A_515] : memref<76800x85xf32, #tpu.memory_space<hbm>> -> memref<1x85xf32, #tpu.memory_space<hbm>>
    %dma_start3A_517 = tpu.memref_squeeze %dma_start3A_516 : memref<1x85xf32, #tpu.memory_space<hbm>> -> memref<85xf32, #tpu.memory_space<hbm>>
    tpu.enqueue_dma source(%dma_start3A_517 : memref<85xf32, #tpu.memory_space<hbm>>) target(%dma_start3A_514 : memref<85xf32, #tpu.memory_space<vmem>>) target_semaphore(%arg8 : memref<!tpu.dma_semaphore, #tpu.memory_space<semaphore_mem>>)
    %dma_start3A_518 = arith.constant 10 : i32
    %dma_start3A_519 = arith.constant 0 : i32
    %dma_start3A_520 = tpu.memref_slice %arg6[%dma_start3A_518, %dma_start3A_519] : memref<16x85xf32, #tpu.memory_space<vmem>> -> memref<1x85xf32, #tpu.memory_space<vmem>>
    %dma_start3A_521 = tpu.memref_squeeze %dma_start3A_520 : memref<1x85xf32, #tpu.memory_space<vmem>> -> memref<85xf32, #tpu.memory_space<vmem>>
    %dma_start3A_522 = arith.constant 0 : i32
    %dma_start3A_523 = tpu.memref_slice %arg2[%reduce_sum3A_337, %dma_start3A_522] : memref<76800x85xf32, #tpu.memory_space<hbm>> -> memref<1x85xf32, #tpu.memory_space<hbm>>
    %dma_start3A_524 = tpu.memref_squeeze %dma_start3A_523 : memref<1x85xf32, #tpu.memory_space<hbm>> -> memref<85xf32, #tpu.memory_space<hbm>>
    %dma_start3A_525 = arith.constant 0 : i32
    %dma_start3A_526 = tpu.memref_slice %arg6[%dma_start3A_518, %dma_start3A_525] : memref<16x85xf32, #tpu.memory_space<vmem>> -> memref<1x85xf32, #tpu.memory_space<vmem>>
    %dma_start3A_527 = tpu.memref_squeeze %dma_start3A_526 : memref<1x85xf32, #tpu.memory_space<vmem>> -> memref<85xf32, #tpu.memory_space<vmem>>
    %dma_start3A_528 = arith.constant 0 : i32
    %dma_start3A_529 = tpu.memref_slice %arg2[%reduce_sum3A_337, %dma_start3A_528] : memref<76800x85xf32, #tpu.memory_space<hbm>> -> memref<1x85xf32, #tpu.memory_space<hbm>>
    %dma_start3A_530 = tpu.memref_squeeze %dma_start3A_529 : memref<1x85xf32, #tpu.memory_space<hbm>> -> memref<85xf32, #tpu.memory_space<hbm>>
    tpu.enqueue_dma source(%dma_start3A_530 : memref<85xf32, #tpu.memory_space<hbm>>) target(%dma_start3A_527 : memref<85xf32, #tpu.memory_space<vmem>>) target_semaphore(%arg8 : memref<!tpu.dma_semaphore, #tpu.memory_space<semaphore_mem>>)
    %dma_start3A_531 = arith.constant 11 : i32
    %dma_start3A_532 = arith.constant 0 : i32
    %dma_start3A_533 = tpu.memref_slice %arg6[%dma_start3A_531, %dma_start3A_532] : memref<16x85xf32, #tpu.memory_space<vmem>> -> memref<1x85xf32, #tpu.memory_space<vmem>>
    %dma_start3A_534 = tpu.memref_squeeze %dma_start3A_533 : memref<1x85xf32, #tpu.memory_space<vmem>> -> memref<85xf32, #tpu.memory_space<vmem>>
    %dma_start3A_535 = arith.constant 0 : i32
    %dma_start3A_536 = tpu.memref_slice %arg2[%reduce_sum3A_347, %dma_start3A_535] : memref<76800x85xf32, #tpu.memory_space<hbm>> -> memref<1x85xf32, #tpu.memory_space<hbm>>
    %dma_start3A_537 = tpu.memref_squeeze %dma_start3A_536 : memref<1x85xf32, #tpu.memory_space<hbm>> -> memref<85xf32, #tpu.memory_space<hbm>>
    %dma_start3A_538 = arith.constant 0 : i32
    %dma_start3A_539 = tpu.memref_slice %arg6[%dma_start3A_531, %dma_start3A_538] : memref<16x85xf32, #tpu.memory_space<vmem>> -> memref<1x85xf32, #tpu.memory_space<vmem>>
    %dma_start3A_540 = tpu.memref_squeeze %dma_start3A_539 : memref<1x85xf32, #tpu.memory_space<vmem>> -> memref<85xf32, #tpu.memory_space<vmem>>
    %dma_start3A_541 = arith.constant 0 : i32
    %dma_start3A_542 = tpu.memref_slice %arg2[%reduce_sum3A_347, %dma_start3A_541] : memref<76800x85xf32, #tpu.memory_space<hbm>> -> memref<1x85xf32, #tpu.memory_space<hbm>>
    %dma_start3A_543 = tpu.memref_squeeze %dma_start3A_542 : memref<1x85xf32, #tpu.memory_space<hbm>> -> memref<85xf32, #tpu.memory_space<hbm>>
    tpu.enqueue_dma source(%dma_start3A_543 : memref<85xf32, #tpu.memory_space<hbm>>) target(%dma_start3A_540 : memref<85xf32, #tpu.memory_space<vmem>>) target_semaphore(%arg8 : memref<!tpu.dma_semaphore, #tpu.memory_space<semaphore_mem>>)
    %dma_start3A_544 = arith.constant 12 : i32
    %dma_start3A_545 = arith.constant 0 : i32
    %dma_start3A_546 = tpu.memref_slice %arg6[%dma_start3A_544, %dma_start3A_545] : memref<16x85xf32, #tpu.memory_space<vmem>> -> memref<1x85xf32, #tpu.memory_space<vmem>>
    %dma_start3A_547 = tpu.memref_squeeze %dma_start3A_546 : memref<1x85xf32, #tpu.memory_space<vmem>> -> memref<85xf32, #tpu.memory_space<vmem>>
    %dma_start3A_548 = arith.constant 0 : i32
    %dma_start3A_549 = tpu.memref_slice %arg2[%reduce_sum3A_357, %dma_start3A_548] : memref<76800x85xf32, #tpu.memory_space<hbm>> -> memref<1x85xf32, #tpu.memory_space<hbm>>
    %dma_start3A_550 = tpu.memref_squeeze %dma_start3A_549 : memref<1x85xf32, #tpu.memory_space<hbm>> -> memref<85xf32, #tpu.memory_space<hbm>>
    %dma_start3A_551 = arith.constant 0 : i32
    %dma_start3A_552 = tpu.memref_slice %arg6[%dma_start3A_544, %dma_start3A_551] : memref<16x85xf32, #tpu.memory_space<vmem>> -> memref<1x85xf32, #tpu.memory_space<vmem>>
    %dma_start3A_553 = tpu.memref_squeeze %dma_start3A_552 : memref<1x85xf32, #tpu.memory_space<vmem>> -> memref<85xf32, #tpu.memory_space<vmem>>
    %dma_start3A_554 = arith.constant 0 : i32
    %dma_start3A_555 = tpu.memref_slice %arg2[%reduce_sum3A_357, %dma_start3A_554] : memref<76800x85xf32, #tpu.memory_space<hbm>> -> memref<1x85xf32, #tpu.memory_space<hbm>>
    %dma_start3A_556 = tpu.memref_squeeze %dma_start3A_555 : memref<1x85xf32, #tpu.memory_space<hbm>> -> memref<85xf32, #tpu.memory_space<hbm>>
    tpu.enqueue_dma source(%dma_start3A_556 : memref<85xf32, #tpu.memory_space<hbm>>) target(%dma_start3A_553 : memref<85xf32, #tpu.memory_space<vmem>>) target_semaphore(%arg8 : memref<!tpu.dma_semaphore, #tpu.memory_space<semaphore_mem>>)
    %dma_start3A_557 = arith.constant 13 : i32
    %dma_start3A_558 = arith.constant 0 : i32
    %dma_start3A_559 = tpu.memref_slice %arg6[%dma_start3A_557, %dma_start3A_558] : memref<16x85xf32, #tpu.memory_space<vmem>> -> memref<1x85xf32, #tpu.memory_space<vmem>>
    %dma_start3A_560 = tpu.memref_squeeze %dma_start3A_559 : memref<1x85xf32, #tpu.memory_space<vmem>> -> memref<85xf32, #tpu.memory_space<vmem>>
    %dma_start3A_561 = arith.constant 0 : i32
    %dma_start3A_562 = tpu.memref_slice %arg2[%reduce_sum3A_367, %dma_start3A_561] : memref<76800x85xf32, #tpu.memory_space<hbm>> -> memref<1x85xf32, #tpu.memory_space<hbm>>
    %dma_start3A_563 = tpu.memref_squeeze %dma_start3A_562 : memref<1x85xf32, #tpu.memory_space<hbm>> -> memref<85xf32, #tpu.memory_space<hbm>>
    %dma_start3A_564 = arith.constant 0 : i32
    %dma_start3A_565 = tpu.memref_slice %arg6[%dma_start3A_557, %dma_start3A_564] : memref<16x85xf32, #tpu.memory_space<vmem>> -> memref<1x85xf32, #tpu.memory_space<vmem>>
    %dma_start3A_566 = tpu.memref_squeeze %dma_start3A_565 : memref<1x85xf32, #tpu.memory_space<vmem>> -> memref<85xf32, #tpu.memory_space<vmem>>
    %dma_start3A_567 = arith.constant 0 : i32
    %dma_start3A_568 = tpu.memref_slice %arg2[%reduce_sum3A_367, %dma_start3A_567] : memref<76800x85xf32, #tpu.memory_space<hbm>> -> memref<1x85xf32, #tpu.memory_space<hbm>>
    %dma_start3A_569 = tpu.memref_squeeze %dma_start3A_568 : memref<1x85xf32, #tpu.memory_space<hbm>> -> memref<85xf32, #tpu.memory_space<hbm>>
    tpu.enqueue_dma source(%dma_start3A_569 : memref<85xf32, #tpu.memory_space<hbm>>) target(%dma_start3A_566 : memref<85xf32, #tpu.memory_space<vmem>>) target_semaphore(%arg8 : memref<!tpu.dma_semaphore, #tpu.memory_space<semaphore_mem>>)
    %dma_start3A_570 = arith.constant 14 : i32
    %dma_start3A_571 = arith.constant 0 : i32
    %dma_start3A_572 = tpu.memref_slice %arg6[%dma_start3A_570, %dma_start3A_571] : memref<16x85xf32, #tpu.memory_space<vmem>> -> memref<1x85xf32, #tpu.memory_space<vmem>>
    %dma_start3A_573 = tpu.memref_squeeze %dma_start3A_572 : memref<1x85xf32, #tpu.memory_space<vmem>> -> memref<85xf32, #tpu.memory_space<vmem>>
    %dma_start3A_574 = arith.constant 0 : i32
    %dma_start3A_575 = tpu.memref_slice %arg2[%reduce_sum3A_377, %dma_start3A_574] : memref<76800x85xf32, #tpu.memory_space<hbm>> -> memref<1x85xf32, #tpu.memory_space<hbm>>
    %dma_start3A_576 = tpu.memref_squeeze %dma_start3A_575 : memref<1x85xf32, #tpu.memory_space<hbm>> -> memref<85xf32, #tpu.memory_space<hbm>>
    %dma_start3A_577 = arith.constant 0 : i32
    %dma_start3A_578 = tpu.memref_slice %arg6[%dma_start3A_570, %dma_start3A_577] : memref<16x85xf32, #tpu.memory_space<vmem>> -> memref<1x85xf32, #tpu.memory_space<vmem>>
    %dma_start3A_579 = tpu.memref_squeeze %dma_start3A_578 : memref<1x85xf32, #tpu.memory_space<vmem>> -> memref<85xf32, #tpu.memory_space<vmem>>
    %dma_start3A_580 = arith.constant 0 : i32
    %dma_start3A_581 = tpu.memref_slice %arg2[%reduce_sum3A_377, %dma_start3A_580] : memref<76800x85xf32, #tpu.memory_space<hbm>> -> memref<1x85xf32, #tpu.memory_space<hbm>>
    %dma_start3A_582 = tpu.memref_squeeze %dma_start3A_581 : memref<1x85xf32, #tpu.memory_space<hbm>> -> memref<85xf32, #tpu.memory_space<hbm>>
    tpu.enqueue_dma source(%dma_start3A_582 : memref<85xf32, #tpu.memory_space<hbm>>) target(%dma_start3A_579 : memref<85xf32, #tpu.memory_space<vmem>>) target_semaphore(%arg8 : memref<!tpu.dma_semaphore, #tpu.memory_space<semaphore_mem>>)
    %dma_start3A_583 = arith.constant 15 : i32
    %dma_start3A_584 = arith.constant 0 : i32
    %dma_start3A_585 = tpu.memref_slice %arg6[%dma_start3A_583, %dma_start3A_584] : memref<16x85xf32, #tpu.memory_space<vmem>> -> memref<1x85xf32, #tpu.memory_space<vmem>>
    %dma_start3A_586 = tpu.memref_squeeze %dma_start3A_585 : memref<1x85xf32, #tpu.memory_space<vmem>> -> memref<85xf32, #tpu.memory_space<vmem>>
    %dma_start3A_587 = arith.constant 0 : i32
    %dma_start3A_588 = tpu.memref_slice %arg2[%reduce_sum3A_387, %dma_start3A_587] : memref<76800x85xf32, #tpu.memory_space<hbm>> -> memref<1x85xf32, #tpu.memory_space<hbm>>
    %dma_start3A_589 = tpu.memref_squeeze %dma_start3A_588 : memref<1x85xf32, #tpu.memory_space<hbm>> -> memref<85xf32, #tpu.memory_space<hbm>>
    %dma_start3A_590 = arith.constant 0 : i32
    %dma_start3A_591 = tpu.memref_slice %arg6[%dma_start3A_583, %dma_start3A_590] : memref<16x85xf32, #tpu.memory_space<vmem>> -> memref<1x85xf32, #tpu.memory_space<vmem>>
    %dma_start3A_592 = tpu.memref_squeeze %dma_start3A_591 : memref<1x85xf32, #tpu.memory_space<vmem>> -> memref<85xf32, #tpu.memory_space<vmem>>
    %dma_start3A_593 = arith.constant 0 : i32
    %dma_start3A_594 = tpu.memref_slice %arg2[%reduce_sum3A_387, %dma_start3A_593] : memref<76800x85xf32, #tpu.memory_space<hbm>> -> memref<1x85xf32, #tpu.memory_space<hbm>>
    %dma_start3A_595 = tpu.memref_squeeze %dma_start3A_594 : memref<1x85xf32, #tpu.memory_space<hbm>> -> memref<85xf32, #tpu.memory_space<hbm>>
    tpu.enqueue_dma source(%dma_start3A_595 : memref<85xf32, #tpu.memory_space<hbm>>) target(%dma_start3A_592 : memref<85xf32, #tpu.memory_space<vmem>>) target_semaphore(%arg8 : memref<!tpu.dma_semaphore, #tpu.memory_space<semaphore_mem>>)
    %dma_wait3A_596 = arith.constant 0 : i32
    %dma_wait3A_597 = arith.constant 0 : i32
    %dma_wait3A_598 = tpu.memref_slice %arg6[%dma_wait3A_596, %dma_wait3A_597] : memref<16x85xf32, #tpu.memory_space<vmem>> -> memref<1x85xf32, #tpu.memory_space<vmem>>
    %dma_wait3A_599 = tpu.memref_squeeze %dma_wait3A_598 : memref<1x85xf32, #tpu.memory_space<vmem>> -> memref<85xf32, #tpu.memory_space<vmem>>
    %dma_wait3A_600 = arith.constant 0 : i32
    %dma_wait3A_601 = tpu.memref_slice %arg2[%reduce_sum3A_237, %dma_wait3A_600] : memref<76800x85xf32, #tpu.memory_space<hbm>> -> memref<1x85xf32, #tpu.memory_space<hbm>>
    %dma_wait3A_602 = tpu.memref_squeeze %dma_wait3A_601 : memref<1x85xf32, #tpu.memory_space<hbm>> -> memref<85xf32, #tpu.memory_space<hbm>>
    %dma_wait3A_603 = arith.constant 0 : i32
    %dma_wait3A_604 = tpu.memref_slice %arg6[%dma_wait3A_596, %dma_wait3A_603] : memref<16x85xf32, #tpu.memory_space<vmem>> -> memref<1x85xf32, #tpu.memory_space<vmem>>
    %dma_wait3A_605 = tpu.memref_squeeze %dma_wait3A_604 : memref<1x85xf32, #tpu.memory_space<vmem>> -> memref<85xf32, #tpu.memory_space<vmem>>
    %dma_wait3A_606 = arith.constant 0 : i32
    %dma_wait3A_607 = tpu.memref_slice %arg2[%reduce_sum3A_237, %dma_wait3A_606] : memref<76800x85xf32, #tpu.memory_space<hbm>> -> memref<1x85xf32, #tpu.memory_space<hbm>>
    %dma_wait3A_608 = tpu.memref_squeeze %dma_wait3A_607 : memref<1x85xf32, #tpu.memory_space<hbm>> -> memref<85xf32, #tpu.memory_space<hbm>>
    tpu.wait_dma2 semaphore(%arg8 : memref<!tpu.dma_semaphore, #tpu.memory_space<semaphore_mem>>) src(%dma_wait3A_608 : memref<85xf32, #tpu.memory_space<hbm>>) dst(%dma_wait3A_605 : memref<85xf32, #tpu.memory_space<vmem>>)
    %dma_wait3A_609 = arith.constant 1 : i32
    %dma_wait3A_610 = arith.constant 0 : i32
    %dma_wait3A_611 = tpu.memref_slice %arg6[%dma_wait3A_609, %dma_wait3A_610] : memref<16x85xf32, #tpu.memory_space<vmem>> -> memref<1x85xf32, #tpu.memory_space<vmem>>
    %dma_wait3A_612 = tpu.memref_squeeze %dma_wait3A_611 : memref<1x85xf32, #tpu.memory_space<vmem>> -> memref<85xf32, #tpu.memory_space<vmem>>
    %dma_wait3A_613 = arith.constant 0 : i32
    %dma_wait3A_614 = tpu.memref_slice %arg2[%reduce_sum3A_247, %dma_wait3A_613] : memref<76800x85xf32, #tpu.memory_space<hbm>> -> memref<1x85xf32, #tpu.memory_space<hbm>>
    %dma_wait3A_615 = tpu.memref_squeeze %dma_wait3A_614 : memref<1x85xf32, #tpu.memory_space<hbm>> -> memref<85xf32, #tpu.memory_space<hbm>>
    %dma_wait3A_616 = arith.constant 0 : i32
    %dma_wait3A_617 = tpu.memref_slice %arg6[%dma_wait3A_609, %dma_wait3A_616] : memref<16x85xf32, #tpu.memory_space<vmem>> -> memref<1x85xf32, #tpu.memory_space<vmem>>
    %dma_wait3A_618 = tpu.memref_squeeze %dma_wait3A_617 : memref<1x85xf32, #tpu.memory_space<vmem>> -> memref<85xf32, #tpu.memory_space<vmem>>
    %dma_wait3A_619 = arith.constant 0 : i32
    %dma_wait3A_620 = tpu.memref_slice %arg2[%reduce_sum3A_247, %dma_wait3A_619] : memref<76800x85xf32, #tpu.memory_space<hbm>> -> memref<1x85xf32, #tpu.memory_space<hbm>>
    %dma_wait3A_621 = tpu.memref_squeeze %dma_wait3A_620 : memref<1x85xf32, #tpu.memory_space<hbm>> -> memref<85xf32, #tpu.memory_space<hbm>>
    tpu.wait_dma2 semaphore(%arg8 : memref<!tpu.dma_semaphore, #tpu.memory_space<semaphore_mem>>) src(%dma_wait3A_621 : memref<85xf32, #tpu.memory_space<hbm>>) dst(%dma_wait3A_618 : memref<85xf32, #tpu.memory_space<vmem>>)
    %dma_wait3A_622 = arith.constant 2 : i32
    %dma_wait3A_623 = arith.constant 0 : i32
    %dma_wait3A_624 = tpu.memref_slice %arg6[%dma_wait3A_622, %dma_wait3A_623] : memref<16x85xf32, #tpu.memory_space<vmem>> -> memref<1x85xf32, #tpu.memory_space<vmem>>
    %dma_wait3A_625 = tpu.memref_squeeze %dma_wait3A_624 : memref<1x85xf32, #tpu.memory_space<vmem>> -> memref<85xf32, #tpu.memory_space<vmem>>
    %dma_wait3A_626 = arith.constant 0 : i32
    %dma_wait3A_627 = tpu.memref_slice %arg2[%reduce_sum3A_257, %dma_wait3A_626] : memref<76800x85xf32, #tpu.memory_space<hbm>> -> memref<1x85xf32, #tpu.memory_space<hbm>>
    %dma_wait3A_628 = tpu.memref_squeeze %dma_wait3A_627 : memref<1x85xf32, #tpu.memory_space<hbm>> -> memref<85xf32, #tpu.memory_space<hbm>>
    %dma_wait3A_629 = arith.constant 0 : i32
    %dma_wait3A_630 = tpu.memref_slice %arg6[%dma_wait3A_622, %dma_wait3A_629] : memref<16x85xf32, #tpu.memory_space<vmem>> -> memref<1x85xf32, #tpu.memory_space<vmem>>
    %dma_wait3A_631 = tpu.memref_squeeze %dma_wait3A_630 : memref<1x85xf32, #tpu.memory_space<vmem>> -> memref<85xf32, #tpu.memory_space<vmem>>
    %dma_wait3A_632 = arith.constant 0 : i32
    %dma_wait3A_633 = tpu.memref_slice %arg2[%reduce_sum3A_257, %dma_wait3A_632] : memref<76800x85xf32, #tpu.memory_space<hbm>> -> memref<1x85xf32, #tpu.memory_space<hbm>>
    %dma_wait3A_634 = tpu.memref_squeeze %dma_wait3A_633 : memref<1x85xf32, #tpu.memory_space<hbm>> -> memref<85xf32, #tpu.memory_space<hbm>>
    tpu.wait_dma2 semaphore(%arg8 : memref<!tpu.dma_semaphore, #tpu.memory_space<semaphore_mem>>) src(%dma_wait3A_634 : memref<85xf32, #tpu.memory_space<hbm>>) dst(%dma_wait3A_631 : memref<85xf32, #tpu.memory_space<vmem>>)
    %dma_wait3A_635 = arith.constant 3 : i32
    %dma_wait3A_636 = arith.constant 0 : i32
    %dma_wait3A_637 = tpu.memref_slice %arg6[%dma_wait3A_635, %dma_wait3A_636] : memref<16x85xf32, #tpu.memory_space<vmem>> -> memref<1x85xf32, #tpu.memory_space<vmem>>
    %dma_wait3A_638 = tpu.memref_squeeze %dma_wait3A_637 : memref<1x85xf32, #tpu.memory_space<vmem>> -> memref<85xf32, #tpu.memory_space<vmem>>
    %dma_wait3A_639 = arith.constant 0 : i32
    %dma_wait3A_640 = tpu.memref_slice %arg2[%reduce_sum3A_267, %dma_wait3A_639] : memref<76800x85xf32, #tpu.memory_space<hbm>> -> memref<1x85xf32, #tpu.memory_space<hbm>>
    %dma_wait3A_641 = tpu.memref_squeeze %dma_wait3A_640 : memref<1x85xf32, #tpu.memory_space<hbm>> -> memref<85xf32, #tpu.memory_space<hbm>>
    %dma_wait3A_642 = arith.constant 0 : i32
    %dma_wait3A_643 = tpu.memref_slice %arg6[%dma_wait3A_635, %dma_wait3A_642] : memref<16x85xf32, #tpu.memory_space<vmem>> -> memref<1x85xf32, #tpu.memory_space<vmem>>
    %dma_wait3A_644 = tpu.memref_squeeze %dma_wait3A_643 : memref<1x85xf32, #tpu.memory_space<vmem>> -> memref<85xf32, #tpu.memory_space<vmem>>
    %dma_wait3A_645 = arith.constant 0 : i32
    %dma_wait3A_646 = tpu.memref_slice %arg2[%reduce_sum3A_267, %dma_wait3A_645] : memref<76800x85xf32, #tpu.memory_space<hbm>> -> memref<1x85xf32, #tpu.memory_space<hbm>>
    %dma_wait3A_647 = tpu.memref_squeeze %dma_wait3A_646 : memref<1x85xf32, #tpu.memory_space<hbm>> -> memref<85xf32, #tpu.memory_space<hbm>>
    tpu.wait_dma2 semaphore(%arg8 : memref<!tpu.dma_semaphore, #tpu.memory_space<semaphore_mem>>) src(%dma_wait3A_647 : memref<85xf32, #tpu.memory_space<hbm>>) dst(%dma_wait3A_644 : memref<85xf32, #tpu.memory_space<vmem>>)
    %dma_wait3A_648 = arith.constant 4 : i32
    %dma_wait3A_649 = arith.constant 0 : i32
    %dma_wait3A_650 = tpu.memref_slice %arg6[%dma_wait3A_648, %dma_wait3A_649] : memref<16x85xf32, #tpu.memory_space<vmem>> -> memref<1x85xf32, #tpu.memory_space<vmem>>
    %dma_wait3A_651 = tpu.memref_squeeze %dma_wait3A_650 : memref<1x85xf32, #tpu.memory_space<vmem>> -> memref<85xf32, #tpu.memory_space<vmem>>
    %dma_wait3A_652 = arith.constant 0 : i32
    %dma_wait3A_653 = tpu.memref_slice %arg2[%reduce_sum3A_277, %dma_wait3A_652] : memref<76800x85xf32, #tpu.memory_space<hbm>> -> memref<1x85xf32, #tpu.memory_space<hbm>>
    %dma_wait3A_654 = tpu.memref_squeeze %dma_wait3A_653 : memref<1x85xf32, #tpu.memory_space<hbm>> -> memref<85xf32, #tpu.memory_space<hbm>>
    %dma_wait3A_655 = arith.constant 0 : i32
    %dma_wait3A_656 = tpu.memref_slice %arg6[%dma_wait3A_648, %dma_wait3A_655] : memref<16x85xf32, #tpu.memory_space<vmem>> -> memref<1x85xf32, #tpu.memory_space<vmem>>
    %dma_wait3A_657 = tpu.memref_squeeze %dma_wait3A_656 : memref<1x85xf32, #tpu.memory_space<vmem>> -> memref<85xf32, #tpu.memory_space<vmem>>
    %dma_wait3A_658 = arith.constant 0 : i32
    %dma_wait3A_659 = tpu.memref_slice %arg2[%reduce_sum3A_277, %dma_wait3A_658] : memref<76800x85xf32, #tpu.memory_space<hbm>> -> memref<1x85xf32, #tpu.memory_space<hbm>>
    %dma_wait3A_660 = tpu.memref_squeeze %dma_wait3A_659 : memref<1x85xf32, #tpu.memory_space<hbm>> -> memref<85xf32, #tpu.memory_space<hbm>>
    tpu.wait_dma2 semaphore(%arg8 : memref<!tpu.dma_semaphore, #tpu.memory_space<semaphore_mem>>) src(%dma_wait3A_660 : memref<85xf32, #tpu.memory_space<hbm>>) dst(%dma_wait3A_657 : memref<85xf32, #tpu.memory_space<vmem>>)
    %dma_wait3A_661 = arith.constant 5 : i32
    %dma_wait3A_662 = arith.constant 0 : i32
    %dma_wait3A_663 = tpu.memref_slice %arg6[%dma_wait3A_661, %dma_wait3A_662] : memref<16x85xf32, #tpu.memory_space<vmem>> -> memref<1x85xf32, #tpu.memory_space<vmem>>
    %dma_wait3A_664 = tpu.memref_squeeze %dma_wait3A_663 : memref<1x85xf32, #tpu.memory_space<vmem>> -> memref<85xf32, #tpu.memory_space<vmem>>
    %dma_wait3A_665 = arith.constant 0 : i32
    %dma_wait3A_666 = tpu.memref_slice %arg2[%reduce_sum3A_287, %dma_wait3A_665] : memref<76800x85xf32, #tpu.memory_space<hbm>> -> memref<1x85xf32, #tpu.memory_space<hbm>>
    %dma_wait3A_667 = tpu.memref_squeeze %dma_wait3A_666 : memref<1x85xf32, #tpu.memory_space<hbm>> -> memref<85xf32, #tpu.memory_space<hbm>>
    %dma_wait3A_668 = arith.constant 0 : i32
    %dma_wait3A_669 = tpu.memref_slice %arg6[%dma_wait3A_661, %dma_wait3A_668] : memref<16x85xf32, #tpu.memory_space<vmem>> -> memref<1x85xf32, #tpu.memory_space<vmem>>
    %dma_wait3A_670 = tpu.memref_squeeze %dma_wait3A_669 : memref<1x85xf32, #tpu.memory_space<vmem>> -> memref<85xf32, #tpu.memory_space<vmem>>
    %dma_wait3A_671 = arith.constant 0 : i32
    %dma_wait3A_672 = tpu.memref_slice %arg2[%reduce_sum3A_287, %dma_wait3A_671] : memref<76800x85xf32, #tpu.memory_space<hbm>> -> memref<1x85xf32, #tpu.memory_space<hbm>>
    %dma_wait3A_673 = tpu.memref_squeeze %dma_wait3A_672 : memref<1x85xf32, #tpu.memory_space<hbm>> -> memref<85xf32, #tpu.memory_space<hbm>>
    tpu.wait_dma2 semaphore(%arg8 : memref<!tpu.dma_semaphore, #tpu.memory_space<semaphore_mem>>) src(%dma_wait3A_673 : memref<85xf32, #tpu.memory_space<hbm>>) dst(%dma_wait3A_670 : memref<85xf32, #tpu.memory_space<vmem>>)
    %dma_wait3A_674 = arith.constant 6 : i32
    %dma_wait3A_675 = arith.constant 0 : i32
    %dma_wait3A_676 = tpu.memref_slice %arg6[%dma_wait3A_674, %dma_wait3A_675] : memref<16x85xf32, #tpu.memory_space<vmem>> -> memref<1x85xf32, #tpu.memory_space<vmem>>
    %dma_wait3A_677 = tpu.memref_squeeze %dma_wait3A_676 : memref<1x85xf32, #tpu.memory_space<vmem>> -> memref<85xf32, #tpu.memory_space<vmem>>
    %dma_wait3A_678 = arith.constant 0 : i32
    %dma_wait3A_679 = tpu.memref_slice %arg2[%reduce_sum3A_297, %dma_wait3A_678] : memref<76800x85xf32, #tpu.memory_space<hbm>> -> memref<1x85xf32, #tpu.memory_space<hbm>>
    %dma_wait3A_680 = tpu.memref_squeeze %dma_wait3A_679 : memref<1x85xf32, #tpu.memory_space<hbm>> -> memref<85xf32, #tpu.memory_space<hbm>>
    %dma_wait3A_681 = arith.constant 0 : i32
    %dma_wait3A_682 = tpu.memref_slice %arg6[%dma_wait3A_674, %dma_wait3A_681] : memref<16x85xf32, #tpu.memory_space<vmem>> -> memref<1x85xf32, #tpu.memory_space<vmem>>
    %dma_wait3A_683 = tpu.memref_squeeze %dma_wait3A_682 : memref<1x85xf32, #tpu.memory_space<vmem>> -> memref<85xf32, #tpu.memory_space<vmem>>
    %dma_wait3A_684 = arith.constant 0 : i32
    %dma_wait3A_685 = tpu.memref_slice %arg2[%reduce_sum3A_297, %dma_wait3A_684] : memref<76800x85xf32, #tpu.memory_space<hbm>> -> memref<1x85xf32, #tpu.memory_space<hbm>>
    %dma_wait3A_686 = tpu.memref_squeeze %dma_wait3A_685 : memref<1x85xf32, #tpu.memory_space<hbm>> -> memref<85xf32, #tpu.memory_space<hbm>>
    tpu.wait_dma2 semaphore(%arg8 : memref<!tpu.dma_semaphore, #tpu.memory_space<semaphore_mem>>) src(%dma_wait3A_686 : memref<85xf32, #tpu.memory_space<hbm>>) dst(%dma_wait3A_683 : memref<85xf32, #tpu.memory_space<vmem>>)
    %dma_wait3A_687 = arith.constant 7 : i32
    %dma_wait3A_688 = arith.constant 0 : i32
    %dma_wait3A_689 = tpu.memref_slice %arg6[%dma_wait3A_687, %dma_wait3A_688] : memref<16x85xf32, #tpu.memory_space<vmem>> -> memref<1x85xf32, #tpu.memory_space<vmem>>
    %dma_wait3A_690 = tpu.memref_squeeze %dma_wait3A_689 : memref<1x85xf32, #tpu.memory_space<vmem>> -> memref<85xf32, #tpu.memory_space<vmem>>
    %dma_wait3A_691 = arith.constant 0 : i32
    %dma_wait3A_692 = tpu.memref_slice %arg2[%reduce_sum3A_307, %dma_wait3A_691] : memref<76800x85xf32, #tpu.memory_space<hbm>> -> memref<1x85xf32, #tpu.memory_space<hbm>>
    %dma_wait3A_693 = tpu.memref_squeeze %dma_wait3A_692 : memref<1x85xf32, #tpu.memory_space<hbm>> -> memref<85xf32, #tpu.memory_space<hbm>>
    %dma_wait3A_694 = arith.constant 0 : i32
    %dma_wait3A_695 = tpu.memref_slice %arg6[%dma_wait3A_687, %dma_wait3A_694] : memref<16x85xf32, #tpu.memory_space<vmem>> -> memref<1x85xf32, #tpu.memory_space<vmem>>
    %dma_wait3A_696 = tpu.memref_squeeze %dma_wait3A_695 : memref<1x85xf32, #tpu.memory_space<vmem>> -> memref<85xf32, #tpu.memory_space<vmem>>
    %dma_wait3A_697 = arith.constant 0 : i32
    %dma_wait3A_698 = tpu.memref_slice %arg2[%reduce_sum3A_307, %dma_wait3A_697] : memref<76800x85xf32, #tpu.memory_space<hbm>> -> memref<1x85xf32, #tpu.memory_space<hbm>>
    %dma_wait3A_699 = tpu.memref_squeeze %dma_wait3A_698 : memref<1x85xf32, #tpu.memory_space<hbm>> -> memref<85xf32, #tpu.memory_space<hbm>>
    tpu.wait_dma2 semaphore(%arg8 : memref<!tpu.dma_semaphore, #tpu.memory_space<semaphore_mem>>) src(%dma_wait3A_699 : memref<85xf32, #tpu.memory_space<hbm>>) dst(%dma_wait3A_696 : memref<85xf32, #tpu.memory_space<vmem>>)
    %dma_wait3A_700 = arith.constant 8 : i32
    %dma_wait3A_701 = arith.constant 0 : i32
    %dma_wait3A_702 = tpu.memref_slice %arg6[%dma_wait3A_700, %dma_wait3A_701] : memref<16x85xf32, #tpu.memory_space<vmem>> -> memref<1x85xf32, #tpu.memory_space<vmem>>
    %dma_wait3A_703 = tpu.memref_squeeze %dma_wait3A_702 : memref<1x85xf32, #tpu.memory_space<vmem>> -> memref<85xf32, #tpu.memory_space<vmem>>
    %dma_wait3A_704 = arith.constant 0 : i32
    %dma_wait3A_705 = tpu.memref_slice %arg2[%reduce_sum3A_317, %dma_wait3A_704] : memref<76800x85xf32, #tpu.memory_space<hbm>> -> memref<1x85xf32, #tpu.memory_space<hbm>>
    %dma_wait3A_706 = tpu.memref_squeeze %dma_wait3A_705 : memref<1x85xf32, #tpu.memory_space<hbm>> -> memref<85xf32, #tpu.memory_space<hbm>>
    %dma_wait3A_707 = arith.constant 0 : i32
    %dma_wait3A_708 = tpu.memref_slice %arg6[%dma_wait3A_700, %dma_wait3A_707] : memref<16x85xf32, #tpu.memory_space<vmem>> -> memref<1x85xf32, #tpu.memory_space<vmem>>
    %dma_wait3A_709 = tpu.memref_squeeze %dma_wait3A_708 : memref<1x85xf32, #tpu.memory_space<vmem>> -> memref<85xf32, #tpu.memory_space<vmem>>
    %dma_wait3A_710 = arith.constant 0 : i32
    %dma_wait3A_711 = tpu.memref_slice %arg2[%reduce_sum3A_317, %dma_wait3A_710] : memref<76800x85xf32, #tpu.memory_space<hbm>> -> memref<1x85xf32, #tpu.memory_space<hbm>>
    %dma_wait3A_712 = tpu.memref_squeeze %dma_wait3A_711 : memref<1x85xf32, #tpu.memory_space<hbm>> -> memref<85xf32, #tpu.memory_space<hbm>>
    tpu.wait_dma2 semaphore(%arg8 : memref<!tpu.dma_semaphore, #tpu.memory_space<semaphore_mem>>) src(%dma_wait3A_712 : memref<85xf32, #tpu.memory_space<hbm>>) dst(%dma_wait3A_709 : memref<85xf32, #tpu.memory_space<vmem>>)
    %dma_wait3A_713 = arith.constant 9 : i32
    %dma_wait3A_714 = arith.constant 0 : i32
    %dma_wait3A_715 = tpu.memref_slice %arg6[%dma_wait3A_713, %dma_wait3A_714] : memref<16x85xf32, #tpu.memory_space<vmem>> -> memref<1x85xf32, #tpu.memory_space<vmem>>
    %dma_wait3A_716 = tpu.memref_squeeze %dma_wait3A_715 : memref<1x85xf32, #tpu.memory_space<vmem>> -> memref<85xf32, #tpu.memory_space<vmem>>
    %dma_wait3A_717 = arith.constant 0 : i32
    %dma_wait3A_718 = tpu.memref_slice %arg2[%reduce_sum3A_327, %dma_wait3A_717] : memref<76800x85xf32, #tpu.memory_space<hbm>> -> memref<1x85xf32, #tpu.memory_space<hbm>>
    %dma_wait3A_719 = tpu.memref_squeeze %dma_wait3A_718 : memref<1x85xf32, #tpu.memory_space<hbm>> -> memref<85xf32, #tpu.memory_space<hbm>>
    %dma_wait3A_720 = arith.constant 0 : i32
    %dma_wait3A_721 = tpu.memref_slice %arg6[%dma_wait3A_713, %dma_wait3A_720] : memref<16x85xf32, #tpu.memory_space<vmem>> -> memref<1x85xf32, #tpu.memory_space<vmem>>
    %dma_wait3A_722 = tpu.memref_squeeze %dma_wait3A_721 : memref<1x85xf32, #tpu.memory_space<vmem>> -> memref<85xf32, #tpu.memory_space<vmem>>
    %dma_wait3A_723 = arith.constant 0 : i32
    %dma_wait3A_724 = tpu.memref_slice %arg2[%reduce_sum3A_327, %dma_wait3A_723] : memref<76800x85xf32, #tpu.memory_space<hbm>> -> memref<1x85xf32, #tpu.memory_space<hbm>>
    %dma_wait3A_725 = tpu.memref_squeeze %dma_wait3A_724 : memref<1x85xf32, #tpu.memory_space<hbm>> -> memref<85xf32, #tpu.memory_space<hbm>>
    tpu.wait_dma2 semaphore(%arg8 : memref<!tpu.dma_semaphore, #tpu.memory_space<semaphore_mem>>) src(%dma_wait3A_725 : memref<85xf32, #tpu.memory_space<hbm>>) dst(%dma_wait3A_722 : memref<85xf32, #tpu.memory_space<vmem>>)
    %dma_wait3A_726 = arith.constant 10 : i32
    %dma_wait3A_727 = arith.constant 0 : i32
    %dma_wait3A_728 = tpu.memref_slice %arg6[%dma_wait3A_726, %dma_wait3A_727] : memref<16x85xf32, #tpu.memory_space<vmem>> -> memref<1x85xf32, #tpu.memory_space<vmem>>
    %dma_wait3A_729 = tpu.memref_squeeze %dma_wait3A_728 : memref<1x85xf32, #tpu.memory_space<vmem>> -> memref<85xf32, #tpu.memory_space<vmem>>
    %dma_wait3A_730 = arith.constant 0 : i32
    %dma_wait3A_731 = tpu.memref_slice %arg2[%reduce_sum3A_337, %dma_wait3A_730] : memref<76800x85xf32, #tpu.memory_space<hbm>> -> memref<1x85xf32, #tpu.memory_space<hbm>>
    %dma_wait3A_732 = tpu.memref_squeeze %dma_wait3A_731 : memref<1x85xf32, #tpu.memory_space<hbm>> -> memref<85xf32, #tpu.memory_space<hbm>>
    %dma_wait3A_733 = arith.constant 0 : i32
    %dma_wait3A_734 = tpu.memref_slice %arg6[%dma_wait3A_726, %dma_wait3A_733] : memref<16x85xf32, #tpu.memory_space<vmem>> -> memref<1x85xf32, #tpu.memory_space<vmem>>
    %dma_wait3A_735 = tpu.memref_squeeze %dma_wait3A_734 : memref<1x85xf32, #tpu.memory_space<vmem>> -> memref<85xf32, #tpu.memory_space<vmem>>
    %dma_wait3A_736 = arith.constant 0 : i32
    %dma_wait3A_737 = tpu.memref_slice %arg2[%reduce_sum3A_337, %dma_wait3A_736] : memref<76800x85xf32, #tpu.memory_space<hbm>> -> memref<1x85xf32, #tpu.memory_space<hbm>>
    %dma_wait3A_738 = tpu.memref_squeeze %dma_wait3A_737 : memref<1x85xf32, #tpu.memory_space<hbm>> -> memref<85xf32, #tpu.memory_space<hbm>>
    tpu.wait_dma2 semaphore(%arg8 : memref<!tpu.dma_semaphore, #tpu.memory_space<semaphore_mem>>) src(%dma_wait3A_738 : memref<85xf32, #tpu.memory_space<hbm>>) dst(%dma_wait3A_735 : memref<85xf32, #tpu.memory_space<vmem>>)
    %dma_wait3A_739 = arith.constant 11 : i32
    %dma_wait3A_740 = arith.constant 0 : i32
    %dma_wait3A_741 = tpu.memref_slice %arg6[%dma_wait3A_739, %dma_wait3A_740] : memref<16x85xf32, #tpu.memory_space<vmem>> -> memref<1x85xf32, #tpu.memory_space<vmem>>
    %dma_wait3A_742 = tpu.memref_squeeze %dma_wait3A_741 : memref<1x85xf32, #tpu.memory_space<vmem>> -> memref<85xf32, #tpu.memory_space<vmem>>
    %dma_wait3A_743 = arith.constant 0 : i32
    %dma_wait3A_744 = tpu.memref_slice %arg2[%reduce_sum3A_347, %dma_wait3A_743] : memref<76800x85xf32, #tpu.memory_space<hbm>> -> memref<1x85xf32, #tpu.memory_space<hbm>>
    %dma_wait3A_745 = tpu.memref_squeeze %dma_wait3A_744 : memref<1x85xf32, #tpu.memory_space<hbm>> -> memref<85xf32, #tpu.memory_space<hbm>>
    %dma_wait3A_746 = arith.constant 0 : i32
    %dma_wait3A_747 = tpu.memref_slice %arg6[%dma_wait3A_739, %dma_wait3A_746] : memref<16x85xf32, #tpu.memory_space<vmem>> -> memref<1x85xf32, #tpu.memory_space<vmem>>
    %dma_wait3A_748 = tpu.memref_squeeze %dma_wait3A_747 : memref<1x85xf32, #tpu.memory_space<vmem>> -> memref<85xf32, #tpu.memory_space<vmem>>
    %dma_wait3A_749 = arith.constant 0 : i32
    %dma_wait3A_750 = tpu.memref_slice %arg2[%reduce_sum3A_347, %dma_wait3A_749] : memref<76800x85xf32, #tpu.memory_space<hbm>> -> memref<1x85xf32, #tpu.memory_space<hbm>>
    %dma_wait3A_751 = tpu.memref_squeeze %dma_wait3A_750 : memref<1x85xf32, #tpu.memory_space<hbm>> -> memref<85xf32, #tpu.memory_space<hbm>>
    tpu.wait_dma2 semaphore(%arg8 : memref<!tpu.dma_semaphore, #tpu.memory_space<semaphore_mem>>) src(%dma_wait3A_751 : memref<85xf32, #tpu.memory_space<hbm>>) dst(%dma_wait3A_748 : memref<85xf32, #tpu.memory_space<vmem>>)
    %dma_wait3A_752 = arith.constant 12 : i32
    %dma_wait3A_753 = arith.constant 0 : i32
    %dma_wait3A_754 = tpu.memref_slice %arg6[%dma_wait3A_752, %dma_wait3A_753] : memref<16x85xf32, #tpu.memory_space<vmem>> -> memref<1x85xf32, #tpu.memory_space<vmem>>
    %dma_wait3A_755 = tpu.memref_squeeze %dma_wait3A_754 : memref<1x85xf32, #tpu.memory_space<vmem>> -> memref<85xf32, #tpu.memory_space<vmem>>
    %dma_wait3A_756 = arith.constant 0 : i32
    %dma_wait3A_757 = tpu.memref_slice %arg2[%reduce_sum3A_357, %dma_wait3A_756] : memref<76800x85xf32, #tpu.memory_space<hbm>> -> memref<1x85xf32, #tpu.memory_space<hbm>>
    %dma_wait3A_758 = tpu.memref_squeeze %dma_wait3A_757 : memref<1x85xf32, #tpu.memory_space<hbm>> -> memref<85xf32, #tpu.memory_space<hbm>>
    %dma_wait3A_759 = arith.constant 0 : i32
    %dma_wait3A_760 = tpu.memref_slice %arg6[%dma_wait3A_752, %dma_wait3A_759] : memref<16x85xf32, #tpu.memory_space<vmem>> -> memref<1x85xf32, #tpu.memory_space<vmem>>
    %dma_wait3A_761 = tpu.memref_squeeze %dma_wait3A_760 : memref<1x85xf32, #tpu.memory_space<vmem>> -> memref<85xf32, #tpu.memory_space<vmem>>
    %dma_wait3A_762 = arith.constant 0 : i32
    %dma_wait3A_763 = tpu.memref_slice %arg2[%reduce_sum3A_357, %dma_wait3A_762] : memref<76800x85xf32, #tpu.memory_space<hbm>> -> memref<1x85xf32, #tpu.memory_space<hbm>>
    %dma_wait3A_764 = tpu.memref_squeeze %dma_wait3A_763 : memref<1x85xf32, #tpu.memory_space<hbm>> -> memref<85xf32, #tpu.memory_space<hbm>>
    tpu.wait_dma2 semaphore(%arg8 : memref<!tpu.dma_semaphore, #tpu.memory_space<semaphore_mem>>) src(%dma_wait3A_764 : memref<85xf32, #tpu.memory_space<hbm>>) dst(%dma_wait3A_761 : memref<85xf32, #tpu.memory_space<vmem>>)
    %dma_wait3A_765 = arith.constant 13 : i32
    %dma_wait3A_766 = arith.constant 0 : i32
    %dma_wait3A_767 = tpu.memref_slice %arg6[%dma_wait3A_765, %dma_wait3A_766] : memref<16x85xf32, #tpu.memory_space<vmem>> -> memref<1x85xf32, #tpu.memory_space<vmem>>
    %dma_wait3A_768 = tpu.memref_squeeze %dma_wait3A_767 : memref<1x85xf32, #tpu.memory_space<vmem>> -> memref<85xf32, #tpu.memory_space<vmem>>
    %dma_wait3A_769 = arith.constant 0 : i32
    %dma_wait3A_770 = tpu.memref_slice %arg2[%reduce_sum3A_367, %dma_wait3A_769] : memref<76800x85xf32, #tpu.memory_space<hbm>> -> memref<1x85xf32, #tpu.memory_space<hbm>>
    %dma_wait3A_771 = tpu.memref_squeeze %dma_wait3A_770 : memref<1x85xf32, #tpu.memory_space<hbm>> -> memref<85xf32, #tpu.memory_space<hbm>>
    %dma_wait3A_772 = arith.constant 0 : i32
    %dma_wait3A_773 = tpu.memref_slice %arg6[%dma_wait3A_765, %dma_wait3A_772] : memref<16x85xf32, #tpu.memory_space<vmem>> -> memref<1x85xf32, #tpu.memory_space<vmem>>
    %dma_wait3A_774 = tpu.memref_squeeze %dma_wait3A_773 : memref<1x85xf32, #tpu.memory_space<vmem>> -> memref<85xf32, #tpu.memory_space<vmem>>
    %dma_wait3A_775 = arith.constant 0 : i32
    %dma_wait3A_776 = tpu.memref_slice %arg2[%reduce_sum3A_367, %dma_wait3A_775] : memref<76800x85xf32, #tpu.memory_space<hbm>> -> memref<1x85xf32, #tpu.memory_space<hbm>>
    %dma_wait3A_777 = tpu.memref_squeeze %dma_wait3A_776 : memref<1x85xf32, #tpu.memory_space<hbm>> -> memref<85xf32, #tpu.memory_space<hbm>>
    tpu.wait_dma2 semaphore(%arg8 : memref<!tpu.dma_semaphore, #tpu.memory_space<semaphore_mem>>) src(%dma_wait3A_777 : memref<85xf32, #tpu.memory_space<hbm>>) dst(%dma_wait3A_774 : memref<85xf32, #tpu.memory_space<vmem>>)
    %dma_wait3A_778 = arith.constant 14 : i32
    %dma_wait3A_779 = arith.constant 0 : i32
    %dma_wait3A_780 = tpu.memref_slice %arg6[%dma_wait3A_778, %dma_wait3A_779] : memref<16x85xf32, #tpu.memory_space<vmem>> -> memref<1x85xf32, #tpu.memory_space<vmem>>
    %dma_wait3A_781 = tpu.memref_squeeze %dma_wait3A_780 : memref<1x85xf32, #tpu.memory_space<vmem>> -> memref<85xf32, #tpu.memory_space<vmem>>
    %dma_wait3A_782 = arith.constant 0 : i32
    %dma_wait3A_783 = tpu.memref_slice %arg2[%reduce_sum3A_377, %dma_wait3A_782] : memref<76800x85xf32, #tpu.memory_space<hbm>> -> memref<1x85xf32, #tpu.memory_space<hbm>>
    %dma_wait3A_784 = tpu.memref_squeeze %dma_wait3A_783 : memref<1x85xf32, #tpu.memory_space<hbm>> -> memref<85xf32, #tpu.memory_space<hbm>>
    %dma_wait3A_785 = arith.constant 0 : i32
    %dma_wait3A_786 = tpu.memref_slice %arg6[%dma_wait3A_778, %dma_wait3A_785] : memref<16x85xf32, #tpu.memory_space<vmem>> -> memref<1x85xf32, #tpu.memory_space<vmem>>
    %dma_wait3A_787 = tpu.memref_squeeze %dma_wait3A_786 : memref<1x85xf32, #tpu.memory_space<vmem>> -> memref<85xf32, #tpu.memory_space<vmem>>
    %dma_wait3A_788 = arith.constant 0 : i32
    %dma_wait3A_789 = tpu.memref_slice %arg2[%reduce_sum3A_377, %dma_wait3A_788] : memref<76800x85xf32, #tpu.memory_space<hbm>> -> memref<1x85xf32, #tpu.memory_space<hbm>>
    %dma_wait3A_790 = tpu.memref_squeeze %dma_wait3A_789 : memref<1x85xf32, #tpu.memory_space<hbm>> -> memref<85xf32, #tpu.memory_space<hbm>>
    tpu.wait_dma2 semaphore(%arg8 : memref<!tpu.dma_semaphore, #tpu.memory_space<semaphore_mem>>) src(%dma_wait3A_790 : memref<85xf32, #tpu.memory_space<hbm>>) dst(%dma_wait3A_787 : memref<85xf32, #tpu.memory_space<vmem>>)
    %dma_wait3A_791 = arith.constant 15 : i32
    %dma_wait3A_792 = arith.constant 0 : i32
    %dma_wait3A_793 = tpu.memref_slice %arg6[%dma_wait3A_791, %dma_wait3A_792] : memref<16x85xf32, #tpu.memory_space<vmem>> -> memref<1x85xf32, #tpu.memory_space<vmem>>
    %dma_wait3A_794 = tpu.memref_squeeze %dma_wait3A_793 : memref<1x85xf32, #tpu.memory_space<vmem>> -> memref<85xf32, #tpu.memory_space<vmem>>
    %dma_wait3A_795 = arith.constant 0 : i32
    %dma_wait3A_796 = tpu.memref_slice %arg2[%reduce_sum3A_387, %dma_wait3A_795] : memref<76800x85xf32, #tpu.memory_space<hbm>> -> memref<1x85xf32, #tpu.memory_space<hbm>>
    %dma_wait3A_797 = tpu.memref_squeeze %dma_wait3A_796 : memref<1x85xf32, #tpu.memory_space<hbm>> -> memref<85xf32, #tpu.memory_space<hbm>>
    %dma_wait3A_798 = arith.constant 0 : i32
    %dma_wait3A_799 = tpu.memref_slice %arg6[%dma_wait3A_791, %dma_wait3A_798] : memref<16x85xf32, #tpu.memory_space<vmem>> -> memref<1x85xf32, #tpu.memory_space<vmem>>
    %dma_wait3A_800 = tpu.memref_squeeze %dma_wait3A_799 : memref<1x85xf32, #tpu.memory_space<vmem>> -> memref<85xf32, #tpu.memory_space<vmem>>
    %dma_wait3A_801 = arith.constant 0 : i32
    %dma_wait3A_802 = tpu.memref_slice %arg2[%reduce_sum3A_387, %dma_wait3A_801] : memref<76800x85xf32, #tpu.memory_space<hbm>> -> memref<1x85xf32, #tpu.memory_space<hbm>>
    %dma_wait3A_803 = tpu.memref_squeeze %dma_wait3A_802 : memref<1x85xf32, #tpu.memory_space<hbm>> -> memref<85xf32, #tpu.memory_space<hbm>>
    tpu.wait_dma2 semaphore(%arg8 : memref<!tpu.dma_semaphore, #tpu.memory_space<semaphore_mem>>) src(%dma_wait3A_803 : memref<85xf32, #tpu.memory_space<hbm>>) dst(%dma_wait3A_800 : memref<85xf32, #tpu.memory_space<vmem>>)
    %broadcast_in_dim3A_804 = arith.constant 0 : i32
    %broadcast_in_dim3A_805 = vector.broadcast %broadcast_in_dim3A_804 : i32 to vector<16xi32>
    %gather3A = tpu.vector_load_idx %arg6[%iota3A, %broadcast_in_dim3A_805] : memref<16x85xf32, #tpu.memory_space<vmem>>[vector<16xi32>, vector<16xi32>], vector<16xf32>,
    %broadcast_in_dim3A_806 = arith.constant 1 : i32
    %broadcast_in_dim3A_807 = vector.broadcast %broadcast_in_dim3A_806 : i32 to vector<16xi32>
    %gather3A_808 = tpu.vector_load_idx %arg6[%iota3A, %broadcast_in_dim3A_807] : memref<16x85xf32, #tpu.memory_space<vmem>>[vector<16xi32>, vector<16xi32>], vector<16xf32>,
    %broadcast_in_dim3A_809 = arith.constant 2 : i32
    %broadcast_in_dim3A_810 = vector.broadcast %broadcast_in_dim3A_809 : i32 to vector<16xi32>
    %gather3A_811 = tpu.vector_load_idx %arg6[%iota3A, %broadcast_in_dim3A_810] : memref<16x85xf32, #tpu.memory_space<vmem>>[vector<16xi32>, vector<16xi32>], vector<16xf32>,
    %broadcast_in_dim3A_812 = arith.constant 3 : i32
    %broadcast_in_dim3A_813 = vector.broadcast %broadcast_in_dim3A_812 : i32 to vector<16xi32>
    %gather3A_814 = tpu.vector_load_idx %arg6[%iota3A, %broadcast_in_dim3A_813] : memref<16x85xf32, #tpu.memory_space<vmem>>[vector<16xi32>, vector<16xi32>], vector<16xf32>,
    %broadcast_in_dim3A_815 = arith.constant 4 : i32
    %broadcast_in_dim3A_816 = vector.broadcast %broadcast_in_dim3A_815 : i32 to vector<16xi32>
    %gather3A_817 = tpu.vector_load_idx %arg6[%iota3A, %broadcast_in_dim3A_816] : memref<16x85xf32, #tpu.memory_space<vmem>>[vector<16xi32>, vector<16xi32>], vector<16xf32>,
    %add3A_818 = arith.constant 5 : i32
    %add3A_819 = vector.broadcast %add3A_818 : i32 to vector<16xi32>
    %add3A_820 = arith.addi %convert_element_type3A_232, %add3A_819 : vector<16xi32>
    %gather3A_821 = tpu.vector_load_idx %arg6[%iota3A, %add3A_820] : memref<16x85xf32, #tpu.memory_space<vmem>>[vector<16xi32>, vector<16xi32>], vector<16xf32>,
    %get3A_822 = arith.constant 4 : i32
    %get3A_823 = arith.index_cast %get3A_822 : i32 to index
    %get3A_824 = arith.index_cast %mul3A_2 : i32 to index
    %get3A_825 = tpu.vector_load %arg5[%get3A_823, %get3A_824] {strides = array<i32>} : memref<8x512xf32, #tpu.memory_space<vmem>>, vector<16xf32>,
    %neg3A = arith.constant 0.000000e+00 : f32
    %neg3A_826 = vector.broadcast %neg3A : f32 to vector<16xf32>
    %neg3A_827 = arith.subf %neg3A_826, %gather3A : vector<16xf32>
    %exp3A = math.exp %neg3A_827 : vector<16xf32>
    %add3A_828 = arith.constant 1.000000e+00 : f32
    %add3A_829 = vector.broadcast %add3A_828 : f32 to vector<16xf32>
    %add3A_830 = arith.addf %add3A_829, %exp3A : vector<16xf32>
    %div3A = arith.constant 1.000000e+00 : f32
    %div3A_831 = vector.broadcast %div3A : f32 to vector<16xf32>
    %div3A_832 = arith.divf %div3A_831, %add3A_830 : vector<16xf32>
    %neg3A_833 = arith.constant 0.000000e+00 : f32
    %neg3A_834 = vector.broadcast %neg3A_833 : f32 to vector<16xf32>
    %neg3A_835 = arith.subf %neg3A_834, %gather3A_808 : vector<16xf32>
    %exp3A_836 = math.exp %neg3A_835 : vector<16xf32>
    %add3A_837 = arith.constant 1.000000e+00 : f32
    %add3A_838 = vector.broadcast %add3A_837 : f32 to vector<16xf32>
    %add3A_839 = arith.addf %add3A_838, %exp3A_836 : vector<16xf32>
    %div3A_840 = arith.constant 1.000000e+00 : f32
    %div3A_841 = vector.broadcast %div3A_840 : f32 to vector<16xf32>
    %div3A_842 = arith.divf %div3A_841, %add3A_839 : vector<16xf32>
    %get3A_843 = arith.constant 0 : i32
    %get3A_844 = arith.index_cast %get3A_843 : i32 to index
    %get3A_845 = arith.index_cast %mul3A_2 : i32 to index
    %get3A_846 = tpu.vector_load %arg5[%get3A_844, %get3A_845] {strides = array<i32>} : memref<8x512xf32, #tpu.memory_space<vmem>>, vector<16xf32>,
    %sub3A = arith.subf %div3A_832, %get3A_846 : vector<16xf32>
    %abs3A = math.absf %sub3A : vector<16xf32>
    %lt3A = arith.constant 1.000000e+00 : f32
    %lt3A_847 = vector.broadcast %lt3A : f32 to vector<16xf32>
    %lt3A_848 = arith.cmpf olt, %abs3A, %lt3A_847 : vector<16xf32>
    %mul3A_849 = arith.constant 5.000000e-01 : f32
    %mul3A_850 = vector.broadcast %mul3A_849 : f32 to vector<16xf32>
    %mul3A_851 = arith.mulf %mul3A_850, %sub3A : vector<16xf32>
    %mul3A_852 = arith.mulf %mul3A_851, %sub3A : vector<16xf32>
    %sub3A_853 = arith.constant 5.000000e-01 : f32
    %sub3A_854 = vector.broadcast %sub3A_853 : f32 to vector<16xf32>
    %sub3A_855 = arith.subf %abs3A, %sub3A_854 : vector<16xf32>
    %select_n3A_856 = arith.select %lt3A_848, %mul3A_852, %sub3A_855 : vector<16xi1>, vector<16xf32>
    %get3A_857 = arith.constant 1 : i32
    %get3A_858 = arith.index_cast %get3A_857 : i32 to index
    %get3A_859 = arith.index_cast %mul3A_2 : i32 to index
    %get3A_860 = tpu.vector_load %arg5[%get3A_858, %get3A_859] {strides = array<i32>} : memref<8x512xf32, #tpu.memory_space<vmem>>, vector<16xf32>,
    %sub3A_861 = arith.subf %div3A_842, %get3A_860 : vector<16xf32>
    %abs3A_862 = math.absf %sub3A_861 : vector<16xf32>
    %lt3A_863 = arith.constant 1.000000e+00 : f32
    %lt3A_864 = vector.broadcast %lt3A_863 : f32 to vector<16xf32>
    %lt3A_865 = arith.cmpf olt, %abs3A_862, %lt3A_864 : vector<16xf32>
    %mul3A_866 = arith.constant 5.000000e-01 : f32
    %mul3A_867 = vector.broadcast %mul3A_866 : f32 to vector<16xf32>
    %mul3A_868 = arith.mulf %mul3A_867, %sub3A_861 : vector<16xf32>
    %mul3A_869 = arith.mulf %mul3A_868, %sub3A_861 : vector<16xf32>
    %sub3A_870 = arith.constant 5.000000e-01 : f32
    %sub3A_871 = vector.broadcast %sub3A_870 : f32 to vector<16xf32>
    %sub3A_872 = arith.subf %abs3A_862, %sub3A_871 : vector<16xf32>
    %select_n3A_873 = arith.select %lt3A_865, %mul3A_869, %sub3A_872 : vector<16xi1>, vector<16xf32>
    %add3A_874 = arith.addf %select_n3A_856, %select_n3A_873 : vector<16xf32>
    %mul3A_875 = arith.mulf %get3A_825, %add3A_874 : vector<16xf32>
    %reduce_sum3A_876 = arith.constant true
    %reduce_sum3A_877 = vector.broadcast %reduce_sum3A_876 : i1 to vector<16xi1>
    %reduce_sum3A_878 = tpu.scan <sum>, %mul3A_875 masked %reduce_sum3A_877 : vector<16xf32>, vector<16xi1> -> vector<16xf32>
    %reduce_sum3A_879 = vector.extract %reduce_sum3A_878[15] : f32 from vector<16xf32>
    %get3A_880 = arith.constant 2 : i32
    %get3A_881 = arith.index_cast %get3A_880 : i32 to index
    %get3A_882 = arith.index_cast %mul3A_2 : i32 to index
    %get3A_883 = tpu.vector_load %arg5[%get3A_881, %get3A_882] {strides = array<i32>} : memref<8x512xf32, #tpu.memory_space<vmem>>, vector<16xf32>,
    %sub3A_884 = arith.subf %gather3A_811, %get3A_883 : vector<16xf32>
    %abs3A_885 = math.absf %sub3A_884 : vector<16xf32>
    %lt3A_886 = arith.constant 1.000000e+00 : f32
    %lt3A_887 = vector.broadcast %lt3A_886 : f32 to vector<16xf32>
    %lt3A_888 = arith.cmpf olt, %abs3A_885, %lt3A_887 : vector<16xf32>
    %mul3A_889 = arith.constant 5.000000e-01 : f32
    %mul3A_890 = vector.broadcast %mul3A_889 : f32 to vector<16xf32>
    %mul3A_891 = arith.mulf %mul3A_890, %sub3A_884 : vector<16xf32>
    %mul3A_892 = arith.mulf %mul3A_891, %sub3A_884 : vector<16xf32>
    %sub3A_893 = arith.constant 5.000000e-01 : f32
    %sub3A_894 = vector.broadcast %sub3A_893 : f32 to vector<16xf32>
    %sub3A_895 = arith.subf %abs3A_885, %sub3A_894 : vector<16xf32>
    %select_n3A_896 = arith.select %lt3A_888, %mul3A_892, %sub3A_895 : vector<16xi1>, vector<16xf32>
    %get3A_897 = arith.constant 3 : i32
    %get3A_898 = arith.index_cast %get3A_897 : i32 to index
    %get3A_899 = arith.index_cast %mul3A_2 : i32 to index
    %get3A_900 = tpu.vector_load %arg5[%get3A_898, %get3A_899] {strides = array<i32>} : memref<8x512xf32, #tpu.memory_space<vmem>>, vector<16xf32>,
    %sub3A_901 = arith.subf %gather3A_814, %get3A_900 : vector<16xf32>
    %abs3A_902 = math.absf %sub3A_901 : vector<16xf32>
    %lt3A_903 = arith.constant 1.000000e+00 : f32
    %lt3A_904 = vector.broadcast %lt3A_903 : f32 to vector<16xf32>
    %lt3A_905 = arith.cmpf olt, %abs3A_902, %lt3A_904 : vector<16xf32>
    %mul3A_906 = arith.constant 5.000000e-01 : f32
    %mul3A_907 = vector.broadcast %mul3A_906 : f32 to vector<16xf32>
    %mul3A_908 = arith.mulf %mul3A_907, %sub3A_901 : vector<16xf32>
    %mul3A_909 = arith.mulf %mul3A_908, %sub3A_901 : vector<16xf32>
    %sub3A_910 = arith.constant 5.000000e-01 : f32
    %sub3A_911 = vector.broadcast %sub3A_910 : f32 to vector<16xf32>
    %sub3A_912 = arith.subf %abs3A_902, %sub3A_911 : vector<16xf32>
    %select_n3A_913 = arith.select %lt3A_905, %mul3A_909, %sub3A_912 : vector<16xi1>, vector<16xf32>
    %add3A_914 = arith.addf %select_n3A_896, %select_n3A_913 : vector<16xf32>
    %mul3A_915 = arith.mulf %get3A_825, %add3A_914 : vector<16xf32>
    %reduce_sum3A_916 = arith.constant true
    %reduce_sum3A_917 = vector.broadcast %reduce_sum3A_916 : i1 to vector<16xi1>
    %reduce_sum3A_918 = tpu.scan <sum>, %mul3A_915 masked %reduce_sum3A_917 : vector<16xf32>, vector<16xi1> -> vector<16xf32>
    %reduce_sum3A_919 = vector.extract %reduce_sum3A_918[15] : f32 from vector<16xf32>
    %mul3A_920 = arith.mulf %get3A_825, %gather3A_817 : vector<16xf32>
    %reduce_sum3A_921 = arith.constant true
    %reduce_sum3A_922 = vector.broadcast %reduce_sum3A_921 : i1 to vector<16xi1>
    %reduce_sum3A_923 = tpu.scan <sum>, %mul3A_920 masked %reduce_sum3A_922 : vector<16xf32>, vector<16xi1> -> vector<16xf32>
    %reduce_sum3A_924 = vector.extract %reduce_sum3A_923[15] : f32 from vector<16xf32>
    %mul3A_925 = arith.mulf %get3A_825, %gather3A_821 : vector<16xf32>
    %reduce_sum3A_926 = arith.constant true
    %reduce_sum3A_927 = vector.broadcast %reduce_sum3A_926 : i1 to vector<16xi1>
    %reduce_sum3A_928 = tpu.scan <sum>, %mul3A_925 masked %reduce_sum3A_927 : vector<16xf32>, vector<16xi1> -> vector<16xf32>
    %reduce_sum3A_929 = vector.extract %reduce_sum3A_928[15] : f32 from vector<16xf32>
    %reduce_sum3A_930 = arith.constant true
    %reduce_sum3A_931 = vector.broadcast %reduce_sum3A_930 : i1 to vector<16xi1>
    %reduce_sum3A_932 = tpu.scan <sum>, %get3A_825 masked %reduce_sum3A_931 : vector<16xf32>, vector<16xi1> -> vector<16xf32>
    %reduce_sum3A_933 = vector.extract %reduce_sum3A_932[15] : f32 from vector<16xf32>
    %eq3A_934 = arith.constant 0 : i32
    %eq3A_935 = vector.broadcast %eq3A_934 : i32 to vector<16xi32>
    %eq3A_936 = arith.cmpi eq, %iota3A, %eq3A_935 : vector<16xi32>
    %jit3A_937 = arith.constant 0.000000e+00 : f32
    %broadcast_in_dim3A_938 = vector.broadcast %reduce_sum3A_879 : f32 to vector<16xf32>
    %broadcast_in_dim3A_939 = vector.broadcast %jit3A_937 : f32 to vector<16xf32>
    %select_n3A_940 = arith.select %eq3A_936, %broadcast_in_dim3A_938, %broadcast_in_dim3A_939 : vector<16xi1>, vector<16xf32>
    %eq3A_941 = arith.constant 1 : i32
    %eq3A_942 = vector.broadcast %eq3A_941 : i32 to vector<16xi32>
    %eq3A_943 = arith.cmpi eq, %iota3A, %eq3A_942 : vector<16xi32>
    %jit3A_944 = arith.constant 0.000000e+00 : f32
    %broadcast_in_dim3A_945 = vector.broadcast %reduce_sum3A_919 : f32 to vector<16xf32>
    %broadcast_in_dim3A_946 = vector.broadcast %jit3A_944 : f32 to vector<16xf32>
    %select_n3A_947 = arith.select %eq3A_943, %broadcast_in_dim3A_945, %broadcast_in_dim3A_946 : vector<16xi1>, vector<16xf32>
    %add3A_948 = arith.addf %select_n3A_940, %select_n3A_947 : vector<16xf32>
    %eq3A_949 = arith.constant 2 : i32
    %eq3A_950 = vector.broadcast %eq3A_949 : i32 to vector<16xi32>
    %eq3A_951 = arith.cmpi eq, %iota3A, %eq3A_950 : vector<16xi32>
    %jit3A_952 = arith.constant 0.000000e+00 : f32
    %broadcast_in_dim3A_953 = vector.broadcast %reduce_sum3A_924 : f32 to vector<16xf32>
    %broadcast_in_dim3A_954 = vector.broadcast %jit3A_952 : f32 to vector<16xf32>
    %select_n3A_955 = arith.select %eq3A_951, %broadcast_in_dim3A_953, %broadcast_in_dim3A_954 : vector<16xi1>, vector<16xf32>
    %add3A_956 = arith.addf %add3A_948, %select_n3A_955 : vector<16xf32>
    %eq3A_957 = arith.constant 3 : i32
    %eq3A_958 = vector.broadcast %eq3A_957 : i32 to vector<16xi32>
    %eq3A_959 = arith.cmpi eq, %iota3A, %eq3A_958 : vector<16xi32>
    %jit3A_960 = arith.constant 0.000000e+00 : f32
    %broadcast_in_dim3A_961 = vector.broadcast %reduce_sum3A_929 : f32 to vector<16xf32>
    %broadcast_in_dim3A_962 = vector.broadcast %jit3A_960 : f32 to vector<16xf32>
    %select_n3A_963 = arith.select %eq3A_959, %broadcast_in_dim3A_961, %broadcast_in_dim3A_962 : vector<16xi1>, vector<16xf32>
    %add3A_964 = arith.addf %add3A_956, %select_n3A_963 : vector<16xf32>
    %eq3A_965 = arith.constant 4 : i32
    %eq3A_966 = vector.broadcast %eq3A_965 : i32 to vector<16xi32>
    %eq3A_967 = arith.cmpi eq, %iota3A, %eq3A_966 : vector<16xi32>
    %jit3A_968 = arith.constant 0.000000e+00 : f32
    %broadcast_in_dim3A_969 = vector.broadcast %reduce_sum3A_933 : f32 to vector<16xf32>
    %broadcast_in_dim3A_970 = vector.broadcast %jit3A_968 : f32 to vector<16xf32>
    %select_n3A_971 = arith.select %eq3A_967, %broadcast_in_dim3A_969, %broadcast_in_dim3A_970 : vector<16xi1>, vector<16xf32>
    %add3A_972 = arith.addf %add3A_964, %select_n3A_971 : vector<16xf32>
    %swap3A = arith.constant 0 : index
    %swap3A_973 = tpu.vector_load %arg7[%swap3A] {strides = array<i32>} : memref<16xf32, #tpu.memory_space<vmem>>, vector<16xf32>,
    tpu.vector_store %arg7[%swap3A], %add3A_972 {strides = array<i32>} : memref<16xf32, #tpu.memory_space<vmem>>, vector<16xf32>,
    "tpu.region"() ({
      %run_scoped3A = tpu.sem_alloc : memref<!tpu.dma_semaphore, #tpu.memory_space<semaphore_mem>>
      %dma_start3A_974 = arith.constant 0 : i32
      %dma_start3A_975 = tpu.memref_slice %arg4[%add3A, %dma_start3A_974] : memref<32x16xf32, #tpu.memory_space<hbm>> -> memref<1x16xf32, #tpu.memory_space<hbm>>
      %dma_start3A_976 = tpu.memref_squeeze %dma_start3A_975 : memref<1x16xf32, #tpu.memory_space<hbm>> -> memref<16xf32, #tpu.memory_space<hbm>>
      %dma_start3A_977 = arith.constant 0 : i32
      %dma_start3A_978 = tpu.memref_slice %arg4[%add3A, %dma_start3A_977] : memref<32x16xf32, #tpu.memory_space<hbm>> -> memref<1x16xf32, #tpu.memory_space<hbm>>
      %dma_start3A_979 = tpu.memref_squeeze %dma_start3A_978 : memref<1x16xf32, #tpu.memory_space<hbm>> -> memref<16xf32, #tpu.memory_space<hbm>>
      tpu.enqueue_dma source(%arg7 : memref<16xf32, #tpu.memory_space<vmem>>) target(%dma_start3A_979 : memref<16xf32, #tpu.memory_space<hbm>>) target_semaphore(%run_scoped3A : memref<!tpu.dma_semaphore, #tpu.memory_space<semaphore_mem>>)
      %dma_wait3A_980 = arith.constant 0 : i32
      %dma_wait3A_981 = tpu.memref_slice %arg4[%add3A, %dma_wait3A_980] : memref<32x16xf32, #tpu.memory_space<hbm>> -> memref<1x16xf32, #tpu.memory_space<hbm>>
      %dma_wait3A_982 = tpu.memref_squeeze %dma_wait3A_981 : memref<1x16xf32, #tpu.memory_space<hbm>> -> memref<16xf32, #tpu.memory_space<hbm>>
      %dma_wait3A_983 = arith.constant 0 : i32
      %dma_wait3A_984 = tpu.memref_slice %arg4[%add3A, %dma_wait3A_983] : memref<32x16xf32, #tpu.memory_space<hbm>> -> memref<1x16xf32, #tpu.memory_space<hbm>>
      %dma_wait3A_985 = tpu.memref_squeeze %dma_wait3A_984 : memref<1x16xf32, #tpu.memory_space<hbm>> -> memref<16xf32, #tpu.memory_space<hbm>>
      tpu.wait_dma2 semaphore(%run_scoped3A : memref<!tpu.dma_semaphore, #tpu.memory_space<semaphore_mem>>) src(%arg7 : memref<16xf32, #tpu.memory_space<vmem>>) dst(%dma_wait3A_985 : memref<16xf32, #tpu.memory_space<hbm>>)
      tpu.yield
    }) : () -> ()
    return
  }
}

module attributes {stable_mosaic.version = 14 : i64} {
  func.func @_prologue_kernel(%arg0: memref<256x6xf32, #tpu.memory_space<vmem>>, %arg1: memref<256x8xf32, #tpu.memory_space<vmem>>) attributes {dimension_semantics = [], scalar_prefetch = 0 : i64, scratch_operands = 0 : i64, tpu.core_type = #tpu.core_type<tc>} {
    %get3A = arith.constant 0 : index
    %get3A_0 = arith.constant 0 : index
    %get3A_1 = vector.load %arg0[%get3A, %get3A_0] : memref<256x6xf32, #tpu.memory_space<vmem>>, vector<256x1xf32>
    %get3A_2 = arith.constant 0 : index
    %get3A_3 = arith.constant 1 : index
    %get3A_4 = vector.load %arg0[%get3A_2, %get3A_3] : memref<256x6xf32, #tpu.memory_space<vmem>>, vector<256x1xf32>
    %get3A_5 = arith.constant 0 : index
    %get3A_6 = arith.constant 2 : index
    %get3A_7 = vector.load %arg0[%get3A_5, %get3A_6] : memref<256x6xf32, #tpu.memory_space<vmem>>, vector<256x1xf32>
    %mul3A = arith.constant 4.000000e+01 : f32
    %mul3A_8 = vector.broadcast %mul3A : f32 to vector<256x1xf32>
    %mul3A_9 = arith.mulf %get3A_7, %mul3A_8 : vector<256x1xf32>
    %get3A_10 = arith.constant 0 : index
    %get3A_11 = arith.constant 3 : index
    %get3A_12 = vector.load %arg0[%get3A_10, %get3A_11] : memref<256x6xf32, #tpu.memory_space<vmem>>, vector<256x1xf32>
    %mul3A_13 = arith.constant 4.000000e+01 : f32
    %mul3A_14 = vector.broadcast %mul3A_13 : f32 to vector<256x1xf32>
    %mul3A_15 = arith.mulf %get3A_12, %mul3A_14 : vector<256x1xf32>
    %get3A_16 = arith.constant 0 : index
    %get3A_17 = arith.constant 4 : index
    %get3A_18 = vector.load %arg0[%get3A_16, %get3A_17] : memref<256x6xf32, #tpu.memory_space<vmem>>, vector<256x1xf32>
    %get3A_19 = arith.constant 0 : index
    %get3A_20 = arith.constant 5 : index
    %get3A_21 = vector.load %arg0[%get3A_19, %get3A_20] : memref<256x6xf32, #tpu.memory_space<vmem>>, vector<256x1xf32>
    %convert_element_type3A = arith.fptosi %get3A_1 : vector<256x1xf32> to vector<256x1xi32>
    %convert_element_type3A_22 = arith.fptosi %get3A_4 : vector<256x1xf32> to vector<256x1xi32>
    %convert_element_type3A_23 = arith.fptosi %mul3A_9 : vector<256x1xf32> to vector<256x1xi32>
    %convert_element_type3A_24 = arith.fptosi %mul3A_15 : vector<256x1xf32> to vector<256x1xi32>
    %convert_element_type3A_25 = arith.sitofp %convert_element_type3A_23 : vector<256x1xi32> to vector<256x1xf32>
    %sub3A = arith.subf %mul3A_9, %convert_element_type3A_25 : vector<256x1xf32>
    %convert_element_type3A_26 = arith.sitofp %convert_element_type3A_24 : vector<256x1xi32> to vector<256x1xf32>
    %sub3A_27 = arith.subf %mul3A_15, %convert_element_type3A_26 : vector<256x1xf32>
    %mul3A_28 = arith.constant 6.400000e+02 : f32
    %mul3A_29 = vector.broadcast %mul3A_28 : f32 to vector<256x1xf32>
    %mul3A_30 = arith.mulf %get3A_18, %mul3A_29 : vector<256x1xf32>
    %div3A = arith.constant 1.600000e+01 : f32
    %div3A_31 = vector.broadcast %div3A : f32 to vector<256x1xf32>
    %div3A_32 = arith.divf %mul3A_30, %div3A_31 : vector<256x1xf32>
    %mul3A_33 = arith.constant 6.400000e+02 : f32
    %mul3A_34 = vector.broadcast %mul3A_33 : f32 to vector<256x1xf32>
    %mul3A_35 = arith.mulf %get3A_21, %mul3A_34 : vector<256x1xf32>
    %div3A_36 = arith.constant 1.600000e+01 : f32
    %div3A_37 = vector.broadcast %div3A_36 : f32 to vector<256x1xf32>
    %div3A_38 = arith.divf %mul3A_35, %div3A_37 : vector<256x1xf32>
    %broadcast_in_dim3A = arith.constant 0 : i32
    %broadcast_in_dim3A_39 = vector.broadcast %broadcast_in_dim3A : i32 to vector<256x1xi32>
    %div3A_40 = arith.constant 1.875000e+00 : f32
    %div3A_41 = vector.broadcast %div3A_40 : f32 to vector<256x1xf32>
    %div3A_42 = arith.divf %div3A_32, %div3A_41 : vector<256x1xf32>
    %add3A = arith.constant 9.99999971E-10 : f32
    %add3A_43 = vector.broadcast %add3A : f32 to vector<256x1xf32>
    %add3A_44 = arith.addf %div3A_32, %add3A_43 : vector<256x1xf32>
    %div3A_45 = arith.constant 1.875000e+00 : f32
    %div3A_46 = vector.broadcast %div3A_45 : f32 to vector<256x1xf32>
    %div3A_47 = arith.divf %div3A_46, %add3A_44 : vector<256x1xf32>
    %max3A = arith.maximumf %div3A_42, %div3A_47 : vector<256x1xf32>
    %div3A_48 = arith.constant 3.812500e+00 : f32
    %div3A_49 = vector.broadcast %div3A_48 : f32 to vector<256x1xf32>
    %div3A_50 = arith.divf %div3A_38, %div3A_49 : vector<256x1xf32>
    %add3A_51 = arith.constant 9.99999971E-10 : f32
    %add3A_52 = vector.broadcast %add3A_51 : f32 to vector<256x1xf32>
    %add3A_53 = arith.addf %div3A_38, %add3A_52 : vector<256x1xf32>
    %div3A_54 = arith.constant 3.812500e+00 : f32
    %div3A_55 = vector.broadcast %div3A_54 : f32 to vector<256x1xf32>
    %div3A_56 = arith.divf %div3A_55, %add3A_53 : vector<256x1xf32>
    %max3A_57 = arith.maximumf %div3A_50, %div3A_56 : vector<256x1xf32>
    %max3A_58 = arith.maximumf %max3A, %max3A_57 : vector<256x1xf32>
    %div3A_59 = arith.constant 3.875000e+00 : f32
    %div3A_60 = vector.broadcast %div3A_59 : f32 to vector<256x1xf32>
    %div3A_61 = arith.divf %div3A_32, %div3A_60 : vector<256x1xf32>
    %add3A_62 = arith.constant 9.99999971E-10 : f32
    %add3A_63 = vector.broadcast %add3A_62 : f32 to vector<256x1xf32>
    %add3A_64 = arith.addf %div3A_32, %add3A_63 : vector<256x1xf32>
    %div3A_65 = arith.constant 3.875000e+00 : f32
    %div3A_66 = vector.broadcast %div3A_65 : f32 to vector<256x1xf32>
    %div3A_67 = arith.divf %div3A_66, %add3A_64 : vector<256x1xf32>
    %max3A_68 = arith.maximumf %div3A_61, %div3A_67 : vector<256x1xf32>
    %div3A_69 = arith.constant 2.812500e+00 : f32
    %div3A_70 = vector.broadcast %div3A_69 : f32 to vector<256x1xf32>
    %div3A_71 = arith.divf %div3A_38, %div3A_70 : vector<256x1xf32>
    %add3A_72 = arith.constant 9.99999971E-10 : f32
    %add3A_73 = vector.broadcast %add3A_72 : f32 to vector<256x1xf32>
    %add3A_74 = arith.addf %div3A_38, %add3A_73 : vector<256x1xf32>
    %div3A_75 = arith.constant 2.812500e+00 : f32
    %div3A_76 = vector.broadcast %div3A_75 : f32 to vector<256x1xf32>
    %div3A_77 = arith.divf %div3A_76, %add3A_74 : vector<256x1xf32>
    %max3A_78 = arith.maximumf %div3A_71, %div3A_77 : vector<256x1xf32>
    %max3A_79 = arith.maximumf %max3A_68, %max3A_78 : vector<256x1xf32>
    %lt3A = arith.cmpf olt, %max3A_79, %max3A_58 : vector<256x1xf32>
    %jit3A = arith.constant 1 : i32
    %broadcast_in_dim3A_80 = vector.broadcast %jit3A : i32 to vector<256x1xi32>
    %select_n3A = arith.select %lt3A, %broadcast_in_dim3A_80, %broadcast_in_dim3A_39 : vector<256x1xi1>, vector<256x1xi32>
    %min3A = arith.minimumf %max3A_58, %max3A_79 : vector<256x1xf32>
    %div3A_81 = arith.constant 3.687500e+00 : f32
    %div3A_82 = vector.broadcast %div3A_81 : f32 to vector<256x1xf32>
    %div3A_83 = arith.divf %div3A_32, %div3A_82 : vector<256x1xf32>
    %add3A_84 = arith.constant 9.99999971E-10 : f32
    %add3A_85 = vector.broadcast %add3A_84 : f32 to vector<256x1xf32>
    %add3A_86 = arith.addf %div3A_32, %add3A_85 : vector<256x1xf32>
    %div3A_87 = arith.constant 3.687500e+00 : f32
    %div3A_88 = vector.broadcast %div3A_87 : f32 to vector<256x1xf32>
    %div3A_89 = arith.divf %div3A_88, %add3A_86 : vector<256x1xf32>
    %max3A_90 = arith.maximumf %div3A_83, %div3A_89 : vector<256x1xf32>
    %div3A_91 = arith.constant 7.437500e+00 : f32
    %div3A_92 = vector.broadcast %div3A_91 : f32 to vector<256x1xf32>
    %div3A_93 = arith.divf %div3A_38, %div3A_92 : vector<256x1xf32>
    %add3A_94 = arith.constant 9.99999971E-10 : f32
    %add3A_95 = vector.broadcast %add3A_94 : f32 to vector<256x1xf32>
    %add3A_96 = arith.addf %div3A_38, %add3A_95 : vector<256x1xf32>
    %div3A_97 = arith.constant 7.437500e+00 : f32
    %div3A_98 = vector.broadcast %div3A_97 : f32 to vector<256x1xf32>
    %div3A_99 = arith.divf %div3A_98, %add3A_96 : vector<256x1xf32>
    %max3A_100 = arith.maximumf %div3A_93, %div3A_99 : vector<256x1xf32>
    %max3A_101 = arith.maximumf %max3A_90, %max3A_100 : vector<256x1xf32>
    %lt3A_102 = arith.cmpf olt, %max3A_101, %min3A : vector<256x1xf32>
    %jit3A_103 = arith.constant 2 : i32
    %broadcast_in_dim3A_104 = vector.broadcast %jit3A_103 : i32 to vector<256x1xi32>
    %select_n3A_105 = arith.select %lt3A_102, %broadcast_in_dim3A_104, %select_n3A : vector<256x1xi1>, vector<256x1xi32>
    %eq3A = arith.constant 0 : i32
    %eq3A_106 = vector.broadcast %eq3A : i32 to vector<256x1xi32>
    %eq3A_107 = arith.cmpi eq, %select_n3A_105, %eq3A_106 : vector<256x1xi32>
    %eq3A_108 = arith.constant 1 : i32
    %eq3A_109 = vector.broadcast %eq3A_108 : i32 to vector<256x1xi32>
    %eq3A_110 = arith.cmpi eq, %select_n3A_105, %eq3A_109 : vector<256x1xi32>
    %jit3A_111 = arith.constant 6.200000e+01 : f32
    %jit3A_112 = arith.constant 5.900000e+01 : f32
    %broadcast_in_dim3A_113 = vector.broadcast %jit3A_111 : f32 to vector<256x1xf32>
    %broadcast_in_dim3A_114 = vector.broadcast %jit3A_112 : f32 to vector<256x1xf32>
    %select_n3A_115 = arith.select %eq3A_110, %broadcast_in_dim3A_113, %broadcast_in_dim3A_114 : vector<256x1xi1>, vector<256x1xf32>
    %jit3A_116 = arith.constant 3.000000e+01 : f32
    %broadcast_in_dim3A_117 = vector.broadcast %jit3A_116 : f32 to vector<256x1xf32>
    %select_n3A_118 = arith.select %eq3A_107, %broadcast_in_dim3A_117, %select_n3A_115 : vector<256x1xi1>, vector<256x1xf32>
    %eq3A_119 = arith.constant 0 : i32
    %eq3A_120 = vector.broadcast %eq3A_119 : i32 to vector<256x1xi32>
    %eq3A_121 = arith.cmpi eq, %select_n3A_105, %eq3A_120 : vector<256x1xi32>
    %eq3A_122 = arith.constant 1 : i32
    %eq3A_123 = vector.broadcast %eq3A_122 : i32 to vector<256x1xi32>
    %eq3A_124 = arith.cmpi eq, %select_n3A_105, %eq3A_123 : vector<256x1xi32>
    %jit3A_125 = arith.constant 4.500000e+01 : f32
    %jit3A_126 = arith.constant 1.190000e+02 : f32
    %broadcast_in_dim3A_127 = vector.broadcast %jit3A_125 : f32 to vector<256x1xf32>
    %broadcast_in_dim3A_128 = vector.broadcast %jit3A_126 : f32 to vector<256x1xf32>
    %select_n3A_129 = arith.select %eq3A_124, %broadcast_in_dim3A_127, %broadcast_in_dim3A_128 : vector<256x1xi1>, vector<256x1xf32>
    %jit3A_130 = arith.constant 6.100000e+01 : f32
    %broadcast_in_dim3A_131 = vector.broadcast %jit3A_130 : f32 to vector<256x1xf32>
    %select_n3A_132 = arith.select %eq3A_121, %broadcast_in_dim3A_131, %select_n3A_129 : vector<256x1xi1>, vector<256x1xf32>
    %mul3A_133 = arith.constant 6.400000e+02 : f32
    %mul3A_134 = vector.broadcast %mul3A_133 : f32 to vector<256x1xf32>
    %mul3A_135 = arith.mulf %get3A_18, %mul3A_134 : vector<256x1xf32>
    %div3A_136 = arith.divf %mul3A_135, %select_n3A_118 : vector<256x1xf32>
    %add3A_137 = arith.constant 1.000000e-16 : f32
    %add3A_138 = vector.broadcast %add3A_137 : f32 to vector<256x1xf32>
    %add3A_139 = arith.addf %div3A_136, %add3A_138 : vector<256x1xf32>
    %log3A = math.log %add3A_139 : vector<256x1xf32>
    %mul3A_140 = arith.constant 6.400000e+02 : f32
    %mul3A_141 = vector.broadcast %mul3A_140 : f32 to vector<256x1xf32>
    %mul3A_142 = arith.mulf %get3A_21, %mul3A_141 : vector<256x1xf32>
    %div3A_143 = arith.divf %mul3A_142, %select_n3A_132 : vector<256x1xf32>
    %add3A_144 = arith.constant 1.000000e-16 : f32
    %add3A_145 = vector.broadcast %add3A_144 : f32 to vector<256x1xf32>
    %add3A_146 = arith.addf %div3A_143, %add3A_145 : vector<256x1xf32>
    %log3A_147 = math.log %add3A_146 : vector<256x1xf32>
    %lt3A_148 = arith.constant 40 : i32
    %lt3A_149 = vector.broadcast %lt3A_148 : i32 to vector<256x1xi32>
    %lt3A_150 = arith.cmpi slt, %convert_element_type3A_24, %lt3A_149 : vector<256x1xi32>
    %lt3A_151 = arith.constant 40 : i32
    %lt3A_152 = vector.broadcast %lt3A_151 : i32 to vector<256x1xi32>
    %lt3A_153 = arith.cmpi slt, %convert_element_type3A_23, %lt3A_152 : vector<256x1xi32>
    %and3A = arith.andi %lt3A_150, %lt3A_153 : vector<256x1xi1>
    %mul3A_154 = arith.constant 3 : i32
    %mul3A_155 = vector.broadcast %mul3A_154 : i32 to vector<256x1xi32>
    %mul3A_156 = arith.muli %convert_element_type3A, %mul3A_155 : vector<256x1xi32>
    %add3A_157 = arith.addi %mul3A_156, %select_n3A_105 : vector<256x1xi32>
    %mul3A_158 = arith.constant 40 : i32
    %mul3A_159 = vector.broadcast %mul3A_158 : i32 to vector<256x1xi32>
    %mul3A_160 = arith.muli %add3A_157, %mul3A_159 : vector<256x1xi32>
    %add3A_161 = arith.addi %mul3A_160, %convert_element_type3A_24 : vector<256x1xi32>
    %mul3A_162 = arith.constant 40 : i32
    %mul3A_163 = vector.broadcast %mul3A_162 : i32 to vector<256x1xi32>
    %mul3A_164 = arith.muli %add3A_161, %mul3A_163 : vector<256x1xi32>
    %add3A_165 = arith.addi %mul3A_164, %convert_element_type3A_23 : vector<256x1xi32>
    %iota3A = tpu.iota {dimensions = array<i32: 0>} : vector<256x256xi32>
    %iota3A_166 = tpu.iota {dimensions = array<i32: 1>} : vector<256x256xi32>
    %iota3A_167 = tpu.iota {dimensions = array<i32: 0>} : vector<256x1xi32>
    %add3A_168 = arith.constant 256 : i32
    %add3A_169 = vector.broadcast %add3A_168 : i32 to vector<256x1xi32>
    %add3A_170 = arith.addi %add3A_165, %add3A_169 : vector<256x1xi32>
    %select_n3A_171 = arith.select %and3A, %add3A_170, %iota3A_167 : vector<256x1xi1>, vector<256x1xi32>
    %eq3A_172 = arith.cmpi eq, %iota3A, %iota3A_166 : vector<256x256xi32>
    %convert_element_type3A_173 = arith.extui %eq3A_172 : vector<256x256xi1> to vector<256x256xi32>
    %convert_element_type3A_174 = arith.sitofp %convert_element_type3A_173 : vector<256x256xi32> to vector<256x256xf32>
    %broadcast_in_dim3A_175 = arith.constant 1.000000e+00 : f32
    %broadcast_in_dim3A_176 = vector.broadcast %broadcast_in_dim3A_175 : f32 to vector<256x256xf32>
    %shift_right_arithmetic3A = arith.constant 0 : i32
    %shift_right_arithmetic3A_177 = vector.broadcast %shift_right_arithmetic3A : i32 to vector<256x1xi32>
    %shift_right_arithmetic3A_178 = arith.shrsi %select_n3A_171, %shift_right_arithmetic3A_177 : vector<256x1xi32>
    %and3A_179 = arith.constant 63 : i32
    %and3A_180 = vector.broadcast %and3A_179 : i32 to vector<256x1xi32>
    %and3A_181 = arith.andi %shift_right_arithmetic3A_178, %and3A_180 : vector<256x1xi32>
    %convert_element_type3A_182 = arith.sitofp %and3A_181 : vector<256x1xi32> to vector<256x1xf32>
    %mul3A_183 = vector.broadcast %convert_element_type3A_182 : vector<256x1xf32> to vector<256x256xf32>
    %mul3A_184 = arith.mulf %convert_element_type3A_174, %mul3A_183 : vector<256x256xf32>
    %dot_general3A = arith.constant dense<0.000000e+00> : vector<256x256xf32>
    %dot_general3A_185 = tpu.matmul %broadcast_in_dim3A_176, %mul3A_184, %dot_general3A {dimension_numbers = #tpu.dot_dimension_numbers<[1], [0], [0], [1], [0, 0, 1, 1], [], []>, transpose_lhs_hint = false} : vector<256x256xf32>, vector<256x256xf32>, vector<256x256xf32> -> vector<256x256xf32>
    %eq3A_186 = vector.broadcast %convert_element_type3A_182 : vector<256x1xf32> to vector<256x256xf32>
    %eq3A_187 = arith.cmpf oeq, %dot_general3A_185, %eq3A_186 : vector<256x256xf32>
    %shift_right_arithmetic3A_188 = arith.constant 6 : i32
    %shift_right_arithmetic3A_189 = vector.broadcast %shift_right_arithmetic3A_188 : i32 to vector<256x1xi32>
    %shift_right_arithmetic3A_190 = arith.shrsi %select_n3A_171, %shift_right_arithmetic3A_189 : vector<256x1xi32>
    %and3A_191 = arith.constant 63 : i32
    %and3A_192 = vector.broadcast %and3A_191 : i32 to vector<256x1xi32>
    %and3A_193 = arith.andi %shift_right_arithmetic3A_190, %and3A_192 : vector<256x1xi32>
    %convert_element_type3A_194 = arith.sitofp %and3A_193 : vector<256x1xi32> to vector<256x1xf32>
    %mul3A_195 = vector.broadcast %convert_element_type3A_194 : vector<256x1xf32> to vector<256x256xf32>
    %mul3A_196 = arith.mulf %convert_element_type3A_174, %mul3A_195 : vector<256x256xf32>
    %dot_general3A_197 = arith.constant dense<0.000000e+00> : vector<256x256xf32>
    %dot_general3A_198 = tpu.matmul %broadcast_in_dim3A_176, %mul3A_196, %dot_general3A_197 {dimension_numbers = #tpu.dot_dimension_numbers<[1], [0], [0], [1], [0, 0, 1, 1], [], []>, transpose_lhs_hint = false} : vector<256x256xf32>, vector<256x256xf32>, vector<256x256xf32> -> vector<256x256xf32>
    %eq3A_199 = vector.broadcast %convert_element_type3A_194 : vector<256x1xf32> to vector<256x256xf32>
    %eq3A_200 = arith.cmpf oeq, %dot_general3A_198, %eq3A_199 : vector<256x256xf32>
    %and3A_201 = arith.andi %eq3A_187, %eq3A_200 : vector<256x256xi1>
    %shift_right_arithmetic3A_202 = arith.constant 12 : i32
    %shift_right_arithmetic3A_203 = vector.broadcast %shift_right_arithmetic3A_202 : i32 to vector<256x1xi32>
    %shift_right_arithmetic3A_204 = arith.shrsi %select_n3A_171, %shift_right_arithmetic3A_203 : vector<256x1xi32>
    %and3A_205 = arith.constant 63 : i32
    %and3A_206 = vector.broadcast %and3A_205 : i32 to vector<256x1xi32>
    %and3A_207 = arith.andi %shift_right_arithmetic3A_204, %and3A_206 : vector<256x1xi32>
    %convert_element_type3A_208 = arith.sitofp %and3A_207 : vector<256x1xi32> to vector<256x1xf32>
    %mul3A_209 = vector.broadcast %convert_element_type3A_208 : vector<256x1xf32> to vector<256x256xf32>
    %mul3A_210 = arith.mulf %convert_element_type3A_174, %mul3A_209 : vector<256x256xf32>
    %dot_general3A_211 = arith.constant dense<0.000000e+00> : vector<256x256xf32>
    %dot_general3A_212 = tpu.matmul %broadcast_in_dim3A_176, %mul3A_210, %dot_general3A_211 {dimension_numbers = #tpu.dot_dimension_numbers<[1], [0], [0], [1], [0, 0, 1, 1], [], []>, transpose_lhs_hint = false} : vector<256x256xf32>, vector<256x256xf32>, vector<256x256xf32> -> vector<256x256xf32>
    %eq3A_213 = vector.broadcast %convert_element_type3A_208 : vector<256x1xf32> to vector<256x256xf32>
    %eq3A_214 = arith.cmpf oeq, %dot_general3A_212, %eq3A_213 : vector<256x256xf32>
    %and3A_215 = arith.andi %and3A_201, %eq3A_214 : vector<256x256xi1>
    %gt3A = arith.cmpi sgt, %iota3A_166, %iota3A : vector<256x256xi32>
    %and3A_216 = arith.andi %and3A_215, %gt3A : vector<256x256xi1>
    %reduce_or3A = arith.constant 1.000000e+00 : f32
    %reduce_or3A_217 = arith.constant 0.000000e+00 : f32
    %reduce_or3A_218 = vector.broadcast %reduce_or3A : f32 to vector<256x256xf32>
    %reduce_or3A_219 = vector.broadcast %reduce_or3A_217 : f32 to vector<256x256xf32>
    %reduce_or3A_220 = arith.select %and3A_216, %reduce_or3A_218, %reduce_or3A_219 : vector<256x256xi1>, vector<256x256xf32>
    %reduce_or3A_221 = arith.constant dense<0xFF800000> : vector<256xf32>
    %reduce_or3A_222 = vector.multi_reduction <maximumf>, %reduce_or3A_220, %reduce_or3A_221 [1] : vector<256x256xf32> to vector<256xf32>
    %reduce_or3A_223 = arith.constant 0.000000e+00 : f32
    %reduce_or3A_224 = vector.broadcast %reduce_or3A_223 : f32 to vector<256xf32>
    %reduce_or3A_225 = arith.cmpf ogt, %reduce_or3A_222, %reduce_or3A_224 : vector<256xf32>
    %broadcast_in_dim3A_226 = vector.shape_cast %reduce_or3A_225 : vector<256xi1> to vector<256x1xi1>
    %not3A = arith.constant dense<true> : vector<256x1xi1>
    %not3A_227 = arith.xori %broadcast_in_dim3A_226, %not3A : vector<256x1xi1>
    %and3A_228 = arith.andi %and3A, %not3A_227 : vector<256x1xi1>
    %convert_element_type3A_229 = arith.extui %and3A_228 : vector<256x1xi1> to vector<256x1xi32>
    %convert_element_type3A_230 = arith.sitofp %convert_element_type3A_229 : vector<256x1xi32> to vector<256x1xf32>
    %swap3A = arith.constant 0 : index
    %swap3A_231 = arith.constant 0 : index
    %swap3A_232 = vector.load %arg1[%swap3A, %swap3A_231] : memref<256x8xf32, #tpu.memory_space<vmem>>, vector<256x1xf32>
    tpu.vector_store %arg1[%swap3A, %swap3A_231], %sub3A {strides = array<i32>} : memref<256x8xf32, #tpu.memory_space<vmem>>, vector<256x1xf32>,
    %swap3A_233 = arith.constant 0 : index
    %swap3A_234 = arith.constant 1 : index
    %swap3A_235 = vector.load %arg1[%swap3A_233, %swap3A_234] : memref<256x8xf32, #tpu.memory_space<vmem>>, vector<256x1xf32>
    tpu.vector_store %arg1[%swap3A_233, %swap3A_234], %sub3A_27 {strides = array<i32>} : memref<256x8xf32, #tpu.memory_space<vmem>>, vector<256x1xf32>,
    %swap3A_236 = arith.constant 0 : index
    %swap3A_237 = arith.constant 2 : index
    %swap3A_238 = vector.load %arg1[%swap3A_236, %swap3A_237] : memref<256x8xf32, #tpu.memory_space<vmem>>, vector<256x1xf32>
    tpu.vector_store %arg1[%swap3A_236, %swap3A_237], %log3A {strides = array<i32>} : memref<256x8xf32, #tpu.memory_space<vmem>>, vector<256x1xf32>,
    %swap3A_239 = arith.constant 0 : index
    %swap3A_240 = arith.constant 3 : index
    %swap3A_241 = vector.load %arg1[%swap3A_239, %swap3A_240] : memref<256x8xf32, #tpu.memory_space<vmem>>, vector<256x1xf32>
    tpu.vector_store %arg1[%swap3A_239, %swap3A_240], %log3A_147 {strides = array<i32>} : memref<256x8xf32, #tpu.memory_space<vmem>>, vector<256x1xf32>,
    %swap3A_242 = arith.constant 0 : index
    %swap3A_243 = arith.constant 4 : index
    %swap3A_244 = vector.load %arg1[%swap3A_242, %swap3A_243] : memref<256x8xf32, #tpu.memory_space<vmem>>, vector<256x1xf32>
    tpu.vector_store %arg1[%swap3A_242, %swap3A_243], %convert_element_type3A_230 {strides = array<i32>} : memref<256x8xf32, #tpu.memory_space<vmem>>, vector<256x1xf32>,
    %convert_element_type3A_245 = arith.sitofp %add3A_165 : vector<256x1xi32> to vector<256x1xf32>
    %swap3A_246 = arith.constant 0 : index
    %swap3A_247 = arith.constant 5 : index
    %swap3A_248 = vector.load %arg1[%swap3A_246, %swap3A_247] : memref<256x8xf32, #tpu.memory_space<vmem>>, vector<256x1xf32>
    tpu.vector_store %arg1[%swap3A_246, %swap3A_247], %convert_element_type3A_245 {strides = array<i32>} : memref<256x8xf32, #tpu.memory_space<vmem>>, vector<256x1xf32>,
    %convert_element_type3A_249 = arith.sitofp %convert_element_type3A_22 : vector<256x1xi32> to vector<256x1xf32>
    %swap3A_250 = arith.constant 0 : index
    %swap3A_251 = arith.constant 6 : index
    %swap3A_252 = vector.load %arg1[%swap3A_250, %swap3A_251] : memref<256x8xf32, #tpu.memory_space<vmem>>, vector<256x1xf32>
    tpu.vector_store %arg1[%swap3A_250, %swap3A_251], %convert_element_type3A_249 {strides = array<i32>} : memref<256x8xf32, #tpu.memory_space<vmem>>, vector<256x1xf32>,
    %broadcast_in_dim3A_253 = arith.constant 0.000000e+00 : f32
    %broadcast_in_dim3A_254 = vector.broadcast %broadcast_in_dim3A_253 : f32 to vector<256x1xf32>
    %swap3A_255 = arith.constant 0 : index
    %swap3A_256 = arith.constant 7 : index
    %swap3A_257 = vector.load %arg1[%swap3A_255, %swap3A_256] : memref<256x8xf32, #tpu.memory_space<vmem>>, vector<256x1xf32>
    tpu.vector_store %arg1[%swap3A_255, %swap3A_256], %broadcast_in_dim3A_254 {strides = array<i32>} : memref<256x8xf32, #tpu.memory_space<vmem>>, vector<256x1xf32>,
    return
  }
}

module attributes {stable_mosaic.version = 14 : i64} {
  func.func @_dense_kernel(%arg0: i32, %arg1: memref<19200x85xf32, #tpu.memory_space<vmem>>, %arg2: memref<32x16xf32, #tpu.memory_space<vmem>>, %arg3: memref<1xf32, #tpu.memory_space<smem>>, %arg4: memref<1x85xf32, #tpu.memory_space<vmem>>) attributes {dimension_semantics = [#tpu.dimension_semantics<arbitrary>], iteration_bounds = array<i64: 4>, scalar_prefetch = 0 : i64, scratch_operands = 1 : i64, tpu.core_type = #tpu.core_type<tc>, window_params = [{transform_indices = @transform_0, window_bounds = array<i64: 19200, 85>}, {pipeline_mode = #tpu.pipeline_mode<synchronous>, transform_indices = @transform_1, window_bounds = array<i64: 32, 16>}, {transform_indices = @transform_2, window_bounds = array<i64: 1>}]} {
    %eq3A = arith.constant 0 : i32
    %eq3A_0 = arith.cmpi eq, %arg0, %eq3A : i32
    %convert_element_type3A = arith.extui %eq3A_0 : i1 to i32
    %cond3A = arith.constant 0 : i32
    %cond3A_1 = arith.cmpi ne, %convert_element_type3A, %cond3A : i32
    scf.if %cond3A_1 {
      %broadcast_in_dim3A_31 = arith.constant 0.000000e+00 : f32
      %broadcast_in_dim3A_32 = vector.broadcast %broadcast_in_dim3A_31 : f32 to vector<1x85xf32>
      %swap3A_33 = arith.constant 0 : index
      %swap3A_34 = arith.constant 0 : index
      %swap3A_35 = vector.load %arg4[%swap3A_33, %swap3A_34] : memref<1x85xf32, #tpu.memory_space<vmem>>, vector<1x85xf32>
      tpu.vector_store %arg4[%swap3A_33, %swap3A_34], %broadcast_in_dim3A_32 {strides = array<i32>} : memref<1x85xf32, #tpu.memory_space<vmem>>, vector<1x85xf32>,
    } else {
    }
    %get3A = arith.constant 0 : index
    %get3A_2 = arith.constant 0 : index
    %get3A_3 = vector.load %arg1[%get3A, %get3A_2] : memref<19200x85xf32, #tpu.memory_space<vmem>>, vector<19200x85xf32>
    %mul3A = arith.constant 1.44269502 : f32
    %mul3A_4 = vector.broadcast %mul3A : f32 to vector<19200x85xf32>
    %mul3A_5 = arith.mulf %get3A_3, %mul3A_4 : vector<19200x85xf32>
    %exp23A = math.exp2 %mul3A_5 : vector<19200x85xf32>
    %add3A = arith.constant 1.000000e+00 : f32
    %add3A_6 = vector.broadcast %add3A : f32 to vector<19200x85xf32>
    %add3A_7 = arith.addf %add3A_6, %exp23A : vector<19200x85xf32>
    %slice3A = vector.extract_strided_slice %add3A_7 {offsets = [0, 0], sizes = [9600, 85], strides = [1, 1]} : vector<19200x85xf32> to vector<9600x85xf32>
    %slice3A_8 = vector.extract_strided_slice %add3A_7 {offsets = [9600, 0], sizes = [9600, 85], strides = [1, 1]} : vector<19200x85xf32> to vector<9600x85xf32>
    %mul3A_9 = arith.mulf %slice3A, %slice3A_8 : vector<9600x85xf32>
    %slice3A_10 = vector.extract_strided_slice %mul3A_9 {offsets = [0, 0], sizes = [4800, 85], strides = [1, 1]} : vector<9600x85xf32> to vector<4800x85xf32>
    %slice3A_11 = vector.extract_strided_slice %mul3A_9 {offsets = [4800, 0], sizes = [4800, 85], strides = [1, 1]} : vector<9600x85xf32> to vector<4800x85xf32>
    %mul3A_12 = arith.mulf %slice3A_10, %slice3A_11 : vector<4800x85xf32>
    %slice3A_13 = vector.extract_strided_slice %mul3A_12 {offsets = [0, 0], sizes = [2400, 85], strides = [1, 1]} : vector<4800x85xf32> to vector<2400x85xf32>
    %slice3A_14 = vector.extract_strided_slice %mul3A_12 {offsets = [2400, 0], sizes = [2400, 85], strides = [1, 1]} : vector<4800x85xf32> to vector<2400x85xf32>
    %mul3A_15 = arith.mulf %slice3A_13, %slice3A_14 : vector<2400x85xf32>
    %log3A = math.log %mul3A_15 : vector<2400x85xf32>
    %log3A_16 = arith.constant 2.000000e+00 : f32
    %log3A_17 = math.log %log3A_16 : f32
    %div3A = vector.broadcast %log3A_17 : f32 to vector<2400x85xf32>
    %div3A_18 = arith.divf %log3A, %div3A : vector<2400x85xf32>
    %get3A_19 = arith.constant 0 : index
    %get3A_20 = arith.constant 0 : index
    %get3A_21 = vector.load %arg4[%get3A_19, %get3A_20] : memref<1x85xf32, #tpu.memory_space<vmem>>, vector<1x85xf32>
    %reduce_sum3A = arith.constant dense<0.000000e+00> : vector<85xf32>
    %reduce_sum3A_22 = vector.multi_reduction <add>, %div3A_18, %reduce_sum3A [0] : vector<2400x85xf32> to vector<85xf32>
    %broadcast_in_dim3A = vector.shape_cast %reduce_sum3A_22 : vector<85xf32> to vector<1x85xf32>
    %add3A_23 = arith.addf %get3A_21, %broadcast_in_dim3A : vector<1x85xf32>
    %swap3A = arith.constant 0 : index
    %swap3A_24 = arith.constant 0 : index
    %swap3A_25 = vector.load %arg4[%swap3A, %swap3A_24] : memref<1x85xf32, #tpu.memory_space<vmem>>, vector<1x85xf32>
    tpu.vector_store %arg4[%swap3A, %swap3A_24], %add3A_23 {strides = array<i32>} : memref<1x85xf32, #tpu.memory_space<vmem>>, vector<1x85xf32>,
    %eq3A_26 = arith.constant 3 : i32
    %eq3A_27 = arith.cmpi eq, %arg0, %eq3A_26 : i32
    %convert_element_type3A_28 = arith.extui %eq3A_27 : i1 to i32
    %cond3A_29 = arith.constant 0 : i32
    %cond3A_30 = arith.cmpi ne, %convert_element_type3A_28, %cond3A_29 : i32
    scf.if %cond3A_30 {
      %iota3A = tpu.iota {dimensions = array<i32: 1>} : vector<1x85xi32>
      %get3A_31 = arith.constant 0 : index
      %get3A_32 = arith.constant 0 : index
      %get3A_33 = vector.load %arg4[%get3A_31, %get3A_32] : memref<1x85xf32, #tpu.memory_space<vmem>>, vector<1x85xf32>
      %mul3A_34 = arith.constant 0.693147182 : f32
      %mul3A_35 = vector.broadcast %mul3A_34 : f32 to vector<1x85xf32>
      %mul3A_36 = arith.mulf %get3A_33, %mul3A_35 : vector<1x85xf32>
      %eq3A_37 = arith.constant 4 : i32
      %eq3A_38 = vector.broadcast %eq3A_37 : i32 to vector<1x85xi32>
      %eq3A_39 = arith.cmpi eq, %iota3A, %eq3A_38 : vector<1x85xi32>
      %jit3A = arith.constant 0.000000e+00 : f32
      %broadcast_in_dim3A_40 = vector.broadcast %jit3A : f32 to vector<1x85xf32>
      %select_n3A = arith.select %eq3A_39, %mul3A_36, %broadcast_in_dim3A_40 : vector<1x85xi1>, vector<1x85xf32>
      %reduce_sum3A_41 = vector.shape_cast %select_n3A : vector<1x85xf32> to vector<1x1x85xf32>
      %reduce_sum3A_42 = arith.constant dense<0.000000e+00> : vector<1xf32>
      %reduce_sum3A_43 = vector.multi_reduction <add>, %reduce_sum3A_41, %reduce_sum3A_42 [1, 2] : vector<1x1x85xf32> to vector<1xf32>
      %reduce_sum3A_44 = vector.shape_cast %reduce_sum3A_43 : vector<1xf32> to vector<1x1x1xf32>
      %reduce_sum3A_45 = vector.extract %reduce_sum3A_44[0, 0, 0] : f32 from vector<1x1x1xf32>
      %ge3A = arith.constant 5 : i32
      %ge3A_46 = vector.broadcast %ge3A : i32 to vector<1x85xi32>
      %ge3A_47 = arith.cmpi sge, %iota3A, %ge3A_46 : vector<1x85xi32>
      %jit3A_48 = arith.constant 0.000000e+00 : f32
      %broadcast_in_dim3A_49 = vector.broadcast %jit3A_48 : f32 to vector<1x85xf32>
      %select_n3A_50 = arith.select %ge3A_47, %mul3A_36, %broadcast_in_dim3A_49 : vector<1x85xi1>, vector<1x85xf32>
      %reduce_sum3A_51 = vector.shape_cast %select_n3A_50 : vector<1x85xf32> to vector<1x1x85xf32>
      %reduce_sum3A_52 = arith.constant dense<0.000000e+00> : vector<1xf32>
      %reduce_sum3A_53 = vector.multi_reduction <add>, %reduce_sum3A_51, %reduce_sum3A_52 [1, 2] : vector<1x1x85xf32> to vector<1xf32>
      %reduce_sum3A_54 = vector.shape_cast %reduce_sum3A_53 : vector<1xf32> to vector<1x1x1xf32>
      %reduce_sum3A_55 = vector.extract %reduce_sum3A_54[0, 0, 0] : f32 from vector<1x1x1xf32>
      %get3A_56 = arith.constant 0 : index
      %get3A_57 = arith.constant 0 : index
      %get3A_58 = vector.load %arg2[%get3A_56, %get3A_57] : memref<32x16xf32, #tpu.memory_space<vmem>>, vector<32x16xf32>
      %reduce_sum3A_59 = arith.constant dense<0.000000e+00> : vector<16xf32>
      %reduce_sum3A_60 = vector.multi_reduction <add>, %get3A_58, %reduce_sum3A_59 [0] : vector<32x16xf32> to vector<16xf32>
      %broadcast_in_dim3A_61 = vector.shape_cast %reduce_sum3A_60 : vector<16xf32> to vector<1x16xf32>
      %iota3A_62 = tpu.iota {dimensions = array<i32: 1>} : vector<1x16xi32>
      %eq3A_63 = arith.constant 0 : i32
      %eq3A_64 = vector.broadcast %eq3A_63 : i32 to vector<1x16xi32>
      %eq3A_65 = arith.cmpi eq, %iota3A_62, %eq3A_64 : vector<1x16xi32>
      %jit3A_66 = arith.constant 0.000000e+00 : f32
      %broadcast_in_dim3A_67 = vector.broadcast %jit3A_66 : f32 to vector<1x16xf32>
      %select_n3A_68 = arith.select %eq3A_65, %broadcast_in_dim3A_61, %broadcast_in_dim3A_67 : vector<1x16xi1>, vector<1x16xf32>
      %reduce_sum3A_69 = vector.shape_cast %select_n3A_68 : vector<1x16xf32> to vector<1x1x16xf32>
      %reduce_sum3A_70 = arith.constant dense<0.000000e+00> : vector<1xf32>
      %reduce_sum3A_71 = vector.multi_reduction <add>, %reduce_sum3A_69, %reduce_sum3A_70 [1, 2] : vector<1x1x16xf32> to vector<1xf32>
      %reduce_sum3A_72 = vector.shape_cast %reduce_sum3A_71 : vector<1xf32> to vector<1x1x1xf32>
      %reduce_sum3A_73 = vector.extract %reduce_sum3A_72[0, 0, 0] : f32 from vector<1x1x1xf32>
      %eq3A_74 = arith.constant 1 : i32
      %eq3A_75 = vector.broadcast %eq3A_74 : i32 to vector<1x16xi32>
      %eq3A_76 = arith.cmpi eq, %iota3A_62, %eq3A_75 : vector<1x16xi32>
      %jit3A_77 = arith.constant 0.000000e+00 : f32
      %broadcast_in_dim3A_78 = vector.broadcast %jit3A_77 : f32 to vector<1x16xf32>
      %select_n3A_79 = arith.select %eq3A_76, %broadcast_in_dim3A_61, %broadcast_in_dim3A_78 : vector<1x16xi1>, vector<1x16xf32>
      %reduce_sum3A_80 = vector.shape_cast %select_n3A_79 : vector<1x16xf32> to vector<1x1x16xf32>
      %reduce_sum3A_81 = arith.constant dense<0.000000e+00> : vector<1xf32>
      %reduce_sum3A_82 = vector.multi_reduction <add>, %reduce_sum3A_80, %reduce_sum3A_81 [1, 2] : vector<1x1x16xf32> to vector<1xf32>
      %reduce_sum3A_83 = vector.shape_cast %reduce_sum3A_82 : vector<1xf32> to vector<1x1x1xf32>
      %reduce_sum3A_84 = vector.extract %reduce_sum3A_83[0, 0, 0] : f32 from vector<1x1x1xf32>
      %eq3A_85 = arith.constant 2 : i32
      %eq3A_86 = vector.broadcast %eq3A_85 : i32 to vector<1x16xi32>
      %eq3A_87 = arith.cmpi eq, %iota3A_62, %eq3A_86 : vector<1x16xi32>
      %jit3A_88 = arith.constant 0.000000e+00 : f32
      %broadcast_in_dim3A_89 = vector.broadcast %jit3A_88 : f32 to vector<1x16xf32>
      %select_n3A_90 = arith.select %eq3A_87, %broadcast_in_dim3A_61, %broadcast_in_dim3A_89 : vector<1x16xi1>, vector<1x16xf32>
      %reduce_sum3A_91 = vector.shape_cast %select_n3A_90 : vector<1x16xf32> to vector<1x1x16xf32>
      %reduce_sum3A_92 = arith.constant dense<0.000000e+00> : vector<1xf32>
      %reduce_sum3A_93 = vector.multi_reduction <add>, %reduce_sum3A_91, %reduce_sum3A_92 [1, 2] : vector<1x1x16xf32> to vector<1xf32>
      %reduce_sum3A_94 = vector.shape_cast %reduce_sum3A_93 : vector<1xf32> to vector<1x1x1xf32>
      %reduce_sum3A_95 = vector.extract %reduce_sum3A_94[0, 0, 0] : f32 from vector<1x1x1xf32>
      %eq3A_96 = arith.constant 3 : i32
      %eq3A_97 = vector.broadcast %eq3A_96 : i32 to vector<1x16xi32>
      %eq3A_98 = arith.cmpi eq, %iota3A_62, %eq3A_97 : vector<1x16xi32>
      %jit3A_99 = arith.constant 0.000000e+00 : f32
      %broadcast_in_dim3A_100 = vector.broadcast %jit3A_99 : f32 to vector<1x16xf32>
      %select_n3A_101 = arith.select %eq3A_98, %broadcast_in_dim3A_61, %broadcast_in_dim3A_100 : vector<1x16xi1>, vector<1x16xf32>
      %reduce_sum3A_102 = vector.shape_cast %select_n3A_101 : vector<1x16xf32> to vector<1x1x16xf32>
      %reduce_sum3A_103 = arith.constant dense<0.000000e+00> : vector<1xf32>
      %reduce_sum3A_104 = vector.multi_reduction <add>, %reduce_sum3A_102, %reduce_sum3A_103 [1, 2] : vector<1x1x16xf32> to vector<1xf32>
      %reduce_sum3A_105 = vector.shape_cast %reduce_sum3A_104 : vector<1xf32> to vector<1x1x1xf32>
      %reduce_sum3A_106 = vector.extract %reduce_sum3A_105[0, 0, 0] : f32 from vector<1x1x1xf32>
      %eq3A_107 = arith.constant 4 : i32
      %eq3A_108 = vector.broadcast %eq3A_107 : i32 to vector<1x16xi32>
      %eq3A_109 = arith.cmpi eq, %iota3A_62, %eq3A_108 : vector<1x16xi32>
      %jit3A_110 = arith.constant 0.000000e+00 : f32
      %broadcast_in_dim3A_111 = vector.broadcast %jit3A_110 : f32 to vector<1x16xf32>
      %select_n3A_112 = arith.select %eq3A_109, %broadcast_in_dim3A_61, %broadcast_in_dim3A_111 : vector<1x16xi1>, vector<1x16xf32>
      %reduce_sum3A_113 = vector.shape_cast %select_n3A_112 : vector<1x16xf32> to vector<1x1x16xf32>
      %reduce_sum3A_114 = arith.constant dense<0.000000e+00> : vector<1xf32>
      %reduce_sum3A_115 = vector.multi_reduction <add>, %reduce_sum3A_113, %reduce_sum3A_114 [1, 2] : vector<1x1x16xf32> to vector<1xf32>
      %reduce_sum3A_116 = vector.shape_cast %reduce_sum3A_115 : vector<1xf32> to vector<1x1x1xf32>
      %reduce_sum3A_117 = vector.extract %reduce_sum3A_116[0, 0, 0] : f32 from vector<1x1x1xf32>
      %mul3A_118 = arith.constant 2.000000e+00 : f32
      %mul3A_119 = arith.mulf %reduce_sum3A_117, %mul3A_118 : f32
      %max3A = arith.constant 1.000000e+00 : f32
      %max3A_120 = arith.maximumf %mul3A_119, %max3A : f32
      %gt3A = arith.constant 0.000000e+00 : f32
      %gt3A_121 = arith.cmpf ogt, %reduce_sum3A_117, %gt3A : f32
      %div3A_122 = arith.divf %reduce_sum3A_73, %max3A_120 : f32
      %jit3A_123 = arith.constant 0.000000e+00 : f32
      %select_n3A_124 = arith.select %gt3A_121, %div3A_122, %jit3A_123 : f32
      %gt3A_125 = arith.constant 0.000000e+00 : f32
      %gt3A_126 = arith.cmpf ogt, %reduce_sum3A_117, %gt3A_125 : f32
      %div3A_127 = arith.divf %reduce_sum3A_84, %max3A_120 : f32
      %jit3A_128 = arith.constant 0.000000e+00 : f32
      %select_n3A_129 = arith.select %gt3A_126, %div3A_127, %jit3A_128 : f32
      %sub3A = arith.subf %reduce_sum3A_45, %reduce_sum3A_95 : f32
      %div3A_130 = arith.constant 7.680000e+04 : f32
      %div3A_131 = arith.divf %sub3A, %div3A_130 : f32
      %sub3A_132 = arith.subf %reduce_sum3A_55, %reduce_sum3A_106 : f32
      %div3A_133 = arith.constant 6.144000e+06 : f32
      %div3A_134 = arith.divf %sub3A_132, %div3A_133 : f32
      %add3A_135 = arith.addf %select_n3A_124, %select_n3A_129 : f32
      %add3A_136 = arith.addf %add3A_135, %div3A_131 : f32
      %add3A_137 = arith.addf %add3A_136, %div3A_134 : f32
      %swap3A_138 = arith.constant 0 : index
      %swap3A_139 = memref.load %arg3[%swap3A_138] : memref<1xf32, #tpu.memory_space<smem>>
      memref.store %add3A_137, %arg3[%swap3A_138] : memref<1xf32, #tpu.memory_space<smem>>
    } else {
    }
    return
  }
  func.func @transform_0(%arg0: i32) -> (i32, i32) {
    %c0_i32 = arith.constant 0 : i32
    %c0_i32_0 = arith.constant 0 : i32
    return %arg0, %c0_i32 : i32, i32
  }
  func.func @transform_1(%arg0: i32) -> (i32, i32) {
    %c0_i32 = arith.constant 0 : i32
    %c0_i32_0 = arith.constant 0 : i32
    %c0_i32_1 = arith.constant 0 : i32
    return %c0_i32, %c0_i32_0 : i32, i32
  }
  func.func @transform_2(%arg0: i32) -> i32 {
    %c0_i32 = arith.constant 0 : i32
    %c0_i32_0 = arith.constant 0 : i32
    return %c0_i32 : i32
  }
}

</mosaic_0001>

<sc_bundles>
// kernel: kernel.5.cloned.1.call-start
scs
__scs_entry_jumppad:
0x0: {  	(pc) =	sbr.rel $0x88, $3  }
0x1: {  	(tag) =	ssettag $0x0;
	lr =	simm.s32 $0x1  }
0x2: {  	[smem:$0x3F9F] =	sst lr;
	_ =	strace $0xD0000000  }
0x3: {  	_ = 	snop  }
0x4: {  	_ = 	snop  }
0x5: {  	_ = 	snop  }
0x6: {  	_ = 	snop  }
0x7: {  	_ = 	snop  }
__scs_overlays_trampoline_lowered:
0x8: {  	[smem:$0x3FAE] =	sst s0  }
0x9: {  	[smem:$0x3FAF] =	sst s1  }
0xa: {  	[smem:$0x3FB0] =	sst s2  }
0xb: {  	[smem:$0x3FB1] =	sst s3  }
0xc: {  	[smem:$0x3FB2] =	sst s4  }
0xd: {  	[smem:$0x3FB3] =	sst s5  }
0xe: {  	[smem:$0x3FB4] =	sst s6  }
0xf: {  	[smem:$0x3FB5] =	sst s7  }
0x10: {  	[smem:$0x3FB6] =	sst s8  }
0x11: {  	[smem:$0x3FB7] =	sst s9;
	s0 =	simm.s32 @!p0 $0x0  }
0x12: {  	s1 =	sld [smem:$0x3F9D];
	s0 =	simm.s32 @p0 $0x1  }
0x13: {  	[smem:$0x3FB8] =	sst s0;
	s0 =	simm.s32 @!p1 $0x0  }
0x14: {  	s2 =	sld [smem:$0x3F9C];
	s0 =	simm.s32 @p1 $0x1  }
0x15: {  	[smem:$0x3FB9] =	sst s0;
	s0 =	simm.s32 @!p2 $0x0  }
0x16: {  	s3 =	sld [smem:$0x3FDB];
	s0 =	simm.s32 @p2 $0x1  }
0x17: {  	s4 =	simm.s32 $0x1BF5;
	[smem:$0x3FBB] =	sst s0  }
0x18: {  	s0 =	sld [smem:$0x3F9E];
	_ =	swait.ge [sflag:s4], $0x0  }
0x19: {  	s7 =	sld [smem:$0x3F9F]  }
0x1a: {  	s8 =	sadd.s32 $0xFFFFE003, lr  }
0x1b: {  	s9 =	sadd.s32 $0xFFFFFEF7, lr;
	s5 =	simm.s32 $0xFFFFFFFF;
	p2 =	slt.u32 s8, $0xFFFFF086  }
0x1c: {  	p1 =	slt.u32 s9, $0xF7A;
	s5 =	simm.s32 @!p2 $0x0  }
0x1d: {  	s5 =	simm.s32 @p1 $0x1;
	p0 =	seq.s32 s7, s2  }
0x1e: {  	s7 =	smul.u32 @!p0 $0xF7A, s2;
	p2 =	seq.s32 @!p0 s5, $0x0  }
0x1f: {  	s9 =	smul.u32 $0xF7A, s1;
	s8 =	simm.s32 @!p0 $0x1BF5;
	p2 =	por !p2, p0  }
0x20: {  	[sflag:s8] =	ssyncset.s32 @!p0 $0xFFFFF086;
	s6 =	sadd.s32 @!p0 s3, s7;
	s7 =	simm.s32 @!p0 $0x108  }
0x21: {  	s3 =	sadd.s32 s3, s9;
	s6 =	sadd.s32 @!p0 $0x88, s6;
	s7 =	simm.s32 @p2 $0x1082  }
0x22: {  	[simem:s7], [sflag:s8] =	dma.local @!p0 [hbm:s6], $0xF7A  }
0x23: {  	s9 =	sor.u32 $0xD0000000, s2;
	s6 =	simm.s32 $0x108;
	_ =	swait.ge @!p0 [sflag:s8], $0x0  }
0x24: {  	s3 =	sadd.s32 $0x88, s3;
	s6 =	simm.s32 @!p1 $0x1082;
	[sflag:s4] =	ssyncset.s32 $0xFFFFF086  }
0x25: {  	[simem:s6], [sflag:s4] =	dma.local [hbm:s3], $0xF7A  }
0x26: {  	[smem:$0x3F9F] =	sst s1;
	(tag) =	ssettag s2;
	_ =	strace s9  }
0x27: {  	s1 =	sld [smem:$0x3FAF]  }
0x28: {  	s2 =	sld [smem:$0x3FB0]  }
0x29: {  	s4 =	sld [smem:$0x3FB2]  }
0x2a: {  	p0 =	seq.s32 s5, $0x0;
	s5 =	sld [smem:$0x3FB3]  }
0x2b: {  	s6 =	sld [smem:$0x3FB4]  }
0x2c: {  	s7 =	sld [smem:$0x3FB5]  }
0x2d: {  	s3 =	simm.s32 $0x108;
	s8 =	sld [smem:$0x3FB6]  }
0x2e: {  	s3 =	simm.s32 @!p0 $0x1082;
	s9 =	sld [smem:$0x3FB7]  }
0x2f: {  	lr =	sadd.s32 s0, s3;
	s0 =	sld [smem:$0x3FAE]  }
0x30: {  	s3 =	sld [smem:$0x3FB1]  }
0x31: {  	[smem:$0x3FBA] =	sst s10  }
0x32: {  	s10 =	sld [smem:$0x3FB8];
	_ =	sdelay $0x3  }
0x33: {  	p0 =	seq.s32 s10, $0x1;
	s10 =	sld [smem:$0x3FBA];
	_ =	sdelay $0x3  }
0x34: {  	[smem:$0x3FBA] =	sst s10  }
0x35: {  	s10 =	sld [smem:$0x3FB9];
	_ =	sdelay $0x3  }
0x36: {  	p1 =	seq.s32 s10, $0x1;
	s10 =	sld [smem:$0x3FBA];
	_ =	sdelay $0x3  }
0x37: {  	[smem:$0x3FBA] =	sst s10  }
0x38: {  	s10 =	sld [smem:$0x3FBB]  }
0x39: {  	_ = 	snop;
	(pc) =	sbr.ind lr, $3  }
0x3a: {  	_ = 	snop  }
0x3b: {  	_ = 	snop  }
0x3c: {  	p2 =	seq.s32 s10, $0x1;
	s10 =	sld [smem:$0x3FBA]  }
0x3d: {  	_ =	shalt  }
0x3e: {  	_ =	shalt  }
0x3f: {  	_ =	shalt  }
0x40: {  	_ =	shalt  }
0x41: {  	_ =	shalt  }
0x42: {  	_ =	shalt  }
0x43: {  	_ =	shalt  }
0x44: {  	_ =	shalt  }
0x45: {  	_ =	shalt  }
0x46: {  	_ =	shalt  }
0x47: {  	_ =	shalt  }
0x48: {  	_ =	shalt  }
0x49: {  	_ =	shalt  }
0x4a: {  	_ =	shalt  }
0x4b: {  	_ =	shalt  }
0x4c: {  	_ =	shalt  }
0x4d: {  	_ =	shalt  }
0x4e: {  	_ =	shalt  }
0x4f: {  	_ =	shalt  }
0x50: {  	_ =	shalt  }
0x51: {  	_ =	shalt  }
0x52: {  	_ =	shalt  }
0x53: {  	_ =	shalt  }
0x54: {  	_ =	shalt  }
0x55: {  	_ =	shalt  }
0x56: {  	_ =	shalt  }
0x57: {  	_ =	shalt  }
0x58: {  	_ =	shalt  }
0x59: {  	_ =	shalt  }
0x5a: {  	_ =	shalt  }
0x5b: {  	_ =	shalt  }
0x5c: {  	_ =	shalt  }
0x5d: {  	_ =	shalt  }
0x5e: {  	_ =	shalt  }
0x5f: {  	_ =	shalt  }
0x60: {  	_ =	shalt  }
0x61: {  	_ =	shalt  }
0x62: {  	_ =	shalt  }
0x63: {  	_ =	shalt  }
0x64: {  	_ =	shalt  }
0x65: {  	_ =	shalt  }
0x66: {  	_ =	shalt  }
0x67: {  	_ =	shalt  }
0x68: {  	_ =	shalt  }
0x69: {  	_ =	shalt  }
0x6a: {  	_ =	shalt  }
0x6b: {  	_ =	shalt  }
0x6c: {  	_ =	shalt  }
0x6d: {  	_ =	shalt  }
0x6e: {  	_ =	shalt  }
0x6f: {  	_ =	shalt  }
0x70: {  	_ =	shalt  }
0x71: {  	_ =	shalt  }
0x72: {  	_ =	shalt  }
0x73: {  	_ =	shalt  }
0x74: {  	_ =	shalt  }
0x75: {  	_ =	shalt  }
0x76: {  	_ =	shalt  }
0x77: {  	_ =	shalt  }
0x78: {  	_ =	shalt  }
0x79: {  	_ =	shalt  }
0x7a: {  	_ =	shalt  }
0x7b: {  	_ =	shalt  }
0x7c: {  	_ =	shalt  }
0x7d: {  	_ =	shalt  }
0x7e: {  	_ =	shalt  }
0x7f: {  	_ =	shalt  }
0x80: {  	_ =	shalt  }
0x81: {  	_ =	shalt  }
0x82: {  	_ =	shalt  }
0x83: {  	_ =	shalt  }
0x84: {  	_ =	shalt  }
0x85: {  	_ =	shalt  }
0x86: {  	_ =	shalt  }
0x87: {  	_ =	shalt  }
.Lfunc_end0:
.L_simem_size_0:
called_computation_lowered:
.L_overlay_start_0:
0x88: {  	s2 =	sld [smem:$0x3FD9]  }
0x89: {  	s3 =	sld [smem:$0x3FFE];
	_ =	sdelay $0x1  }
0x8a: {  	s1 =	srdreg.scid  }
0x8b: {  	s0 =	sand.u32 $0x1, s1  }
0x8c: {  	s17 =	sshll.u32 s0, $0xA;
	s2 =	sadd.s32 s3, s2  }
0x8d: {  	s2 =	sadd.s32 s2, s17  }
0x8e: {  	[smem:$0x3FC6] =	sst s2  }
0x8f: {  	_ = 	snop  }
0x90: {  	s2 =	sld [smem:$0x3FC9];
	(tm) =	ssettm $0x1  }
0x91: {  	s18 =	sld [smem:$0x3FFB];
	_ =	sdelay $0x3  }
0x92: {  	_ =	strace s18  }
0x93: {  	s3 =	sld [smem:$0x3FFC];
	_ =	sdelay $0x3  }
0x94: {  	_ =	strace s3  }
0x95: {  	s3 =	sld [smem:$0x3FFD];
	_ =	sdelay $0x3  }
0x96: {  	_ =	strace s3  }
0x97: {  	_ =	strace $0x8FFFFFFF  }
0x98: {  	s19 =	sld [smem:$0x3FDB];
	_ =	sdelay $0x1  }
0x99: {  	s4 =	simm.s32 $_scs_section_size  }
0x9a: {  	s5 =	simm.s32 $_size__tile_overlayer_lowered;
	s6 =	simm.s32 $_tile_overlayer_lowered  }
0x9b: {  	s22 =	simm.s32 $0x1BFF;
	s21 =	sshll.u32 s6, $0x1;
	s3 =	sadd.s32 s4, s19  }
0x9c: {  	s7 =	simm.s32 $0x0;
	s20 =	sshll.u32 s5, $0x1;
	s5 =	sadd.s32 s21, s3  }
0x9d: {  	[timem:s7], [sflag:s22] =	dma.local [hbm:s5], s20  }
0x9e: {  	_ =	swait.ge [sflag:s22], s20  }
0x9f: {  	s4 =	ssub.s32 $0x0, s20;
	[sflag:s22] =	ssyncset.done $0x0  }
0xa0: {  	[sflag:s22] =	ssyncadd.s32 s4;
	_ =	sdelay $0x1  }
0xa1: {  	s23 =	simm.s32 $0x1B8B  }
0xa2: {  	_ =	swait.ge [sflag:s23], $0x1  }
0xa3: {  	[sflag:s23] =	ssyncset.done $0x0  }
0xa4: {  	s25 =	simm.s32 $0x1B8E;
	s24 =	sld [smem:$0x3FFE];
	[sflag:s23] =	ssyncadd.s32 $0xFFFFFFFF  }
0xa5: {  	s26 =	simm.s32 $execute0_lowered;
	[smem:$0x3FD2] =	sst s25  }
0xa6: {  	s5 =	sshll.u32 s26, $0x1;
	_ =	strace $0x80000046;
	[dreg:$0x1] =	wrdreg $0xFFFFFFFF  }
0xa7: {  	s28 =	simm.s32 $_size_execute0_lowered;
	s3 =	sadd.s32 s3, s5;
	[dreg:$0x0] =	wrdreg $0x0  }
0xa8: {  	s5 =	sshll.u32 s28, $0x1;
	[dreg:$0x2] =	wrdreg s3  }
0xa9: {  	[dreg:$0x3] =	wrdreg s5  }
0xaa: {  	[dreg:$0x4] =	wrdreg $0xC0  }
0xab: {  	_ =	task [dreg:s7], $0x5FFFF  }
0xac: {  	[dreg:$0x1] =	wrdreg $0xFFFFFFFF  }
0xad: {  	[dreg:$0x0] =	wrdreg $0x60  }
0xae: {  	[dreg:$0x2] =	wrdreg s2  }
0xaf: {  	[dreg:$0x3] =	wrdreg s24  }
0xb0: {  	[dreg:$0x4] =	wrdreg $0x9  }
0xb1: {  	_ =	task.clear_ibuf [dreg:s7], $0x5FFFF;
	_ =	strace $0x90000046  }
0xb2: {  	s29 =	simm.s32 $0x9;
	_ =	strace $0x80000048  }
0xb3: {  	_ =	swait.ge [sflag:s29], $0x1  }
0xb4: {  	[sflag:s29] =	ssyncadd.s32 $0xFFFFFFFF  }
0xb5: {  	_ =	strace $0x90000048  }
0xb6: {  	_ =	sfence  }
0xb7: {  	s30 =	sld [smem:$0x0];
	_ =	sdelay $0x2  }
0xb8: {  	s31 =	sshll.u32 s1, $0xD;
	s1 =	sshrl.u32 s1, $0x2  }
0xb9: {  	s3 =	sand.u32 $0x4000, s31;
	s1 =	sadd.s32 s1, s30  }
0xba: {  	s0 =	sor.u32 s3, s0;
	s1 =	sshll.u32 s1, $0x11  }
0xbb: {  	s0 =	sor.u32 s1, s0  }
0xbc: {  	s0 =	sadd.s32 $0x8F2B, s0  }
0xbd: {  	[sflag:s0] =	ssyncadd.remote.s32 $0x1  }
0xbe: {  	_ =	sfence.sel $0xFFFF  }
0xbf: {  	[dreg:$0x0] =	wrdreg $0xFFFFFFFF;
	(pc) =	sbr.abs _section_cstart, $3  }
0xc0: {  	[dreg:$0x1] =	wrdreg $0xFFFFFFFF  }
0xc1: {  	_ =	task.clear_ibuf [dreg:s7], $0x2FFFF;
	_ =	strace $0x9FFFFFFF  }
0xc2: {  	(tm) =	ssettm $0x7FFFFFFF  }
0xc3: {  	_ =	shalt  }
tec
execute0_lowered:
.L_overlay_start_1:
0x0: {  	(tag) =	ssettag $0x1  }
0x1: {  	s2 =	rddreg [dreg:$0x0]  }
0x2: {  	s4 =	rddreg [dreg:$0x1];
	s13 =	simm.s32 $0x0  }
0x3: {  	[smem:$0x7FF] =	sst s13;
	s1 =	sadd.s32 $0x600, s4  }
0x4: {  	s6 =	sadd.s32 $0x610, s4;
	_ =	strace $0x80000047;
	[dreg:$0x3] =	wrdreg s1  }
0x5: {  	s21 =	sadd.s32 $0x620, s4;
	[dreg:$0x8] =	wrdreg s6  }
0x6: {  	s22 =	sadd.s32 $0x630, s4;
	[dreg:$0xc] =	wrdreg s21  }
0x7: {  	s24 =	sadd.s32 $0x640, s4;
	[dreg:$0x10] =	wrdreg s22  }
0x8: {  	s9 =	sadd.s32 $0x650, s4;
	[dreg:$0x14] =	wrdreg s24  }
0x9: {  	s25 =	sadd.s32 $0x660, s4;
	[dreg:$0x18] =	wrdreg s9  }
0xa: {  	s26 =	sadd.s32 $0x670, s4;
	[dreg:$0x1c] =	wrdreg s25  }
0xb: {  	s29 =	sadd.s32 $0x680, s4;
	[smem:$0x7E6] =	sst s26  }
0xc: {  	s30 =	sadd.s32 $0x700, s4;
	[dreg:$0x5] =	wrdreg s29  }
0xd: {  	s31 =	sadd.s32 $0x780, s4;
	[dreg:$0x6] =	wrdreg s30  }
0xe: {  	s3 =	sadd.s32 $0x710, s4;
	[dreg:$0x7] =	wrdreg s31  }
0xf: {  	s10 =	sadd.s32 $0x720, s4;
	[dreg:$0xa] =	wrdreg s3  }
0x10: {  	s11 =	sadd.s32 $0x7A0, s4;
	[dreg:$0xe] =	wrdreg s10  }
0x11: {  	s12 =	sadd.s32 $0x6B0, s4;
	[dreg:$0xf] =	wrdreg s11  }
0x12: {  	s14 =	sadd.s32 $0x730, s4;
	[dreg:$0x11] =	wrdreg s12  }
0x13: {  	s15 =	sadd.s32 $0x7B0, s4;
	[dreg:$0x12] =	wrdreg s14  }
0x14: {  	s16 =	sadd.s32 $0x6C0, s4;
	[dreg:$0x13] =	wrdreg s15  }
0x15: {  	s17 =	sadd.s32 $0x740, s4;
	[dreg:$0x15] =	wrdreg s16  }
0x16: {  	s18 =	sadd.s32 $0x7C0, s4;
	[dreg:$0x16] =	wrdreg s17  }
0x17: {  	s19 =	sadd.s32 $0x6D0, s4;
	[dreg:$0x17] =	wrdreg s18  }
0x18: {  	s20 =	sadd.s32 $0x750, s4;
	[dreg:$0x19] =	wrdreg s19  }
0x19: {  	s1 =	sadd.s32 $0x690, s4;
	[dreg:$0x1a] =	wrdreg s20  }
0x1a: {  	s9 =	sadd.s32 $0x6A0, s4;
	[dreg:$0x9] =	wrdreg s1  }
0x1b: {  	s21 =	sadd.s32 $0x7D0, s4;
	[dreg:$0xd] =	wrdreg s9  }
0x1c: {  	s22 =	sadd.s32 $0x6E0, s4;
	[dreg:$0x1b] =	wrdreg s21  }
0x1d: {  	s24 =	sadd.s32 $0x7E0, s4;
	[dreg:$0x1d] =	wrdreg s22  }
0x1e: {  	s25 =	sadd.s32 $0x6F0, s4;
	[dreg:$0x1f] =	wrdreg s24  }
0x1f: {  	s26 =	sadd.s32 $0x770, s4;
	[smem:$0x7E8] =	sst s25  }
0x20: {  	s29 =	simm.s32 $0x800;
	[smem:$0x7EA] =	sst s26  }
0x21: {  	s30 =	simm.s32 $0xC00;
	[smem:$0x7CA] =	sst s29  }
0x22: {  	s31 =	simm.s32 $0x80;
	[smem:$0x7CC] =	sst s30  }
0x23: {  	s3 =	simm.s32 $0x880;
	[smem:$0x7CD] =	sst s31  }
0x24: {  	s6 =	simm.s32 $0xC80;
	[smem:$0x7CF] =	sst s3  }
0x25: {  	s10 =	simm.s32 $0x900;
	[smem:$0x7D0] =	sst s6  }
0x26: {  	s11 =	simm.s32 $0xD00;
	[smem:$0x7D3] =	sst s10  }
0x27: {  	s12 =	simm.s32 $0x180;
	[smem:$0x7D4] =	sst s11  }
0x28: {  	s14 =	simm.s32 $0x580;
	[smem:$0x7D5] =	sst s12  }
0x29: {  	s15 =	simm.s32 $0x980;
	[smem:$0x7D6] =	sst s14  }
0x2a: {  	s5 =	srdreg.scid;
	s16 =	simm.s32 $0xD80;
	[smem:$0x7D7] =	sst s15  }
0x2b: {  	s0 =	stileid.u32;
	s17 =	simm.s32 $0x200;
	[smem:$0x7D8] =	sst s16  }
0x2c: {  	s7 =	sand.u32 $0x1, s5;
	s18 =	simm.s32 $0x600;
	[smem:$0x7D9] =	sst s17  }
0x2d: {  	s23 =	sshll.u32 s0, $0x5;
	s19 =	simm.s32 $0xA00;
	[smem:$0x7DA] =	sst s18  }
0x2e: {  	s8 =	sshll.u32 s7, $0x4;
	s20 =	simm.s32 $0xE00;
	[smem:$0x7DB] =	sst s19  }
0x2f: {  	s5 =	sor.u32 s8, s23;
	s23 =	sadd.s32 $0x760, s4;
	[smem:$0x7DC] =	sst s20  }
0x30: {  	s1 =	simm.s32 $0x480;
	[dreg:$0x1e] =	wrdreg s23  }
0x31: {  	s9 =	simm.s32 $0x500;
	[smem:$0x7CE] =	sst s1  }
0x32: {  	s21 =	simm.s32 $0x280;
	[smem:$0x7D2] =	sst s9  }
0x33: {  	s22 =	simm.s32 $0x680;
	[smem:$0x7DD] =	sst s21  }
0x34: {  	s24 =	simm.s32 $0xE80;
	[smem:$0x7DE] =	sst s22  }
0x35: {  	s25 =	simm.s32 $0x300;
	[smem:$0x7E0] =	sst s24  }
0x36: {  	s26 =	simm.s32 $0x700;
	[smem:$0x7E1] =	sst s25  }
0x37: {  	s29 =	simm.s32 $0xF00;
	[smem:$0x7E2] =	sst s26  }
0x38: {  	s30 =	simm.s32 $0x380;
	[smem:$0x7E4] =	sst s29  }
0x39: {  	s31 =	simm.s32 $0x780;
	[smem:$0x7E5] =	sst s30  }
0x3a: {  	s3 =	simm.s32 $0xF80;
	[smem:$0x7E7] =	sst s31  }
0x3b: {  	s6 =	simm.s32 $0x1080;
	[smem:$0x7EB] =	sst s3  }
0x3c: {  	s10 =	simm.s32 $0x1200;
	[smem:$0x7EE] =	sst s6  }
0x3d: {  	s11 =	simm.s32 $0x1280;
	[smem:$0x7F1] =	sst s10  }
0x3e: {  	s12 =	simm.s32 $0x1300;
	[smem:$0x7F2] =	sst s11  }
0x3f: {  	s14 =	simm.s32 $0x1380;
	[smem:$0x7F3] =	sst s12  }
0x40: {  	s15 =	simm.s32 $0x1400;
	[smem:$0x7F4] =	sst s14  }
0x41: {  	s16 =	simm.s32 $0x1480;
	[smem:$0x7F5] =	sst s15  }
0x42: {  	s17 =	simm.s32 $0x1500;
	[smem:$0x7F6] =	sst s16  }
0x43: {  	s18 =	simm.s32 $0x1580;
	[smem:$0x7F7] =	sst s17  }
0x44: {  	s19 =	simm.s32 $0x1600;
	[smem:$0x7F8] =	sst s18  }
0x45: {  	s20 =	simm.s32 $0x1680;
	[smem:$0x7F9] =	sst s19  }
0x46: {  	[smem:$0x7FA] =	sst s20  }
0x47: {  	s22 =	sld [smem:$0x7CA]  }
0x48: {  	s25 =	rddreg [dreg:$0x5]  }
0x49: {  	s26 =	rddreg [dreg:$0x6]  }
0x4a: {  	s29 =	rddreg [dreg:$0x7]  }
0x4b: {  	s30 =	sld [smem:$0x7CD]  }
0x4c: {  	s31 =	rddreg [dreg:$0x8]  }
0x4d: {  	s3 =	rddreg [dreg:$0x9]  }
0x4e: {  	s10 =	sld [smem:$0x7CF]  }
0x4f: {  	s11 =	rddreg [dreg:$0xa]  }
0x50: {  	s12 =	sld [smem:$0x7D0]  }
0x51: {  	s16 =	rddreg [dreg:$0xc]  }
0x52: {  	s18 =	rddreg [dreg:$0xd]  }
0x53: {  	s19 =	sld [smem:$0x7D3]  }
0x54: {  	s23 =	simm.s32 $0xA80;
	s20 =	rddreg [dreg:$0xe]  }
0x55: {  	s1 =	simm.s32 $0xB80;
	[smem:$0x7DF] =	sst s23  }
0x56: {  	s9 =	simm.s32 $0x1180;
	[smem:$0x7E9] =	sst s1  }
0x57: {  	s21 =	simm.s32 $0x1700;
	[smem:$0x7F0] =	sst s9  }
0x58: {  	[smem:$0x7FB] =	sst s21  }
0x59: {  	s23 =	rddreg [dreg:$0x3]  }
0x5a: {  	s1 =	sld [smem:$0x7CE]  }
0x5b: {  	s8 =	sadd.s32 s5, s4;
	s17 =	sld [smem:$0x7D2]  }
0x5c: {  	s28 =	sadd.s32 $0x800, s8;
	s21 =	sld [smem:$0x7D4]  }
0x5d: {  	s8 =	sadd.s32 $0x790, s4;
	[dreg:$0x4] =	wrdreg s28  }
0x5e: {  	s4 =	sadd.s32 $0x7F0, s4;
	[dreg:$0xb] =	wrdreg s8  }
0x5f: {  	[smem:$0x7EC] =	sst s4  }
0x60: {  	[tilespmem:s13], [sflag:$0x1] =	stream.linear.gather [hbm4b:s23+s13], $0x80, $0x38;
	[tilespmem:$0x1880] =	vst v63  }
0x61: {  	s28 =	simm.s32 $0x400;
	s23 =	sld [smem:$0x7D5]  }
0x62: {  	s8 =	simm.s32 $0x100;
	[smem:$0x7CB] =	sst s28  }
0x63: {  	[smem:$0x7D1] =	sst s8  }
0x64: {  	s28 =	simm.s32 $0xB00;
	s14 =	rddreg [dreg:$0xb]  }
0x65: {  	s8 =	simm.s32 $0x1100;
	[smem:$0x7E3] =	sst s28  }
0x66: {  	[smem:$0x7EF] =	sst s8  }
0x67: {  	s24 =	sld [smem:$0x7CB]  }
0x68: {  	s28 =	sld [smem:$0x7CC]  }
0x69: {  	s15 =	sld [smem:$0x7D1]  }
0x6a: {  	[tilespmem:s24], [sflag:$0x1] =	stream.linear.gather [hbm4b:s25+s13], $0x80, $0x38;
	[tilespmem:$0x1880] =	vst v63  }
0x6b: {  	s24 =	rddreg [dreg:$0x10]  }
0x6c: {  	s25 =	sld [smem:$0x7D6]  }
0x6d: {  	[tilespmem:s22], [sflag:$0x1] =	stream.linear.gather [hbm4b:s26+s13], $0x80, $0x38;
	[tilespmem:$0x1880] =	vst v63  }
0x6e: {  	s22 =	rddreg [dreg:$0xf]  }
0x6f: {  	s26 =	rddreg [dreg:$0x11]  }
0x70: {  	[tilespmem:s28], [sflag:$0x1] =	stream.linear.gather [hbm4b:s29+s13], $0x80, $0x38;
	[tilespmem:$0x1880] =	vst v63  }
0x71: {  	s28 =	sld [smem:$0x7D7]  }
0x72: {  	s29 =	rddreg [dreg:$0x12]  }
0x73: {  	[tilespmem:s30], [sflag:$0x1] =	stream.linear.gather [hbm4b:s31+s13], $0x80, $0x38;
	[tilespmem:$0x1880] =	vst v63  }
0x74: {  	s30 =	sld [smem:$0x7D8]  }
0x75: {  	s31 =	rddreg [dreg:$0x13]  }
0x76: {  	[tilespmem:s1], [sflag:$0x1] =	stream.linear.gather [hbm4b:s3+s13], $0x80, $0x38;
	[tilespmem:$0x1880] =	vst v63  }
0x77: {  	s1 =	sld [smem:$0x7D9]  }
0x78: {  	s3 =	rddreg [dreg:$0x14]  }
0x79: {  	[tilespmem:s10], [sflag:$0x1] =	stream.linear.gather [hbm4b:s11+s13], $0x80, $0x38;
	[tilespmem:$0x1880] =	vst v63  }
0x7a: {  	s10 =	sld [smem:$0x7DA]  }
0x7b: {  	s11 =	rddreg [dreg:$0x15]  }
0x7c: {  	[tilespmem:s12], [sflag:$0x1] =	stream.linear.gather [hbm4b:s14+s13], $0x80, $0x38;
	[tilespmem:$0x1880] =	vst v63  }
0x7d: {  	s12 =	sld [smem:$0x7DB]  }
0x7e: {  	s14 =	rddreg [dreg:$0x16]  }
0x7f: {  	[tilespmem:s15], [sflag:$0x1] =	stream.linear.gather [hbm4b:s16+s13], $0x80, $0x38;
	[tilespmem:$0x1880] =	vst v63  }
0x80: {  	s15 =	sld [smem:$0x7DC]  }
0x81: {  	s16 =	rddreg [dreg:$0x17]  }
0x82: {  	[tilespmem:s17], [sflag:$0x1] =	stream.linear.gather [hbm4b:s18+s13], $0x80, $0x38;
	[tilespmem:$0x1880] =	vst v63  }
0x83: {  	s17 =	sld [smem:$0x7DD]  }
0x84: {  	s18 =	rddreg [dreg:$0x18]  }
0x85: {  	[tilespmem:s19], [sflag:$0x1] =	stream.linear.gather [hbm4b:s20+s13], $0x80, $0x38;
	[tilespmem:$0x1880] =	vst v63  }
0x86: {  	s19 =	sld [smem:$0x7DE]  }
0x87: {  	s20 =	rddreg [dreg:$0x19]  }
0x88: {  	[tilespmem:s21], [sflag:$0x1] =	stream.linear.gather [hbm4b:s22+s13], $0x80, $0x38;
	[tilespmem:$0x1880] =	vst v63  }
0x89: {  	s21 =	sld [smem:$0x7DF]  }
0x8a: {  	s22 =	rddreg [dreg:$0x1a]  }
0x8b: {  	[tilespmem:s23], [sflag:$0x1] =	stream.linear.gather [hbm4b:s24+s13], $0x80, $0x38;
	[tilespmem:$0x1880] =	vst v63  }
0x8c: {  	s23 =	sld [smem:$0x7E0]  }
0x8d: {  	s24 =	rddreg [dreg:$0x1b]  }
0x8e: {  	[tilespmem:s25], [sflag:$0x1] =	stream.linear.gather [hbm4b:s26+s13], $0x80, $0x38;
	[tilespmem:$0x1880] =	vst v63  }
0x8f: {  	s25 =	sld [smem:$0x7E1]  }
0x90: {  	[tilespmem:s28], [sflag:$0x1] =	stream.linear.gather [hbm4b:s29+s13], $0x80, $0x38;
	[tilespmem:$0x1880] =	vst v63  }
0x91: {  	s26 =	rddreg [dreg:$0x1c]  }
0x92: {  	[tilespmem:s30], [sflag:$0x1] =	stream.linear.gather [hbm4b:s31+s13], $0x80, $0x38;
	[tilespmem:$0x1880] =	vst v63  }
0x93: {  	s28 =	sld [smem:$0x7E2]  }
0x94: {  	[tilespmem:s1], [sflag:$0x1] =	stream.linear.gather [hbm4b:s3+s13], $0x80, $0x38;
	[tilespmem:$0x1880] =	vst v63  }
0x95: {  	s29 =	rddreg [dreg:$0x1d]  }
0x96: {  	[tilespmem:s10], [sflag:$0x1] =	stream.linear.gather [hbm4b:s11+s13], $0x80, $0x38;
	[tilespmem:$0x1880] =	vst v63  }
0x97: {  	s30 =	sld [smem:$0x7E3]  }
0x98: {  	[tilespmem:s12], [sflag:$0x1] =	stream.linear.gather [hbm4b:s14+s13], $0x80, $0x38;
	[tilespmem:$0x1880] =	vst v63  }
0x99: {  	s31 =	rddreg [dreg:$0x1e]  }
0x9a: {  	[tilespmem:s15], [sflag:$0x1] =	stream.linear.gather [hbm4b:s16+s13], $0x80, $0x38;
	[tilespmem:$0x1880] =	vst v63  }
0x9b: {  	s1 =	sld [smem:$0x7E4]  }
0x9c: {  	[tilespmem:s17], [sflag:$0x1] =	stream.linear.gather [hbm4b:s18+s13], $0x80, $0x38;
	[tilespmem:$0x1880] =	vst v63  }
0x9d: {  	s3 =	rddreg [dreg:$0x1f]  }
0x9e: {  	[tilespmem:s19], [sflag:$0x1] =	stream.linear.gather [hbm4b:s20+s13], $0x80, $0x38;
	[tilespmem:$0x1880] =	vst v63  }
0x9f: {  	s10 =	sld [smem:$0x7E5]  }
0xa0: {  	[tilespmem:s21], [sflag:$0x1] =	stream.linear.gather [hbm4b:s22+s13], $0x80, $0x38;
	[tilespmem:$0x1880] =	vst v63  }
0xa1: {  	s11 =	sld [smem:$0x7E6]  }
0xa2: {  	[tilespmem:s23], [sflag:$0x1] =	stream.linear.gather [hbm4b:s24+s13], $0x80, $0x38;
	[tilespmem:$0x1880] =	vst v63  }
0xa3: {  	s12 =	sld [smem:$0x7E7]  }
0xa4: {  	[tilespmem:s25], [sflag:$0x1] =	stream.linear.gather [hbm4b:s26+s13], $0x80, $0x38;
	[tilespmem:$0x1880] =	vst v63  }
0xa5: {  	s14 =	sld [smem:$0x7E8]  }
0xa6: {  	[tilespmem:s28], [sflag:$0x1] =	stream.linear.gather [hbm4b:s29+s13], $0x80, $0x38;
	[tilespmem:$0x1880] =	vst v63  }
0xa7: {  	s15 =	sld [smem:$0x7E9]  }
0xa8: {  	[tilespmem:s30], [sflag:$0x1] =	stream.linear.gather [hbm4b:s31+s13], $0x80, $0x38;
	[tilespmem:$0x1880] =	vst v63  }
0xa9: {  	s16 =	sld [smem:$0x7EA]  }
0xaa: {  	[tilespmem:s1], [sflag:$0x1] =	stream.linear.gather [hbm4b:s3+s13], $0x80, $0x38;
	[tilespmem:$0x1880] =	vst v63  }
0xab: {  	s17 =	sld [smem:$0x7EB];
	s18 =	simm.s32 $0x1780  }
0xac: {  	[tilespmem:s10], [sflag:$0x1] =	stream.linear.gather [hbm4b:s11+s13], $0x80, $0x38;
	[tilespmem:$0x1880] =	vst v63  }
0xad: {  	[smem:$0x7FC] =	sst s18  }
0xae: {  	[tilespmem:s12], [sflag:$0x1] =	stream.linear.gather [hbm4b:s14+s13], $0x80, $0x38;
	[tilespmem:$0x1880] =	vst v63  }
0xaf: {  	s19 =	sld [smem:$0x7EC];
	s20 =	simm.s32 $0x1800  }
0xb0: {  	[tilespmem:s15], [sflag:$0x1] =	stream.linear.gather [hbm4b:s16+s13], $0x80, $0x38;
	[tilespmem:$0x1880] =	vst v63  }
0xb1: {  	s4 =	simm.s32 $0x1;
	[smem:$0x7ED] =	sst s20  }
0xb2: {  	[tilespmem:s17], [sflag:$0x1] =	stream.linear.gather [hbm4b:s19+s13], $0x80, $0x38;
	[tilespmem:$0x1880] =	vst v63  }
0xb3: {  	_ =	swait.ge [sflag:s4], $0x200  }
0xb4: {  	[sflag:s4] =	ssyncset.done $0x0  }
0xb5: {  	[sflag:s4] =	ssyncadd.s32 $0xFFFFFE00  }
0xb6: {  	_ =	swait.ge [sflag:s4], $0x200  }
0xb7: {  	[sflag:s4] =	ssyncset.done $0x0  }
0xb8: {  	[sflag:s4] =	ssyncadd.s32 $0xFFFFFE00  }
0xb9: {  	_ =	swait.ge [sflag:s4], $0x200  }
0xba: {  	[sflag:s4] =	ssyncset.done $0x0  }
0xbb: {  	[sflag:s4] =	ssyncadd.s32 $0xFFFFFE00  }
0xbc: {  	_ =	swait.ge [sflag:s4], $0x200  }
0xbd: {  	[sflag:s4] =	ssyncset.done $0x0  }
0xbe: {  	[sflag:s4] =	ssyncadd.s32 $0xFFFFFE00  }
0xbf: {  	_ =	swait.ge [sflag:s4], $0x200  }
0xc0: {  	[sflag:s4] =	ssyncset.done $0x0  }
0xc1: {  	[sflag:s4] =	ssyncadd.s32 $0xFFFFFE00  }
0xc2: {  	_ =	swait.ge [sflag:s4], $0x200  }
0xc3: {  	[sflag:s4] =	ssyncset.done $0x0  }
0xc4: {  	[sflag:s4] =	ssyncadd.s32 $0xFFFFFE00  }
0xc5: {  	_ =	swait.ge [sflag:s4], $0x200  }
0xc6: {  	[sflag:s4] =	ssyncset.done $0x0  }
0xc7: {  	[sflag:s4] =	ssyncadd.s32 $0xFFFFFE00  }
0xc8: {  	s21 =	sshll.u32 s0, $0x8;
	_ =	swait.ge [sflag:s4], $0x200  }
0xc9: {  	s5 =	sor.u32 s5, s21;
	[sflag:s4] =	ssyncset.done $0x0  }
0xca: {  	s0 =	sand.u32 $0xC70, s5;
	[sflag:s4] =	ssyncadd.s32 $0xFFFFFE00  }
0xcb: {  	v0 =	vld [tilespmem:s0+$0x280];
	_ =	sdelay $0x4  }
0xcc: {  	v0 =	vtrunc.f32 v0  }
0xcd: {  	v0 =	vcvt.f32.s32 v0  }
0xce: {  	vm0 =	vmmov $0x1  }
0xcf: {  	v1 =	vnsel vm0, $0x0, v0  }
0xd0: {  	(xrf0) =	vadd.scan.msk.s32 $0xffff, v1;
	_ =	sdelay $0x1  }
0xd1: {  	vm1 =	vcmask $0x308  }
0xd2: {  	v1 =	vsel vm1, $0x0, v0  }
0xd3: {  	(xrf0) =	vadd.scan.msk.s32 $0xffff, v1;
	_ =	sdelay $0x1  }
0xd4: {  	vm1 =	vcmask $0x70C;
	v1, _, _ =	vpop (xrf0)  }
0xd5: {  	(v2sf) =	vpush v1, $0xF;
	v1 =	vsel vm1, $0x0, v0;
	_ =	sdelay $0x2  }
0xd6: {  	(xrf0) =	vadd.scan.msk.s32 $0xffff, v1;
	v1, _, _ =	vpop (xrf0)  }
0xd7: {  	(v2sf) =	vpush v1, $0xF  }
0xd8: {  	vm1 =	vcmask $0xB10  }
0xd9: {  	v1 =	vsel vm1, $0x0, v0;
	_ =	sdelay $0x1  }
0xda: {  	(xrf0) =	vadd.scan.msk.s32 $0xffff, v1  }
0xdb: {  	v1, _, _ =	vpop (xrf0)  }
0xdc: {  	vm1 =	vcmask $0xF14;
	(v2sf) =	vpush v1, $0xF  }
0xdd: {  	v1 =	vsel vm1, $0x0, v0;
	_ =	sdelay $0x1  }
0xde: {  	(xrf0) =	vadd.scan.msk.s32 $0xffff, v1  }
0xdf: {  	v1, _, _ =	vpop (xrf0)  }
0xe0: {  	vm1 =	vcmask $0x1318;
	(v2sf) =	vpush v1, $0xF  }
0xe1: {  	v1 =	vsel vm1, $0x0, v0;
	s22 =	spop (v2sf)  }
0xe2: {  	s6 =	sshll.u32 s22, $0x4  }
0xe3: {  	(xrf0) =	vadd.scan.msk.s32 $0xffff, v1;
	s23 =	sand.u32 $0x1FFFFFF0, s6  }
0xe4: {  	s1 =	simm.s32 $0x1000;
	v1, _, _ =	vpop (xrf0);
	s8 =	sadd.s32 s2, s23;
	s24 =	spop (v2sf)  }
0xe5: {  	v2 =	vld [tilespmem:s0+$0x300];
	vm1 =	vcmask $0x171C;
	(v2sf) =	vpush v1, $0xF;
	[tilespmem:s1], [sflag:$0x1] =	stream.linear.gather [hbm4b:s8+s13], $0x80, $0x38  }
0xe6: {  	s25 =	sld [smem:$0x7EE];
	v1 =	vsel vm1, $0x0, v0;
	s9 =	sshll.u32 s24, $0x4  }
0xe7: {  	s9 =	sand.u32 $0x1FFFFFF0, s9  }
0xe8: {  	(xrf0) =	vadd.scan.msk.s32 $0xffff, v1;
	s9 =	sadd.s32 s2, s9  }
0xe9: {  	v1, _, _ =	vpop (xrf0);
	[tilespmem:s25], [sflag:$0x1] =	stream.linear.gather [hbm4b:s9+s13], $0x80, $0x38;
	[tilespmem:$0x1880] =	vst v63  }
0xea: {  	vm1 =	vcmask $0x1B20;
	(v2sf) =	vpush v1, $0xF;
	s26 =	spop (v2sf)  }
0xeb: {  	s28 =	sld [smem:$0x7EF];
	v1 =	vsel vm1, $0x0, v0;
	s8 =	sshll.u32 s26, $0x4  }
0xec: {  	s8 =	sand.u32 $0x1FFFFFF0, s8  }
0xed: {  	(xrf0) =	vadd.scan.msk.s32 $0xffff, v1;
	s8 =	sadd.s32 s2, s8  }
0xee: {  	v1, _, _ =	vpop (xrf0);
	[tilespmem:s28], [sflag:$0x1] =	stream.linear.gather [hbm4b:s8+s13], $0x80, $0x38;
	[tilespmem:$0x1880] =	vst v63  }
0xef: {  	vm1 =	vcmask $0x1F24;
	(v2sf) =	vpush v1, $0xF;
	s29 =	spop (v2sf)  }
0xf0: {  	s30 =	sld [smem:$0x7F0];
	v1 =	vsel vm1, $0x0, v0;
	s8 =	sshll.u32 s29, $0x4  }
0xf1: {  	s8 =	sand.u32 $0x1FFFFFF0, s8  }
0xf2: {  	(xrf0) =	vadd.scan.msk.s32 $0xffff, v1;
	s8 =	sadd.s32 s2, s8  }
0xf3: {  	v1, _, _ =	vpop (xrf0);
	[tilespmem:s30], [sflag:$0x1] =	stream.linear.gather [hbm4b:s8+s13], $0x80, $0x38;
	[tilespmem:$0x1880] =	vst v63  }
0xf4: {  	vm9 =	vcmask $0x2328;
	(v2sf) =	vpush v1, $0xF;
	s31 =	spop (v2sf)  }
0xf5: {  	s3 =	sld [smem:$0x7F1];
	v1 =	vsel vm9, $0x0, v0;
	s8 =	sshll.u32 s31, $0x4  }
0xf6: {  	s8 =	sand.u32 $0x1FFFFFF0, s8  }
0xf7: {  	(xrf0) =	vadd.scan.msk.s32 $0xffff, v1;
	s8 =	sadd.s32 s2, s8  }
0xf8: {  	v1, _, _ =	vpop (xrf0);
	[tilespmem:s3], [sflag:$0x1] =	stream.linear.gather [hbm4b:s8+s13], $0x80, $0x38;
	[tilespmem:$0x1880] =	vst v63  }
0xf9: {  	vm10 =	vcmask $0x272C;
	(v2sf) =	vpush v1, $0xF;
	s5 =	spop (v2sf)  }
0xfa: {  	s6 =	sld [smem:$0x7F2];
	v1 =	vsel vm10, $0x0, v0;
	s8 =	sshll.u32 s5, $0x4  }
0xfb: {  	s8 =	sand.u32 $0x1FFFFFF0, s8  }
0xfc: {  	(xrf0) =	vadd.scan.msk.s32 $0xffff, v1;
	s8 =	sadd.s32 s2, s8  }
0xfd: {  	v1, _, _ =	vpop (xrf0);
	[tilespmem:s6], [sflag:$0x1] =	stream.linear.gather [hbm4b:s8+s13], $0x80, $0x38;
	[tilespmem:$0x1880] =	vst v63  }
0xfe: {  	vm11 =	vcmask $0x2B30;
	(v2sf) =	vpush v1, $0xF;
	s9 =	spop (v2sf)  }
0xff: {  	s10 =	sld [smem:$0x7F3];
	v1 =	vsel vm11, $0x0, v0;
	s8 =	sshll.u32 s9, $0x4  }
0x100: {  	s8 =	sand.u32 $0x1FFFFFF0, s8  }
0x101: {  	(xrf0) =	vadd.scan.msk.s32 $0xffff, v1;
	s8 =	sadd.s32 s2, s8  }
0x102: {  	v1, _, _ =	vpop (xrf0);
	[tilespmem:s10], [sflag:$0x1] =	stream.linear.gather [hbm4b:s8+s13], $0x80, $0x38;
	[tilespmem:$0x1880] =	vst v63  }
0x103: {  	vm12 =	vcmask $0x2F34;
	(v2sf) =	vpush v1, $0xF;
	s11 =	spop (v2sf)  }
0x104: {  	s12 =	sld [smem:$0x7F4];
	v1 =	vsel vm12, $0x0, v0;
	s8 =	sshll.u32 s11, $0x4  }
0x105: {  	s8 =	sand.u32 $0x1FFFFFF0, s8  }
0x106: {  	(xrf0) =	vadd.scan.msk.s32 $0xffff, v1;
	s8 =	sadd.s32 s2, s8  }
0x107: {  	v1, _, _ =	vpop (xrf0);
	[tilespmem:s12], [sflag:$0x1] =	stream.linear.gather [hbm4b:s8+s13], $0x80, $0x38;
	[tilespmem:$0x1880] =	vst v63  }
0x108: {  	vm13 =	vcmask $0x3338;
	(v2sf) =	vpush v1, $0xF;
	s14 =	spop (v2sf)  }
0x109: {  	s15 =	sld [smem:$0x7F5];
	v1 =	vsel vm13, $0x0, v0;
	s8 =	sshll.u32 s14, $0x4  }
0x10a: {  	s8 =	sand.u32 $0x1FFFFFF0, s8  }
0x10b: {  	(xrf0) =	vadd.scan.msk.s32 $0xffff, v1;
	s8 =	sadd.s32 s2, s8  }
0x10c: {  	v1, _, _ =	vpop (xrf0);
	[tilespmem:s15], [sflag:$0x1] =	stream.linear.gather [hbm4b:s8+s13], $0x80, $0x38;
	[tilespmem:$0x1880] =	vst v63  }
0x10d: {  	vm14 =	vcmask $0x373C;
	(v2sf) =	vpush v1, $0xF;
	s16 =	spop (v2sf)  }
0x10e: {  	s17 =	sld [smem:$0x7F6];
	v1 =	vsel vm14, $0x0, v0;
	s8 =	sshll.u32 s16, $0x4  }
0x10f: {  	s8 =	sand.u32 $0x1FFFFFF0, s8  }
0x110: {  	(xrf0) =	vadd.scan.msk.s32 $0xffff, v1;
	s8 =	sadd.s32 s2, s8  }
0x111: {  	vm15 =	vmmov $0x7fff;
	v1, _, _ =	vpop (xrf0);
	[tilespmem:s17], [sflag:$0x1] =	stream.linear.gather [hbm4b:s8+s13], $0x80, $0x38;
	[tilespmem:$0x1880] =	vst v63  }
0x112: {  	v0 =	vsel vm15, $0x0, v0;
	(v2sf) =	vpush v1, $0xF;
	s18 =	spop (v2sf)  }
0x113: {  	s19 =	sld [smem:$0x7F7];
	(xrf0) =	vadd.scan.msk.s32 $0xffff, v0;
	s8 =	sshll.u32 s18, $0x4  }
0x114: {  	s8 =	sand.u32 $0x1FFFFFF0, s8  }
0x115: {  	s8 =	sadd.s32 s2, s8  }
0x116: {  	v0, _, _ =	vpop (xrf0);
	[tilespmem:s19], [sflag:$0x1] =	stream.linear.gather [hbm4b:s8+s13], $0x80, $0x38;
	[tilespmem:$0x1880] =	vst v63  }
0x117: {  	(v2sf) =	vpush v0, $0xF;
	s20 =	spop (v2sf)  }
0x118: {  	s21 =	sld [smem:$0x7F8];
	s8 =	sshll.u32 s20, $0x4  }
0x119: {  	v0, _, _ =	vpop (xrf0);
	s8 =	sand.u32 $0x1FFFFFF0, s8  }
0x11a: {  	(v2sf) =	vpush v0, $0xF;
	s8 =	sadd.s32 s2, s8  }
0x11b: {  	[tilespmem:s21], [sflag:$0x1] =	stream.linear.gather [hbm4b:s8+s13], $0x80, $0x38;
	[tilespmem:$0x1880] =	vst v63  }
0x11c: {  	s22 =	spop (v2sf)  }
0x11d: {  	s23 =	sld [smem:$0x7F9];
	s8 =	sshll.u32 s22, $0x4  }
0x11e: {  	s8 =	sand.u32 $0x1FFFFFF0, s8  }
0x11f: {  	s8 =	sadd.s32 s2, s8  }
0x120: {  	[tilespmem:s23], [sflag:$0x1] =	stream.linear.gather [hbm4b:s8+s13], $0x80, $0x38;
	[tilespmem:$0x1880] =	vst v63  }
0x121: {  	s24 =	spop (v2sf)  }
0x122: {  	s25 =	sld [smem:$0x7FA];
	s8 =	sshll.u32 s24, $0x4  }
0x123: {  	s8 =	sand.u32 $0x1FFFFFF0, s8  }
0x124: {  	s8 =	sadd.s32 s2, s8  }
0x125: {  	[tilespmem:s25], [sflag:$0x1] =	stream.linear.gather [hbm4b:s8+s13], $0x80, $0x38;
	[tilespmem:$0x1880] =	vst v63  }
0x126: {  	s26 =	spop (v2sf)  }
0x127: {  	s28 =	sld [smem:$0x7FB];
	s8 =	sshll.u32 s26, $0x4  }
0x128: {  	s8 =	sand.u32 $0x1FFFFFF0, s8  }
0x129: {  	s8 =	sadd.s32 s2, s8;
	s29 =	spop (v2sf)  }
0x12a: {  	[tilespmem:s28], [sflag:$0x1] =	stream.linear.gather [hbm4b:s8+s13], $0x80, $0x38;
	[tilespmem:$0x1880] =	vst v63  }
0x12b: {  	s30 =	sld [smem:$0x7FC];
	s8 =	sshll.u32 s29, $0x4  }
0x12c: {  	s8 =	sand.u32 $0x1FFFFFF0, s8  }
0x12d: {  	s8 =	sadd.s32 s2, s8  }
0x12e: {  	[tilespmem:s30], [sflag:$0x1] =	stream.linear.gather [hbm4b:s8+s13], $0x80, $0x38;
	[tilespmem:$0x1880] =	vst v63  }
0x12f: {  	_ =	swait.ge [sflag:s4], $0x80  }
0x130: {  	[sflag:s4] =	ssyncset.done $0x0  }
0x131: {  	[sflag:s4] =	ssyncadd.s32 $0xFFFFFF80  }
0x132: {  	_ =	swait.ge [sflag:s4], $0x80  }
0x133: {  	[sflag:s4] =	ssyncset.done $0x0  }
0x134: {  	[sflag:s4] =	ssyncadd.s32 $0xFFFFFF80  }
0x135: {  	_ =	swait.ge [sflag:s4], $0x80  }
0x136: {  	[sflag:s4] =	ssyncset.done $0x0  }
0x137: {  	[sflag:s4] =	ssyncadd.s32 $0xFFFFFF80  }
0x138: {  	_ =	swait.ge [sflag:s4], $0x80  }
0x139: {  	[sflag:s4] =	ssyncset.done $0x0  }
0x13a: {  	[sflag:s4] =	ssyncadd.s32 $0xFFFFFF80  }
0x13b: {  	_ =	swait.ge [sflag:s4], $0x80  }
0x13c: {  	[sflag:s4] =	ssyncset.done $0x0  }
0x13d: {  	[sflag:s4] =	ssyncadd.s32 $0xFFFFFF80  }
0x13e: {  	_ =	swait.ge [sflag:s4], $0x80  }
0x13f: {  	[sflag:s4] =	ssyncset.done $0x0  }
0x140: {  	[sflag:s4] =	ssyncadd.s32 $0xFFFFFF80  }
0x141: {  	_ =	swait.ge [sflag:s4], $0x80  }
0x142: {  	[sflag:s4] =	ssyncset.done $0x0  }
0x143: {  	[sflag:s4] =	ssyncadd.s32 $0xFFFFFF80  }
0x144: {  	_ =	swait.ge [sflag:s4], $0x80  }
0x145: {  	[sflag:s4] =	ssyncset.done $0x0  }
0x146: {  	[sflag:s4] =	ssyncadd.s32 $0xFFFFFF80  }
0x147: {  	_ =	swait.ge [sflag:s4], $0x80  }
0x148: {  	[sflag:s4] =	ssyncset.done $0x0  }
0x149: {  	[sflag:s4] =	ssyncadd.s32 $0xFFFFFF80  }
0x14a: {  	_ =	swait.ge [sflag:s4], $0x80  }
0x14b: {  	[sflag:s4] =	ssyncset.done $0x0  }
0x14c: {  	[sflag:s4] =	ssyncadd.s32 $0xFFFFFF80  }
0x14d: {  	_ =	swait.ge [sflag:s4], $0x80  }
0x14e: {  	[sflag:s4] =	ssyncset.done $0x0  }
0x14f: {  	[sflag:s4] =	ssyncadd.s32 $0xFFFFFF80  }
0x150: {  	_ =	swait.ge [sflag:s4], $0x80  }
0x151: {  	[sflag:s4] =	ssyncset.done $0x0  }
0x152: {  	[sflag:s4] =	ssyncadd.s32 $0xFFFFFF80  }
0x153: {  	_ =	swait.ge [sflag:s4], $0x80  }
0x154: {  	[sflag:s4] =	ssyncset.done $0x0  }
0x155: {  	[sflag:s4] =	ssyncadd.s32 $0xFFFFFF80  }
0x156: {  	_ =	swait.ge [sflag:s4], $0x80  }
0x157: {  	[sflag:s4] =	ssyncset.done $0x0  }
0x158: {  	v0 =	vlaneseq.u32;
	[sflag:s4] =	ssyncadd.s32 $0xFFFFFF80  }
0x159: {  	v0 =	vmul.u32 $0x80, v0;
	_ =	swait.ge [sflag:s4], $0x80  }
0x15a: {  	[sflag:s4] =	ssyncset.done $0x0  }
0x15b: {  	v1 =	vor.u32 $0x1, v0;
	[sflag:s4] =	ssyncadd.s32 $0xFFFFFF80  }
0x15c: {  	_ =	swait.ge [sflag:s4], $0x80  }
0x15d: {  	[sflag:s4] =	ssyncset.done $0x0  }
0x15e: {  	[sflag:s4] =	ssyncadd.s32 $0xFFFFFF80  }
0x15f: {  	v3 =	vld.idx.msk [tilespmem:v0+s1+$0x0], $0xffff  }
0x160: {  	v4 =	vld.idx.msk [tilespmem:v1+s1+$0x0], $0xffff;
	_ =	sdelay $0x3  }
0x161: {  	v3 =	vsub.f32 $0.0e+00, v3  }
0x162: {  	v4 =	vsub.f32 $0.0e+00, v4  }
0x163: {  	v3 =	vmul.f32 $1.442695020e+00, v3  }
0x164: {  	v4 =	vmul.f32 $1.442695020e+00, v4  }
0x165: {  	(erf) = vpow2.f32 v3  }
0x166: {  	(erf) = vpow2.f32 v4;
	_ =	sdelay $0x7  }
0x167: {  	v3 =	vpop (erf)  }
0x168: {  	v3 =	vadd.f32 $1.000000000e+00, v3;
	v4 =	vpop (erf)  }
0x169: {  	v4 =	vadd.f32 $1.000000000e+00, v4  }
0x16a: {  	(erf) = vrcp.f32 v3  }
0x16b: {  	(erf) = vrcp.f32 v4;
	_ =	sdelay $0x3  }
0x16c: {  	v4 =	vld [tilespmem:s0+$0x0]  }
0x16d: {  	v5 =	vld [tilespmem:s0+$0x80]  }
0x16e: {  	v3 =	vtrunc.f32 v2  }
0x16f: {  	v6 =	vcvt.f32.s32 v3  }
0x170: {  	v2 =	vor.u32 $0x2, v0;
	v3 =	vor.u32 $0x5, v0;
	v7 =	vpop (erf)  }
0x171: {  	v6 =	vadd.s32 v3, v6;
	v7 =	vsub.f32 v7, v4;
	v4 =	vpop (erf)  }
0x172: {  	v9 =	vld [tilespmem:s0+$0x100];
	v8 =	vsub.f32 v4, v5;
	v5 =	vor.u32 $0x3, v0  }
0x173: {  	v11 =	vld [tilespmem:s0+$0x180];
	v4 =	vor.u32 $0x4, v0  }
0x174: {  	v62 =	vld [tilespmem:s0+$0x200];
	v10 =	vmul.f32 $5.000000000e-01, v7;
	v14 =	vand.u32 $0x7FFFFFFF, v7;
	v12 =	vmul.f32 $5.000000000e-01, v8  }
0x175: {  	v13 =	vld.idx.msk [tilespmem:v2+s1+$0x0], $0xffff;
	v15 =	vand.u32 $0x7FFFFFFF, v8;
	v16 =	vadd.f32 $-5.000000000e-01, v14  }
0x176: {  	v6 =	vld.idx.msk [tilespmem:v6+s1+$0x0], $0xffff;
	v7 =	vmul.f32 v10, v7;
	v10 =	vadd.f32 $-5.000000000e-01, v15;
	v8 =	vmul.f32 v12, v8  }
0x177: {  	vm8 =	vmmov vm1;
	vm1 =	vlt.f32 v14, $1.000000000e+00;
	vm2 =	vlt.f32 v15, $1.000000000e+00;
	v63 =	vld.idx.msk [tilespmem:v5+s1+$0x0], $0xffff  }
0x178: {  	v7 =	vsel vm1, v7, v16;
	v8 =	vsel vm2, v8, v10;
	v10 =	vld.idx.msk [tilespmem:v4+s1+$0x0], $0xffff  }
0x179: {  	v7 =	vadd.f32 v8, v7;
	_ =	sdelay $0x1  }
0x17a: {  	v7 =	vmul.f32 v7, v62  }
0x17b: {  	(xrf2) =	vadd.scan.msk.f32 $0xffff, v62;
	v6 =	vmul.f32 v62, v6;
	v8 =	vsub.f32 v13, v9  }
0x17c: {  	v9 =	vmul.f32 v62, v10;
	(xrf2) =	vadd.scan.msk.f32 $0xffff, v7;
	v7 =	vsub.f32 v63, v11  }
0x17d: {  	(xrf2) =	vadd.scan.msk.f32 $0xffff, v6;
	v6 =	vmul.f32 $5.000000000e-01, v8  }
0x17e: {  	(xrf2) =	vadd.scan.msk.f32 $0xffff, v9;
	v9 =	vmul.f32 $5.000000000e-01, v7  }
0x17f: {  	v11 =	vand.u32 $0x7FFFFFFF, v8;
	v10 =	vand.u32 $0x7FFFFFFF, v7;
	v6 =	vmul.f32 v6, v8  }
0x180: {  	s7 =	ssub.s32 $0x2, s7;
	v8 =	vadd.f32 $-5.000000000e-01, v11;
	v7 =	vmul.f32 v9, v7;
	v9 =	vadd.f32 $-5.000000000e-01, v10  }
0x181: {  	s31 =	sshrl.u32 s7, $0x1;
	vm1 =	vlt.f32 v11, $1.000000000e+00;
	vm2 =	vlt.f32 v10, $1.000000000e+00  }
0x182: {  	s7 =	ssub.s32 s7, s31;
	v6 =	vsel vm1, v6, v8;
	v7 =	vsel vm2, v7, v9  }
0x183: {  	s8 =	smax.u32 s7, $0x1;
	v6 =	vadd.f32 v7, v6  }
0x184: {  	p0 =	sne.s32 s8, $0x1  }
.Ltmp0:
0x185: {  	v9 =	vmul.f32 v6, v62;
	(pc) =	sbr.rel @!p0 .LBB2_2-.Ltmp0, $4  }
0x186: {  	v7, _, _ =	vpop (xrf2)  }
0x187: {  	v8, _, _ =	vpop (xrf2)  }
0x188: {  	vm4 =	vcmask $0xB08;
	v6 =	vbroadcast v7, $0xF;
	v7, _, _ =	vpop (xrf2);
	(xrf2) =	vadd.scan.msk.f32 $0xffff, v9  }
0x189: {  	vm3 =	vcmask $0xF0C;
	[smem:$0x7FD] =	sst s0;
	s0 =	sadd.s32 $0xFFFFFFFF, s8;
	vm1 =	vcmask $0x704;
	vm2 =	vcmask $0x1310;
	v9, _, _ =	vpop (xrf2)  }
.LBB2_1:
0x18a: {  	_ =	sdelay $0x7  }
0x18b: {  	v10, _, _ =	vpop (xrf2)  }
0x18c: {  	v8 =	vbroadcast v8, $0xF;
	v10 =	vbroadcast v10, $0xF;
	_ =	sdelay $0x1  }
0x18d: {  	v9 =	vbroadcast v9, $0xF;
	v8 =	vnsel vm0, $0x0, v8;
	v10 =	vnsel vm1, $0x0, v10  }
0x18e: {  	v8 =	vadd.f32 v10, v8  }
0x18f: {  	v7 =	vbroadcast v7, $0xF;
	v9 =	vnsel vm4, $0x0, v9  }
0x190: {  	v8 =	vadd.f32 v8, v9  }
0x191: {  	v7 =	vnsel vm3, $0x0, v7  }
0x192: {  	v7 =	vadd.f32 v8, v7  }
0x193: {  	v6 =	vnsel vm2, $0x0, v6  }
0x194: {  	s9 =	sld [smem:$0x7ED];
	v6 =	vadd.f32 v7, v6  }
0x195: {  	s14 =	sadd.s32 $0xFFFFFFFF, s0;
	s10 =	rddreg [dreg:$0x4]  }
0x196: {  	s15 =	simm.s32 $0x2;
	[smem:$0x7C9] =	sst s14;
	[tilespmem:$0x1800] =	vst v6  }
0x197: {  	[hbm4b:s10+s13] =	stream.linear.scatter [tilespmem:s9], [sflag:$0x2], $0x80, $0x38;
	[tilespmem:$0x1880] =	vst v63  }
0x198: {  	_ =	swait.ge [sflag:s15], $0x80  }
0x199: {  	s1 =	sld [smem:$0x7EB]  }
0x19a: {  	s16 =	sld [smem:$0x7E9]  }
0x19b: {  	s17 =	sld [smem:$0x7E7]  }
0x19c: {  	s18 =	sld [smem:$0x7E5]  }
0x19d: {  	s10 =	sld [smem:$0x7E4]  }
0x19e: {  	s14 =	sld [smem:$0x7E3]  }
0x19f: {  	s9 =	sld [smem:$0x7DE]  }
0x1a0: {  	s20 =	sld [smem:$0x7DD]  }
0x1a1: {  	s21 =	sld [smem:$0x7DC]  }
0x1a2: {  	s22 =	sld [smem:$0x7DB]  }
0x1a3: {  	s23 =	sld [smem:$0x7DA]  }
0x1a4: {  	s24 =	sld [smem:$0x7D9]  }
0x1a5: {  	s25 =	sld [smem:$0x7D8]  }
0x1a6: {  	s26 =	sld [smem:$0x7D7]  }
0x1a7: {  	s28 =	sld [smem:$0x7D6]  }
0x1a8: {  	s29 =	sld [smem:$0x7D5]  }
0x1a9: {  	s30 =	sld [smem:$0x7D4]  }
0x1aa: {  	s31 =	sld [smem:$0x7D3]  }
0x1ab: {  	p0 =	sne.s32 s0, $0x1;
	s0 =	sld [smem:$0x7D2]  }
0x1ac: {  	s7 =	sld [smem:$0x7D0]  }
0x1ad: {  	s6 =	sld [smem:$0x7CF]  }
0x1ae: {  	s3 =	sld [smem:$0x7CE]  }
0x1af: {  	s5 =	sld [smem:$0x7CD]  }
0x1b0: {  	s8 =	sld [smem:$0x7CC]  }
0x1b1: {  	s2 =	sld [smem:$0x7CA]  }
0x1b2: {  	s11 =	rddreg [dreg:$0x3]  }
0x1b3: {  	s12 =	sld [smem:$0x7CB]  }
0x1b4: {  	[sflag:s15] =	ssyncset.done $0x0;
	s19 =	rddreg [dreg:$0x5]  }
0x1b5: {  	[sflag:s15] =	ssyncadd.s32 $0xFFFFFF80;
	s15 =	sld [smem:$0x7E2]  }
0x1b6: {  	[tilespmem:s13], [sflag:$0x1] =	stream.linear.gather [hbm4b:s11+s13], $0x80, $0x38;
	[tilespmem:$0x1880] =	vst v63  }
0x1b7: {  	s11 =	rddreg [dreg:$0x6]  }
0x1b8: {  	[smem:$0x7C8] =	sst s1  }
0x1b9: {  	[smem:$0x7C7] =	sst s16  }
0x1ba: {  	[smem:$0x7C6] =	sst s17  }
0x1bb: {  	[smem:$0x7C5] =	sst s18  }
0x1bc: {  	s16 =	sld [smem:$0x7E1]  }
0x1bd: {  	s17 =	sld [smem:$0x7E0]  }
0x1be: {  	s18 =	sld [smem:$0x7DF]  }
0x1bf: {  	s1 =	sld [smem:$0x7D1]  }
0x1c0: {  	[tilespmem:s12], [sflag:$0x1] =	stream.linear.gather [hbm4b:s19+s13], $0x80, $0x38;
	[tilespmem:$0x1880] =	vst v63  }
0x1c1: {  	s12 =	rddreg [dreg:$0x7]  }
0x1c2: {  	s19 =	rddreg [dreg:$0x8]  }
0x1c3: {  	[tilespmem:s2], [sflag:$0x1] =	stream.linear.gather [hbm4b:s11+s13], $0x80, $0x38;
	[tilespmem:$0x1880] =	vst v63  }
0x1c4: {  	s11 =	rddreg [dreg:$0x9]  }
0x1c5: {  	s2 =	rddreg [dreg:$0x16]  }
0x1c6: {  	[tilespmem:s8], [sflag:$0x1] =	stream.linear.gather [hbm4b:s12+s13], $0x80, $0x38;
	[tilespmem:$0x1880] =	vst v63  }
0x1c7: {  	s12 =	rddreg [dreg:$0xa]  }
0x1c8: {  	s8 =	rddreg [dreg:$0xf]  }
0x1c9: {  	[tilespmem:s5], [sflag:$0x1] =	stream.linear.gather [hbm4b:s19+s13], $0x80, $0x38;
	[tilespmem:$0x1880] =	vst v63  }
0x1ca: {  	s19 =	rddreg [dreg:$0xb]  }
0x1cb: {  	s5 =	rddreg [dreg:$0xc]  }
0x1cc: {  	[tilespmem:s3], [sflag:$0x1] =	stream.linear.gather [hbm4b:s11+s13], $0x80, $0x38;
	[tilespmem:$0x1880] =	vst v63  }
0x1cd: {  	s11 =	rddreg [dreg:$0x10]  }
0x1ce: {  	[tilespmem:s6], [sflag:$0x1] =	stream.linear.gather [hbm4b:s12+s13], $0x80, $0x38;
	[tilespmem:$0x1880] =	vst v63  }
0x1cf: {  	s3 =	rddreg [dreg:$0x17]  }
0x1d0: {  	[tilespmem:s7], [sflag:$0x1] =	stream.linear.gather [hbm4b:s19+s13], $0x80, $0x38;
	[tilespmem:$0x1880] =	vst v63  }
0x1d1: {  	s6 =	rddreg [dreg:$0xd]  }
0x1d2: {  	[tilespmem:s1], [sflag:$0x1] =	stream.linear.gather [hbm4b:s5+s13], $0x80, $0x38;
	[tilespmem:$0x1880] =	vst v63  }
0x1d3: {  	s12 =	rddreg [dreg:$0x11]  }
0x1d4: {  	[tilespmem:s0], [sflag:$0x1] =	stream.linear.gather [hbm4b:s6+s13], $0x80, $0x38;
	[tilespmem:$0x1880] =	vst v63  }
0x1d5: {  	s7 =	rddreg [dreg:$0xe]  }
0x1d6: {  	[tilespmem:s31], [sflag:$0x1] =	stream.linear.gather [hbm4b:s7+s13], $0x80, $0x38;
	[tilespmem:$0x1880] =	vst v63  }
0x1d7: {  	s19 =	rddreg [dreg:$0x12]  }
0x1d8: {  	[tilespmem:s30], [sflag:$0x1] =	stream.linear.gather [hbm4b:s8+s13], $0x80, $0x38;
	[tilespmem:$0x1880] =	vst v63  }
0x1d9: {  	s5 =	rddreg [dreg:$0x18]  }
0x1da: {  	[tilespmem:s29], [sflag:$0x1] =	stream.linear.gather [hbm4b:s11+s13], $0x80, $0x38;
	[tilespmem:$0x1880] =	vst v63  }
0x1db: {  	s6 =	rddreg [dreg:$0x19]  }
0x1dc: {  	[tilespmem:s28], [sflag:$0x1] =	stream.linear.gather [hbm4b:s12+s13], $0x80, $0x38;
	[tilespmem:$0x1880] =	vst v63  }
0x1dd: {  	s31 =	rddreg [dreg:$0x15]  }
0x1de: {  	[tilespmem:s26], [sflag:$0x1] =	stream.linear.gather [hbm4b:s19+s13], $0x80, $0x38;
	[tilespmem:$0x1880] =	vst v63  }
0x1df: {  	s29 =	rddreg [dreg:$0x13]  }
0x1e0: {  	[tilespmem:s25], [sflag:$0x1] =	stream.linear.gather [hbm4b:s29+s13], $0x80, $0x38;
	[tilespmem:$0x1880] =	vst v63  }
0x1e1: {  	s30 =	rddreg [dreg:$0x14]  }
0x1e2: {  	[tilespmem:s24], [sflag:$0x1] =	stream.linear.gather [hbm4b:s30+s13], $0x80, $0x38;
	[tilespmem:$0x1880] =	vst v63  }
0x1e3: {  	s7 =	rddreg [dreg:$0x1a]  }
0x1e4: {  	[tilespmem:s23], [sflag:$0x1] =	stream.linear.gather [hbm4b:s31+s13], $0x80, $0x38;
	[tilespmem:$0x1880] =	vst v63  }
0x1e5: {  	s8 =	rddreg [dreg:$0x1b]  }
0x1e6: {  	[tilespmem:s22], [sflag:$0x1] =	stream.linear.gather [hbm4b:s2+s13], $0x80, $0x38;
	[tilespmem:$0x1880] =	vst v63  }
0x1e7: {  	s11 =	rddreg [dreg:$0x1d]  }
0x1e8: {  	[tilespmem:s21], [sflag:$0x1] =	stream.linear.gather [hbm4b:s3+s13], $0x80, $0x38;
	[tilespmem:$0x1880] =	vst v63  }
0x1e9: {  	s12 =	rddreg [dreg:$0x1e]  }
0x1ea: {  	[tilespmem:s20], [sflag:$0x1] =	stream.linear.gather [hbm4b:s5+s13], $0x80, $0x38;
	[tilespmem:$0x1880] =	vst v63  }
0x1eb: {  	s19 =	sld [smem:$0x7EA]  }
0x1ec: {  	[tilespmem:s9], [sflag:$0x1] =	stream.linear.gather [hbm4b:s6+s13], $0x80, $0x38;
	[tilespmem:$0x1880] =	vst v63  }
0x1ed: {  	s23 =	sld [smem:$0x7C8]  }
0x1ee: {  	[tilespmem:s18], [sflag:$0x1] =	stream.linear.gather [hbm4b:s7+s13], $0x80, $0x38;
	[tilespmem:$0x1880] =	vst v63  }
0x1ef: {  	s20 =	sld [smem:$0x7C6]  }
0x1f0: {  	[tilespmem:s17], [sflag:$0x1] =	stream.linear.gather [hbm4b:s8+s13], $0x80, $0x38;
	[tilespmem:$0x1880] =	vst v63  }
0x1f1: {  	s9 =	rddreg [dreg:$0x1c]  }
0x1f2: {  	[tilespmem:s16], [sflag:$0x1] =	stream.linear.gather [hbm4b:s9+s13], $0x80, $0x38;
	[tilespmem:$0x1880] =	vst v63  }
0x1f3: {  	s18 =	sld [smem:$0x7C5]  }
0x1f4: {  	[tilespmem:s15], [sflag:$0x1] =	stream.linear.gather [hbm4b:s11+s13], $0x80, $0x38;
	[tilespmem:$0x1880] =	vst v63  }
0x1f5: {  	s16 =	sld [smem:$0x7E6]  }
0x1f6: {  	[tilespmem:s14], [sflag:$0x1] =	stream.linear.gather [hbm4b:s12+s13], $0x80, $0x38;
	[tilespmem:$0x1880] =	vst v63  }
0x1f7: {  	s15 =	rddreg [dreg:$0x1f]  }
0x1f8: {  	[tilespmem:s10], [sflag:$0x1] =	stream.linear.gather [hbm4b:s15+s13], $0x80, $0x38;
	[tilespmem:$0x1880] =	vst v63  }
0x1f9: {  	s17 =	sld [smem:$0x7E8]  }
0x1fa: {  	[tilespmem:s18], [sflag:$0x1] =	stream.linear.gather [hbm4b:s16+s13], $0x80, $0x38;
	[tilespmem:$0x1880] =	vst v63  }
0x1fb: {  	s22 =	sld [smem:$0x7C7]  }
0x1fc: {  	[tilespmem:s20], [sflag:$0x1] =	stream.linear.gather [hbm4b:s17+s13], $0x80, $0x38;
	[tilespmem:$0x1880] =	vst v63  }
0x1fd: {  	s21 =	sld [smem:$0x7EC]  }
0x1fe: {  	[tilespmem:s22], [sflag:$0x1] =	stream.linear.gather [hbm4b:s19+s13], $0x80, $0x38;
	[tilespmem:$0x1880] =	vst v63  }
0x1ff: {  	_ = 	snop  }
0x200: {  	[tilespmem:s23], [sflag:$0x1] =	stream.linear.gather [hbm4b:s21+s13], $0x80, $0x38;
	[tilespmem:$0x1880] =	vst v63  }
0x201: {  	_ =	swait.ge [sflag:s4], $0x200  }
0x202: {  	[sflag:s4] =	ssyncset.done $0x0  }
0x203: {  	[sflag:s4] =	ssyncadd.s32 $0xFFFFFE00  }
0x204: {  	_ =	swait.ge [sflag:s4], $0x200  }
0x205: {  	[sflag:s4] =	ssyncset.done $0x0  }
0x206: {  	[sflag:s4] =	ssyncadd.s32 $0xFFFFFE00  }
0x207: {  	_ =	swait.ge [sflag:s4], $0x200  }
0x208: {  	[sflag:s4] =	ssyncset.done $0x0  }
0x209: {  	[sflag:s4] =	ssyncadd.s32 $0xFFFFFE00  }
0x20a: {  	_ =	swait.ge [sflag:s4], $0x200  }
0x20b: {  	[sflag:s4] =	ssyncset.done $0x0  }
0x20c: {  	[sflag:s4] =	ssyncadd.s32 $0xFFFFFE00  }
0x20d: {  	_ =	swait.ge [sflag:s4], $0x200  }
0x20e: {  	[sflag:s4] =	ssyncset.done $0x0  }
0x20f: {  	[sflag:s4] =	ssyncadd.s32 $0xFFFFFE00  }
0x210: {  	_ =	swait.ge [sflag:s4], $0x200  }
0x211: {  	[sflag:s4] =	ssyncset.done $0x0  }
0x212: {  	[sflag:s4] =	ssyncadd.s32 $0xFFFFFE00  }
0x213: {  	_ =	swait.ge [sflag:s4], $0x200  }
0x214: {  	[sflag:s4] =	ssyncset.done $0x0  }
0x215: {  	[sflag:s4] =	ssyncadd.s32 $0xFFFFFE00  }
0x216: {  	_ =	swait.ge [sflag:s4], $0x200  }
0x217: {  	s20 =	sld [smem:$0x7FD]  }
0x218: {  	[sflag:s4] =	ssyncset.done $0x0  }
0x219: {  	[sflag:s4] =	ssyncadd.s32 $0xFFFFFE00  }
0x21a: {  	v6 =	vld [tilespmem:s20+$0x280];
	_ =	sdelay $0x4  }
0x21b: {  	v6 =	vtrunc.f32 v6  }
0x21c: {  	v6 =	vcvt.f32.s32 v6  }
0x21d: {  	vm5 =	vcmask $0x70C  }
0x21e: {  	v7 =	vsel vm5, $0x0, v6;
	vm5 =	vcmask $0x308  }
0x21f: {  	v8 =	vnsel vm0, $0x0, v6;
	v9 =	vsel vm5, $0x0, v6;
	vm5 =	vcmask $0xB10  }
0x220: {  	(xrf0) =	vadd.scan.msk.s32 $0xffff, v8;
	v10 =	vsel vm5, $0x0, v6;
	vm5 =	vcmask $0xF14  }
0x221: {  	(xrf0) =	vadd.scan.msk.s32 $0xffff, v9;
	v11 =	vsel vm5, $0x0, v6;
	vm5 =	vcmask $0x1318  }
0x222: {  	(xrf0) =	vadd.scan.msk.s32 $0xffff, v7;
	v12 =	vsel vm5, $0x0, v6;
	vm5 =	vcmask $0x171C  }
0x223: {  	(xrf0) =	vadd.scan.msk.s32 $0xffff, v10;
	v8 =	vsel vm5, $0x0, v6  }
0x224: {  	(xrf0) =	vadd.scan.msk.s32 $0xffff, v11  }
0x225: {  	(xrf0) =	vadd.scan.msk.s32 $0xffff, v12  }
0x226: {  	(xrf0) =	vadd.scan.msk.s32 $0xffff, v8;
	v8, _, _ =	vpop (xrf0)  }
0x227: {  	(v2sf) =	vpush v8, $0xF;
	v8, _, _ =	vpop (xrf0)  }
0x228: {  	vm5 =	vcmask $0x1B20;
	v10, _, _ =	vpop (xrf0);
	(v2sf) =	vpush v8, $0xF  }
0x229: {  	s9 =	sld [smem:$0x7FB];
	v9 =	vsel vm9, $0x0, v6;
	v13 =	vsel vm5, $0x0, v6;
	(v2sf) =	vpush v10, $0xF  }
0x22a: {  	s10 =	sld [smem:$0x7FA];
	v14 =	vsel vm8, $0x0, v6;
	(xrf0) =	vadd.scan.msk.s32 $0xffff, v13  }
0x22b: {  	s0 =	sld [smem:$0x7F9];
	(xrf0) =	vadd.scan.msk.s32 $0xffff, v14;
	v8, _, _ =	vpop (xrf0)  }
0x22c: {  	s1 =	sld [smem:$0x7F8];
	(xrf0) =	vadd.scan.msk.s32 $0xffff, v9;
	v9, _, _ =	vpop (xrf0);
	(v2sf) =	vpush v8, $0xF  }
0x22d: {  	s2 =	sld [smem:$0x7F7];
	(v2sf) =	vpush v9, $0xF  }
0x22e: {  	s14 =	sld [smem:$0x7F6];
	v10, _, _ =	vpop (xrf0)  }
0x22f: {  	s15 =	sld [smem:$0x7F5];
	(v2sf) =	vpush v10, $0xF  }
0x230: {  	s16 =	sld [smem:$0x7F4]  }
0x231: {  	s17 =	sld [smem:$0x7F3];
	v15 =	vsel vm10, $0x0, v6;
	v7 =	vsel vm12, $0x0, v6  }
0x232: {  	s18 =	sld [smem:$0x7F2];
	v16 =	vsel vm11, $0x0, v6;
	(xrf0) =	vadd.scan.msk.s32 $0xffff, v15;
	v8, _, _ =	vpop (xrf0)  }
0x233: {  	s3 =	sld [smem:$0x7F1];
	(xrf0) =	vadd.scan.msk.s32 $0xffff, v16;
	(v2sf) =	vpush v8, $0xF  }
0x234: {  	s5 =	sld [smem:$0x7F0];
	(xrf0) =	vadd.scan.msk.s32 $0xffff, v7;
	v7, _, _ =	vpop (xrf0)  }
0x235: {  	s6 =	sld [smem:$0x7EF];
	(v2sf) =	vpush v7, $0xF  }
0x236: {  	s21 =	simm.s32 $0x1000;
	s25 =	sld [smem:$0x7EE];
	v9, _, _ =	vpop (xrf0);
	s24 =	spop (v2sf)  }
0x237: {  	s19 =	rddreg [dreg:$0x0];
	(v2sf) =	vpush v9, $0xF;
	s7 =	sshll.u32 s24, $0x4;
	s26 =	spop (v2sf)  }
0x238: {  	v17 =	vsel vm13, $0x0, v6;
	v18 =	vsel vm14, $0x0, v6;
	v6 =	vsel vm15, $0x0, v6;
	s7 =	sand.u32 $0x1FFFFFF0, s7;
	s11 =	sshll.u32 s26, $0x4;
	s28 =	spop (v2sf)  }
0x239: {  	(xrf0) =	vadd.scan.msk.s32 $0xffff, v17;
	v11, _, _ =	vpop (xrf0);
	s7 =	sadd.s32 s19, s7;
	s11 =	sand.u32 $0x1FFFFFF0, s11;
	s12 =	sshll.u32 s28, $0x4  }
0x23a: {  	(xrf0) =	vadd.scan.msk.s32 $0xffff, v18;
	v9 =	vld [tilespmem:s20+$0x300];
	(v2sf) =	vpush v11, $0xF;
	[tilespmem:s21], [sflag:$0x1] =	stream.linear.gather [hbm4b:s7+s13], $0x80, $0x38  }
0x23b: {  	(xrf0) =	vadd.scan.msk.s32 $0xffff, v6;
	v6, _, _ =	vpop (xrf0);
	s31 =	spop (v2sf);
	s29 =	sadd.s32 s19, s11;
	s30 =	sand.u32 $0x1FFFFFF0, s12  }
0x23c: {  	v10, _, _ =	vpop (xrf0);
	(v2sf) =	vpush v6, $0xF;
	s23 =	sshll.u32 s31, $0x4;
	s24 =	spop (v2sf);
	s22 =	sadd.s32 s19, s30  }
0x23d: {  	(v2sf) =	vpush v10, $0xF;
	[tilespmem:s25], [sflag:$0x1] =	stream.linear.gather [hbm4b:s29+s13], $0x80, $0x38;
	[tilespmem:$0x1880] =	vst v63  }
0x23e: {  	s26 =	sshll.u32 s24, $0x4;
	s28 =	spop (v2sf);
	s25 =	sand.u32 $0x1FFFFFF0, s23  }
0x23f: {  	[tilespmem:s6], [sflag:$0x1] =	stream.linear.gather [hbm4b:s22+s13], $0x80, $0x38;
	[tilespmem:$0x1880] =	vst v63  }
0x240: {  	v49, _, _ =	vpop (xrf0);
	s7 =	sand.u32 $0x1FFFFFF0, s26;
	s8 =	sshll.u32 s28, $0x4;
	s6 =	sadd.s32 s19, s25  }
0x241: {  	v8, _, _ =	vpop (xrf0);
	(v2sf) =	vpush v49, $0xF;
	[tilespmem:s5], [sflag:$0x1] =	stream.linear.gather [hbm4b:s6+s13], $0x80, $0x38;
	[tilespmem:$0x1880] =	vst v63  }
0x242: {  	s31 =	spop (v2sf);
	(v2sf) =	vpush v8, $0xF;
	s29 =	sadd.s32 s19, s7;
	s30 =	sand.u32 $0x1FFFFFF0, s8  }
0x243: {  	v50, _, _ =	vpop (xrf0);
	[tilespmem:s3], [sflag:$0x1] =	stream.linear.gather [hbm4b:s29+s13], $0x80, $0x38;
	[tilespmem:$0x1880] =	vst v63  }
0x244: {  	s11 =	sshll.u32 s31, $0x4;
	s12 =	spop (v2sf);
	(v2sf) =	vpush v50, $0xF;
	s8 =	sadd.s32 s19, s30  }
0x245: {  	[tilespmem:s18], [sflag:$0x1] =	stream.linear.gather [hbm4b:s8+s13], $0x80, $0x38;
	[tilespmem:$0x1880] =	vst v63  }
0x246: {  	s22 =	sand.u32 $0x1FFFFFF0, s11;
	s23 =	sshll.u32 s12, $0x4;
	s24 =	spop (v2sf)  }
0x247: {  	v7, _, _ =	vpop (xrf0);
	s5 =	sand.u32 $0x1FFFFFF0, s23;
	s3 =	sadd.s32 s19, s22;
	s6 =	sshll.u32 s24, $0x4  }
0x248: {  	(v2sf) =	vpush v7, $0xF;
	[tilespmem:s17], [sflag:$0x1] =	stream.linear.gather [hbm4b:s3+s13], $0x80, $0x38;
	[tilespmem:$0x1880] =	vst v63  }
0x249: {  	s25 =	sadd.s32 s19, s5;
	s26 =	sand.u32 $0x1FFFFFF0, s6;
	s28 =	spop (v2sf)  }
0x24a: {  	[tilespmem:s16], [sflag:$0x1] =	stream.linear.gather [hbm4b:s25+s13], $0x80, $0x38;
	[tilespmem:$0x1880] =	vst v63  }
0x24b: {  	s29 =	sadd.s32 s19, s26;
	s30 =	sshll.u32 s28, $0x4;
	s31 =	spop (v2sf)  }
0x24c: {  	s5 =	sand.u32 $0x1FFFFFF0, s30;
	s7 =	sshll.u32 s31, $0x4;
	s8 =	spop (v2sf)  }
0x24d: {  	[tilespmem:s15], [sflag:$0x1] =	stream.linear.gather [hbm4b:s29+s13], $0x80, $0x38;
	[tilespmem:$0x1880] =	vst v63  }
0x24e: {  	s3 =	sadd.s32 s19, s5;
	s5 =	sand.u32 $0x1FFFFFF0, s7;
	s6 =	sshll.u32 s8, $0x4  }
0x24f: {  	[tilespmem:s14], [sflag:$0x1] =	stream.linear.gather [hbm4b:s3+s13], $0x80, $0x38;
	[tilespmem:$0x1880] =	vst v63  }
0x250: {  	s11 =	sadd.s32 s19, s5;
	s12 =	sand.u32 $0x1FFFFFF0, s6;
	s14 =	spop (v2sf)  }
0x251: {  	s15 =	sadd.s32 s19, s12;
	s16 =	sshll.u32 s14, $0x4;
	s17 =	spop (v2sf)  }
0x252: {  	[tilespmem:s2], [sflag:$0x1] =	stream.linear.gather [hbm4b:s11+s13], $0x80, $0x38;
	[tilespmem:$0x1880] =	vst v63  }
0x253: {  	s18 =	sand.u32 $0x1FFFFFF0, s16;
	s22 =	sshll.u32 s17, $0x4;
	s23 =	spop (v2sf)  }
0x254: {  	[tilespmem:s1], [sflag:$0x1] =	stream.linear.gather [hbm4b:s15+s13], $0x80, $0x38;
	[tilespmem:$0x1880] =	vst v63  }
0x255: {  	s2 =	sand.u32 $0x1FFFFFF0, s22;
	s3 =	sshll.u32 s23, $0x4;
	s1 =	sadd.s32 s19, s18  }
0x256: {  	[tilespmem:s0], [sflag:$0x1] =	stream.linear.gather [hbm4b:s1+s13], $0x80, $0x38;
	[tilespmem:$0x1880] =	vst v63  }
0x257: {  	s24 =	sadd.s32 s19, s2;
	s25 =	sand.u32 $0x1FFFFFF0, s3;
	s26 =	spop (v2sf)  }
0x258: {  	[tilespmem:s10], [sflag:$0x1] =	stream.linear.gather [hbm4b:s24+s13], $0x80, $0x38;
	[tilespmem:$0x1880] =	vst v63  }
0x259: {  	s30 =	sld [smem:$0x7FC];
	s28 =	sadd.s32 s19, s25;
	s29 =	sshll.u32 s26, $0x4  }
0x25a: {  	[tilespmem:s9], [sflag:$0x1] =	stream.linear.gather [hbm4b:s28+s13], $0x80, $0x38;
	[tilespmem:$0x1880] =	vst v63  }
0x25b: {  	s31 =	sand.u32 $0x1FFFFFF0, s29  }
0x25c: {  	s0 =	sadd.s32 s19, s31  }
0x25d: {  	[tilespmem:s30], [sflag:$0x1] =	stream.linear.gather [hbm4b:s0+s13], $0x80, $0x38;
	[tilespmem:$0x1880] =	vst v63  }
0x25e: {  	s0 =	sld [smem:$0x7C9];
	_ =	swait.ge [sflag:s4], $0x80  }
0x25f: {  	[sflag:s4] =	ssyncset.done $0x0  }
0x260: {  	[sflag:s4] =	ssyncadd.s32 $0xFFFFFF80  }
0x261: {  	_ =	swait.ge [sflag:s4], $0x80  }
0x262: {  	[sflag:s4] =	ssyncset.done $0x0  }
0x263: {  	[sflag:s4] =	ssyncadd.s32 $0xFFFFFF80  }
0x264: {  	_ =	swait.ge [sflag:s4], $0x80  }
0x265: {  	[sflag:s4] =	ssyncset.done $0x0  }
0x266: {  	[sflag:s4] =	ssyncadd.s32 $0xFFFFFF80  }
0x267: {  	_ =	swait.ge [sflag:s4], $0x80  }
0x268: {  	[sflag:s4] =	ssyncset.done $0x0  }
0x269: {  	[sflag:s4] =	ssyncadd.s32 $0xFFFFFF80  }
0x26a: {  	_ =	swait.ge [sflag:s4], $0x80  }
0x26b: {  	[sflag:s4] =	ssyncset.done $0x0  }
0x26c: {  	[sflag:s4] =	ssyncadd.s32 $0xFFFFFF80  }
0x26d: {  	_ =	swait.ge [sflag:s4], $0x80  }
0x26e: {  	[sflag:s4] =	ssyncset.done $0x0  }
0x26f: {  	[sflag:s4] =	ssyncadd.s32 $0xFFFFFF80  }
0x270: {  	_ =	swait.ge [sflag:s4], $0x80  }
0x271: {  	[sflag:s4] =	ssyncset.done $0x0  }
0x272: {  	[sflag:s4] =	ssyncadd.s32 $0xFFFFFF80  }
0x273: {  	_ =	swait.ge [sflag:s4], $0x80  }
0x274: {  	[sflag:s4] =	ssyncset.done $0x0  }
0x275: {  	[sflag:s4] =	ssyncadd.s32 $0xFFFFFF80  }
0x276: {  	_ =	swait.ge [sflag:s4], $0x80  }
0x277: {  	[sflag:s4] =	ssyncset.done $0x0  }
0x278: {  	[sflag:s4] =	ssyncadd.s32 $0xFFFFFF80  }
0x279: {  	_ =	swait.ge [sflag:s4], $0x80  }
0x27a: {  	[sflag:s4] =	ssyncset.done $0x0  }
0x27b: {  	[sflag:s4] =	ssyncadd.s32 $0xFFFFFF80  }
0x27c: {  	_ =	swait.ge [sflag:s4], $0x80  }
0x27d: {  	[sflag:s4] =	ssyncset.done $0x0  }
0x27e: {  	[sflag:s4] =	ssyncadd.s32 $0xFFFFFF80  }
0x27f: {  	_ =	swait.ge [sflag:s4], $0x80  }
0x280: {  	[sflag:s4] =	ssyncset.done $0x0  }
0x281: {  	[sflag:s4] =	ssyncadd.s32 $0xFFFFFF80  }
0x282: {  	_ =	swait.ge [sflag:s4], $0x80  }
0x283: {  	[sflag:s4] =	ssyncset.done $0x0  }
0x284: {  	[sflag:s4] =	ssyncadd.s32 $0xFFFFFF80  }
0x285: {  	_ =	swait.ge [sflag:s4], $0x80  }
0x286: {  	[sflag:s4] =	ssyncset.done $0x0  }
0x287: {  	[sflag:s4] =	ssyncadd.s32 $0xFFFFFF80  }
0x288: {  	_ =	swait.ge [sflag:s4], $0x80  }
0x289: {  	[sflag:s4] =	ssyncset.done $0x0  }
0x28a: {  	[sflag:s4] =	ssyncadd.s32 $0xFFFFFF80  }
0x28b: {  	_ =	swait.ge [sflag:s4], $0x80  }
0x28c: {  	[sflag:s4] =	ssyncset.done $0x0  }
0x28d: {  	[sflag:s4] =	ssyncadd.s32 $0xFFFFFF80  }
0x28e: {  	v7 =	vld.idx.msk [tilespmem:v0+s21+$0x0], $0xffff  }
0x28f: {  	v8 =	vld.idx.msk [tilespmem:v1+s21+$0x0], $0xffff;
	_ =	sdelay $0x3  }
0x290: {  	v7 =	vsub.f32 $0.0e+00, v7  }
0x291: {  	v8 =	vsub.f32 $0.0e+00, v8  }
0x292: {  	v7 =	vmul.f32 $1.442695020e+00, v7  }
0x293: {  	v8 =	vmul.f32 $1.442695020e+00, v8  }
0x294: {  	(erf) = vpow2.f32 v7  }
0x295: {  	(erf) = vpow2.f32 v8;
	_ =	sdelay $0x7  }
0x296: {  	v7 =	vpop (erf)  }
0x297: {  	v7 =	vadd.f32 $1.000000000e+00, v7;
	v8 =	vpop (erf)  }
0x298: {  	v8 =	vadd.f32 $1.000000000e+00, v8  }
0x299: {  	(erf) = vrcp.f32 v7  }
0x29a: {  	v6 =	vtrunc.f32 v9;
	v9 =	vld.idx.msk [tilespmem:v5+s21+$0x0], $0xffff;
	(erf) = vrcp.f32 v8  }
0x29b: {  	v10 =	vld.idx.msk [tilespmem:v2+s21+$0x0], $0xffff  }
0x29c: {  	v7 =	vld [tilespmem:s20+$0x100]  }
0x29d: {  	v8 =	vld [tilespmem:s20+$0x180];
	_ =	sdelay $0x1  }
0x29e: {  	v51 =	vld [tilespmem:s20+$0x80]  }
0x29f: {  	v11 =	vld [tilespmem:s20+$0x0]  }
0x2a0: {  	v6 =	vcvt.f32.s32 v6;
	v7 =	vsub.f32 v10, v7  }
0x2a1: {  	v8 =	vsub.f32 v9, v8;
	v9 =	vpop (erf)  }
0x2a2: {  	v6 =	vadd.s32 v3, v6;
	v55 =	vmul.f32 $5.000000000e-01, v7;
	v58 =	vand.u32 $0x7FFFFFFF, v7;
	v10 =	vpop (erf)  }
0x2a3: {  	v52 =	vmul.f32 $5.000000000e-01, v8;
	vm5 =	vlt.f32 v58, $1.000000000e+00;
	v10 =	vsub.f32 v10, v51  }
0x2a4: {  	v62 =	vadd.f32 $-5.000000000e-01, v58;
	v7 =	vmul.f32 v55, v7;
	v9 =	vsub.f32 v9, v11  }
0x2a5: {  	v11 =	vand.u32 $0x7FFFFFFF, v8;
	v8 =	vmul.f32 v52, v8;
	v57 =	vmul.f32 $5.000000000e-01, v10  }
0x2a6: {  	v63 =	vadd.f32 $-5.000000000e-01, v11;
	v54 =	vmul.f32 $5.000000000e-01, v9;
	v56 =	vand.u32 $0x7FFFFFFF, v10  }
0x2a7: {  	v53 =	vand.u32 $0x7FFFFFFF, v9;
	v59 =	vadd.f32 $-5.000000000e-01, v56;
	v10 =	vmul.f32 v57, v10  }
0x2a8: {  	v61 =	vld [tilespmem:s20+$0x200];
	v13 =	vadd.f32 $-5.000000000e-01, v53;
	v9 =	vmul.f32 v54, v9;
	vm7 =	vlt.f32 v56, $1.000000000e+00  }
0x2a9: {  	v6 =	vld.idx.msk [tilespmem:v6+s21+$0x0], $0xffff;
	vm6 =	vlt.f32 v53, $1.000000000e+00;
	v10 =	vsel vm7, v10, v59;
	vm7 =	vlt.f32 v11, $1.000000000e+00  }
0x2aa: {  	v60 =	vld.idx.msk [tilespmem:v4+s21+$0x0], $0xffff;
	v7 =	vsel vm5, v7, v62;
	v9 =	vsel vm6, v9, v13;
	v8 =	vsel vm7, v8, v63  }
0x2ab: {  	v7 =	vadd.f32 v8, v7;
	v8 =	vadd.f32 v10, v9;
	_ =	sdelay $0x1  }
0x2ac: {  	v8 =	vmul.f32 v8, v61  }
0x2ad: {  	(xrf2) =	vadd.scan.msk.f32 $0xffff, v61;
	v6 =	vmul.f32 v61, v6  }
0x2ae: {  	v9 =	vmul.f32 v61, v60;
	(xrf2) =	vadd.scan.msk.f32 $0xffff, v8  }
0x2af: {  	(xrf2) =	vadd.scan.msk.f32 $0xffff, v6  }
0x2b0: {  	(xrf2) =	vadd.scan.msk.f32 $0xffff, v9;
	_ =	sdelay $0x4  }
0x2b1: {  	v7 =	vmul.f32 v7, v61  }
.Ltmp1:
0x2b2: {  	_ = 	snop;
	(pc) =	sbr.rel @p0 .LBB2_1-.Ltmp1, $4  }
0x2b3: {  	v6, _, _ =	vpop (xrf2)  }
0x2b4: {  	v8, _, _ =	vpop (xrf2)  }
0x2b5: {  	(xrf2) =	vadd.scan.msk.f32 $0xffff, v7;
	v7, _, _ =	vpop (xrf2)  }
0x2b6: {  	v6 =	vbroadcast v6, $0xF;
	v9, _, _ =	vpop (xrf2)  }
.LBB2_2:
0x2b7: {  	_ =	sdelay $0x7  }
0x2b8: {  	v0, _, _ =	vpop (xrf2)  }
0x2b9: {  	v1 =	vbroadcast v8, $0xF;
	v0 =	vbroadcast v0, $0xF;
	_ =	sdelay $0x1  }
0x2ba: {  	v2 =	vbroadcast v9, $0xF;
	v1 =	vnsel vm0, $0x0, v1;
	v0 =	vnsel vm1, $0x0, v0  }
0x2bb: {  	v0 =	vadd.f32 v0, v1  }
0x2bc: {  	v62 =	vbroadcast v7, $0xF;
	v2 =	vnsel vm4, $0x0, v2  }
0x2bd: {  	v0 =	vadd.f32 v0, v2  }
0x2be: {  	v1 =	vnsel vm3, $0x0, v62  }
0x2bf: {  	v0 =	vadd.f32 v0, v1  }
0x2c0: {  	v63 =	vnsel vm2, $0x0, v6  }
0x2c1: {  	s0 =	sld [smem:$0x7ED];
	v0 =	vadd.f32 v0, v63;
	_ =	sdelay $0x1  }
0x2c2: {  	s1 =	rddreg [dreg:$0x4];
	s30 =	simm.s32 $0x2;
	[tilespmem:$0x1800] =	vst v0  }
0x2c3: {  	[hbm4b:s1+s13] =	stream.linear.scatter [tilespmem:s0], [sflag:$0x2], $0x80, $0x38;
	[tilespmem:$0x1880] =	vst v63  }
0x2c4: {  	_ =	swait.ge [sflag:s30], $0x80  }
0x2c5: {  	[sflag:s30] =	ssyncset.done $0x0  }
0x2c6: {  	[sflag:s30] =	ssyncadd.s32 $0xFFFFFF80  }
0x2c7: {  	_ =	sfence.sel $0x180000  }
0x2c8: {  	[bflag:$0x0] =	sbarrier.arrive $0xFFFF  }
0x2c9: {  	_ =	strace $0x90000047  }
0x2ca: {  	s31 =	stileid.u32;
	[bflag:$0x2] =	sbarrier.arrive $0xFFFF  }
0x2cb: {  	p0 =	sne.s32 s31, $0x0;
	s0 =	rddreg [dreg:$0x2]  }
0x2cc: {  	s0 =	sadd.s32 @!p0 $0x100000, s0  }
0x2cd: {  	[sflag:s0] =	ssyncadd.tile.s32 @!p0 $0x1;
	_ =	shalt  }
.Lfunc_end2:
_tile_overlayer_lowered:
.L_overlay_start_2:
0x2ce: {  	(tag) =	ssettag $0x2  }
0x2cf: {  	s0 =	rddreg [dreg:$0x0];
	s2 =	stileid.u32  }
0x2d0: {  	s1 =	rddreg [dreg:$0x1];
	p0 =	sne.s32 s2, $0x0  }
0x2d1: {  	s3 =	rddreg [dreg:$0x2];
	[bflag:$0x3] =	sbarrier.arrive $0xFFFF;
	s2 =	simm.s32 @!p0 $0x1C02  }
0x2d2: {  	[timem:s3], [sflag:s2] =	dma.local @!p0 [hbm:s0], s1  }
0x2d3: {  	s0 =	simm.s32 @!p0 $0x2  }
0x2d4: {  	_ =	swait.ge @!p0 [sflag:s0], s1  }
0x2d5: {  	s1 =	ssub.s32 @!p0 $0x0, s1;
	[sflag:s0] =	ssyncset.done @!p0 $0x0  }
0x2d6: {  	[sflag:s0] =	ssyncadd.s32 @!p0 s1  }
0x2d7: {  	[bflag:$0x3] =	sbarrier.arrive $0xFFFF  }
0x2d8: {  	_ =	shalt  }

</sc_bundles>
